<compile_context>
chip_gen: v7x
topology: tpu7x:2x2x1
jax: 0.10.2.dev20260603
libtpu: 0.0.44.dev20260713+nightly
codegen_flags: <defaults>
</compile_context>

<pallas_src>
import jax
import jax.numpy as jnp
from jax import lax
from jax.experimental import pallas as pl
from jax.experimental.pallas import tpu as pltpu
from jax.experimental.pallas import tpu_sc as plsc

N = 10000
D = 128
E = 320000
NC = 2
NS = 16
NW = NC * NS
L = 16
K = 80
C = 125
RPT = N // NS
ZR = 125


def _sc_body(x_hbm, src_hbm, dst_hbm, val_hbm, out_hbm,
             src_v, dst_v, val_v, rows_v, acc_sh, sem_g, sem_v, sem_s):
    c = lax.axis_index("c")
    s = lax.axis_index("s")
    w = c * NS + s

    pltpu.async_copy(src_hbm.at[w], src_v, sem_v)
    pltpu.async_copy(dst_hbm.at[w], dst_v, sem_v)

    def z_row(r, _):
        for q in range(D // L):
            rows_v[K + r, pl.ds(q * L, L)] = jnp.zeros((L,), jnp.float32)
        return 0
    lax.fori_loop(0, ZR, z_row, 0)

    pltpu.make_async_copy(src_hbm.at[w], src_v, sem_v).wait()
    pltpu.make_async_copy(dst_hbm.at[w], dst_v, sem_v).wait()

    pltpu.async_copy(val_hbm.at[w, 0], val_v.at[0], sem_v)
    pltpu.async_copy(x_hbm.at[src_v.at[0]], rows_v.at[pl.ds(0, K)], sem_g)

    for i in range(RPT // ZR):
        pltpu.async_copy(rows_v.at[pl.ds(K, ZR)],
                         acc_sh.at[pl.ds(s * RPT + i * ZR, ZR)], sem_s)
    for i in range(RPT // ZR):
        pltpu.make_async_copy(rows_v.at[pl.ds(K, ZR)],
                              acc_sh.at[pl.ds(s * RPT + i * ZR, ZR)],
                              sem_s).wait()

    plsc.subcore_barrier()


    def chunk(j, _):
        b = lax.rem(j, 3)
        nb = lax.rem(j + 1, 3)

        @pl.when(j > 1)
        def _():
            pltpu.make_async_copy(rows_v.at[pl.ds(nb * K, K)],
                                  acc_sh.at[dst_v.at[j - 2]], sem_s).wait()

        @pl.when(j + 1 < C)
        def _():
            pltpu.async_copy(val_hbm.at[w, j + 1], val_v.at[nb], sem_v)
            pltpu.async_copy(x_hbm.at[src_v.at[j + 1]],
                             rows_v.at[pl.ds(nb * K, K)], sem_g)

        pltpu.make_async_copy(val_hbm.at[w, j], val_v.at[b], sem_v).wait()
        pltpu.make_async_copy(x_hbm.at[src_v.at[j]],
                              rows_v.at[pl.ds(b * K, K)], sem_g).wait()

        def group(g, _):
            vals16 = val_v[b, pl.ds(g * L, L)]
            for t in range(L):
                vv = jnp.full((L,), vals16[t], jnp.float32)
                e = b * K + g * L + t
                got = [rows_v[e, pl.ds(q * L, L)] for q in range(D // L)]
                for q in range(D // L):
                    rows_v[e, pl.ds(q * L, L)] = got[q] * vv
            return 0
        lax.fori_loop(0, K // L, group, 0)

        pltpu.async_copy(rows_v.at[pl.ds(b * K, K)],
                         acc_sh.at[dst_v.at[j]], sem_s, add=True)
        return 0
    lax.fori_loop(0, C, chunk, 0)
    pltpu.make_async_copy(rows_v.at[pl.ds(((C - 2) % 3) * K, K)],
                          acc_sh.at[dst_v.at[C - 2]], sem_s).wait()
    pltpu.make_async_copy(rows_v.at[pl.ds(((C - 1) % 3) * K, K)],
                          acc_sh.at[dst_v.at[C - 1]], sem_s).wait()

    plsc.subcore_barrier()
    r0 = s * RPT
    pltpu.sync_copy(acc_sh.at[pl.ds(r0, RPT)], out_hbm.at[c, pl.ds(r0, RPT)])


_mesh = plsc.VectorSubcoreMesh(core_axis_name="c", subcore_axis_name="s")

_sc_call = pl.kernel(
    _sc_body,
    out_type=jax.ShapeDtypeStruct((NC, N, D), jnp.float32),
    mesh=_mesh,
    scratch_types=[
        pltpu.VMEM((C, K), jnp.int32),
        pltpu.VMEM((C, K), jnp.int32),
        pltpu.VMEM((3, K), jnp.float32),
        pltpu.VMEM((3 * K, D), jnp.float32),
        pltpu.VMEM_SHARED((N, D), jnp.float32),
        pltpu.SemaphoreType.DMA,
        pltpu.SemaphoreType.DMA,
        pltpu.SemaphoreType.DMA,
    ],
    compiler_params=pltpu.CompilerParams(
        use_tc_tiling_on_sc=False,
        disable_bounds_checks=True,
        disable_semaphore_checks=True,
    ),
)


def _add_body(p_ref, o_ref):
    o_ref[...] = p_ref[0] + p_ref[1]


_tc_add = pl.pallas_call(
    _add_body,
    out_shape=jax.ShapeDtypeStruct((N, D), jnp.float32),
)


def kernel(x, edge_index, edge_values):
    src = edge_index[1].reshape(NW, C, K)
    dst = edge_index[0].reshape(NW, C, K)
    val = edge_values.reshape(NW, C, K)
    partials = _sc_call(x, src, dst, val)
    return _tc_add(partials)

# --- scband reference (transcript-rebuilt; emitter-appended) ---
"""Pipeline reference for scband-message-passing-2826088481288 (READ-ONLY COPY).

The authoritative reference and input builder live on the scoring server;
editing this copy changes nothing except your own understanding.
"""

import jax, jax.numpy as jnp
import numpy as np


def setup_inputs(seed: int = 0) -> dict:
    key = jax.random.key(seed)
    k1, k2, k3 = jax.random.split(key, 3)
    N, E, D = 10000, 320000, 128
    x = jax.random.normal(k1, (N, D), dtype=jnp.float32)
    # COO representation of the sparse neighborhood matrix:
    # row 0 = target_index_i (dst), row 1 = source_index_j (src)
    edge_index = jax.random.randint(k2, (2, E), 0, N, dtype=jnp.int32)
    edge_values = jax.random.uniform(k3, (E,), dtype=jnp.float32)
    return {"x": x, "edge_index": edge_index, "edge_values": edge_values}


def reference(x, edge_index, edge_values):
    # Faithful translation of MessagePassing.propagate with aggr_func='sum'.
    # neighborhood.indices() -> (target_index_i, source_index_j)
    target_index_i = edge_index[0]
    source_index_j = edge_index[1]
    # message() is abstract in the base class (no weight): identity.
    # sparsify_message: gather source-cell features (x.index_select(-2, j))
    msg = jnp.take(x, source_index_j, axis=0)
    # scale by the sparse neighborhood values: values.view(-1, 1) * x
    msg = edge_values[:, None] * msg
    # aggregate: scatter-sum onto target cells
    out = jax.ops.segment_sum(msg, target_index_i, num_segments=x.shape[0])
    return out

if __name__ == "__main__":
    import jax
    _d = setup_inputs()
    print(jax.jit(kernel)(*tuple(_d.values())))

</pallas_src>

<mosaic_0001>
#map = affine_map<(d0, d1) -> (0, 0)>
#map1 = affine_map<(d0, d1) -> (0, 0, 0)>
module attributes {stable_mosaic.version = 14 : i64} {
  func.func @_sc_body(%arg0: i32, %arg1: i32, %arg2: memref<10000x128xf32, #tpu.memory_space<hbm>>, %arg3: memref<32x125x80xi32, #tpu.memory_space<hbm>>, %arg4: memref<32x125x80xi32, #tpu.memory_space<hbm>>, %arg5: memref<32x125x80xf32, #tpu.memory_space<hbm>>, %arg6: memref<2x10000x128xf32, #tpu.memory_space<hbm>>, %arg7: memref<125x80xi32, #tpu.memory_space<vmem>>, %arg8: memref<125x80xi32, #tpu.memory_space<vmem>>, %arg9: memref<3x80xf32, #tpu.memory_space<vmem>>, %arg10: memref<240x128xf32, #tpu.memory_space<vmem>>, %arg11: memref<10000x128xf32, #tpu.memory_space<vmem_shared>>, %arg12: memref<!tpu.dma_semaphore, #tpu.memory_space<semaphore_mem>>, %arg13: memref<!tpu.dma_semaphore, #tpu.memory_space<semaphore_mem>>, %arg14: memref<!tpu.dma_semaphore, #tpu.memory_space<semaphore_mem>>) attributes {dimension_semantics = [#tpu.dimension_semantics<core_parallel>, #tpu.dimension_semantics<subcore_parallel>], iteration_bounds = array<i64: 2, 16>, scalar_prefetch = 0 : i64, scratch_operands = 8 : i64, tpu.core_type = #tpu.core_type<sc_vector_subcore>, window_params = [{transform_indices = #map}, {transform_indices = #map1}, {transform_indices = #map1}, {transform_indices = #map1}, {transform_indices = #map1}]} {
    %mul3A = arith.constant 16 : i32
    %mul3A_0 = arith.muli %arg0, %mul3A : i32
    %add3A = arith.addi %mul3A_0, %arg1 : i32
    %dma_start3A = arith.constant 0 : i32
    %dma_start3A_1 = arith.constant 0 : i32
    %dma_start3A_2 = tpu.memref_slice %arg3[%add3A, %dma_start3A, %dma_start3A_1] : memref<32x125x80xi32, #tpu.memory_space<hbm>> -> memref<1x125x80xi32, #tpu.memory_space<hbm>>
    %dma_start3A_3 = tpu.memref_squeeze %dma_start3A_2 : memref<1x125x80xi32, #tpu.memory_space<hbm>> -> memref<125x80xi32, #tpu.memory_space<hbm>>
    %dma_start3A_4 = arith.constant 0 : i32
    %dma_start3A_5 = arith.constant 0 : i32
    %dma_start3A_6 = tpu.memref_slice %arg3[%add3A, %dma_start3A_4, %dma_start3A_5] : memref<32x125x80xi32, #tpu.memory_space<hbm>> -> memref<1x125x80xi32, #tpu.memory_space<hbm>>
    %dma_start3A_7 = tpu.memref_squeeze %dma_start3A_6 : memref<1x125x80xi32, #tpu.memory_space<hbm>> -> memref<125x80xi32, #tpu.memory_space<hbm>>
    tpu.enqueue_dma source(%dma_start3A_7 : memref<125x80xi32, #tpu.memory_space<hbm>>) target(%arg7 : memref<125x80xi32, #tpu.memory_space<vmem>>) target_semaphore(%arg13 : memref<!tpu.dma_semaphore, #tpu.memory_space<semaphore_mem>>)
    %dma_start3A_8 = arith.constant 0 : i32
    %dma_start3A_9 = arith.constant 0 : i32
    %dma_start3A_10 = tpu.memref_slice %arg4[%add3A, %dma_start3A_8, %dma_start3A_9] : memref<32x125x80xi32, #tpu.memory_space<hbm>> -> memref<1x125x80xi32, #tpu.memory_space<hbm>>
    %dma_start3A_11 = tpu.memref_squeeze %dma_start3A_10 : memref<1x125x80xi32, #tpu.memory_space<hbm>> -> memref<125x80xi32, #tpu.memory_space<hbm>>
    %dma_start3A_12 = arith.constant 0 : i32
    %dma_start3A_13 = arith.constant 0 : i32
    %dma_start3A_14 = tpu.memref_slice %arg4[%add3A, %dma_start3A_12, %dma_start3A_13] : memref<32x125x80xi32, #tpu.memory_space<hbm>> -> memref<1x125x80xi32, #tpu.memory_space<hbm>>
    %dma_start3A_15 = tpu.memref_squeeze %dma_start3A_14 : memref<1x125x80xi32, #tpu.memory_space<hbm>> -> memref<125x80xi32, #tpu.memory_space<hbm>>
    tpu.enqueue_dma source(%dma_start3A_15 : memref<125x80xi32, #tpu.memory_space<hbm>>) target(%arg8 : memref<125x80xi32, #tpu.memory_space<vmem>>) target_semaphore(%arg13 : memref<!tpu.dma_semaphore, #tpu.memory_space<semaphore_mem>>)
    %scan3A = arith.constant 0 : i32
    %scan3A_16 = arith.constant 0 : i32
    %scan3A_17 = arith.constant 125 : i32
    %scan3A_18 = arith.addi %scan3A_16, %scan3A_17 : i32
    %scan3A_19 = arith.constant 1 : i32
    %scan3A_20 = scf.for %scan3A_231 = %scan3A_16 to %scan3A_18 step %scan3A_19 iter_args(%scan3A_232 = %scan3A) -> (i32)  : i32 {
      %broadcast_in_dim3A = arith.constant 0.000000e+00 : f32
      %broadcast_in_dim3A_233 = vector.broadcast %broadcast_in_dim3A : f32 to vector<16xf32>
      %add3A_234 = arith.constant 80 : i32
      %add3A_235 = arith.addi %add3A_234, %scan3A_231 : i32
      %swap3A = arith.index_cast %add3A_235 : i32 to index
      %swap3A_236 = arith.constant 0 : index
      %swap3A_237 = tpu.vector_load %arg10[%swap3A, %swap3A_236] {strides = array<i32>} : memref<240x128xf32, #tpu.memory_space<vmem>>, vector<1x16xf32>,
      %swap3A_238 = vector.shape_cast %swap3A_237 : vector<1x16xf32> to vector<16xf32>
      %swap3A_239 = vector.shape_cast %broadcast_in_dim3A_233 : vector<16xf32> to vector<1x16xf32>
      tpu.vector_store %arg10[%swap3A, %swap3A_236], %swap3A_239 {strides = array<i32>} : memref<240x128xf32, #tpu.memory_space<vmem>>, vector<1x16xf32>,
      %broadcast_in_dim3A_240 = arith.constant 0.000000e+00 : f32
      %broadcast_in_dim3A_241 = vector.broadcast %broadcast_in_dim3A_240 : f32 to vector<16xf32>
      %add3A_242 = arith.constant 80 : i32
      %add3A_243 = arith.addi %add3A_242, %scan3A_231 : i32
      %swap3A_244 = arith.index_cast %add3A_243 : i32 to index
      %swap3A_245 = arith.constant 16 : index
      %swap3A_246 = tpu.vector_load %arg10[%swap3A_244, %swap3A_245] {strides = array<i32>} : memref<240x128xf32, #tpu.memory_space<vmem>>, vector<1x16xf32>,
      %swap3A_247 = vector.shape_cast %swap3A_246 : vector<1x16xf32> to vector<16xf32>
      %swap3A_248 = vector.shape_cast %broadcast_in_dim3A_241 : vector<16xf32> to vector<1x16xf32>
      tpu.vector_store %arg10[%swap3A_244, %swap3A_245], %swap3A_248 {strides = array<i32>} : memref<240x128xf32, #tpu.memory_space<vmem>>, vector<1x16xf32>,
      %broadcast_in_dim3A_249 = arith.constant 0.000000e+00 : f32
      %broadcast_in_dim3A_250 = vector.broadcast %broadcast_in_dim3A_249 : f32 to vector<16xf32>
      %add3A_251 = arith.constant 80 : i32
      %add3A_252 = arith.addi %add3A_251, %scan3A_231 : i32
      %swap3A_253 = arith.index_cast %add3A_252 : i32 to index
      %swap3A_254 = arith.constant 32 : index
      %swap3A_255 = tpu.vector_load %arg10[%swap3A_253, %swap3A_254] {strides = array<i32>} : memref<240x128xf32, #tpu.memory_space<vmem>>, vector<1x16xf32>,
      %swap3A_256 = vector.shape_cast %swap3A_255 : vector<1x16xf32> to vector<16xf32>
      %swap3A_257 = vector.shape_cast %broadcast_in_dim3A_250 : vector<16xf32> to vector<1x16xf32>
      tpu.vector_store %arg10[%swap3A_253, %swap3A_254], %swap3A_257 {strides = array<i32>} : memref<240x128xf32, #tpu.memory_space<vmem>>, vector<1x16xf32>,
      %broadcast_in_dim3A_258 = arith.constant 0.000000e+00 : f32
      %broadcast_in_dim3A_259 = vector.broadcast %broadcast_in_dim3A_258 : f32 to vector<16xf32>
      %add3A_260 = arith.constant 80 : i32
      %add3A_261 = arith.addi %add3A_260, %scan3A_231 : i32
      %swap3A_262 = arith.index_cast %add3A_261 : i32 to index
      %swap3A_263 = arith.constant 48 : index
      %swap3A_264 = tpu.vector_load %arg10[%swap3A_262, %swap3A_263] {strides = array<i32>} : memref<240x128xf32, #tpu.memory_space<vmem>>, vector<1x16xf32>,
      %swap3A_265 = vector.shape_cast %swap3A_264 : vector<1x16xf32> to vector<16xf32>
      %swap3A_266 = vector.shape_cast %broadcast_in_dim3A_259 : vector<16xf32> to vector<1x16xf32>
      tpu.vector_store %arg10[%swap3A_262, %swap3A_263], %swap3A_266 {strides = array<i32>} : memref<240x128xf32, #tpu.memory_space<vmem>>, vector<1x16xf32>,
      %broadcast_in_dim3A_267 = arith.constant 0.000000e+00 : f32
      %broadcast_in_dim3A_268 = vector.broadcast %broadcast_in_dim3A_267 : f32 to vector<16xf32>
      %add3A_269 = arith.constant 80 : i32
      %add3A_270 = arith.addi %add3A_269, %scan3A_231 : i32
      %swap3A_271 = arith.index_cast %add3A_270 : i32 to index
      %swap3A_272 = arith.constant 64 : index
      %swap3A_273 = tpu.vector_load %arg10[%swap3A_271, %swap3A_272] {strides = array<i32>} : memref<240x128xf32, #tpu.memory_space<vmem>>, vector<1x16xf32>,
      %swap3A_274 = vector.shape_cast %swap3A_273 : vector<1x16xf32> to vector<16xf32>
      %swap3A_275 = vector.shape_cast %broadcast_in_dim3A_268 : vector<16xf32> to vector<1x16xf32>
      tpu.vector_store %arg10[%swap3A_271, %swap3A_272], %swap3A_275 {strides = array<i32>} : memref<240x128xf32, #tpu.memory_space<vmem>>, vector<1x16xf32>,
      %broadcast_in_dim3A_276 = arith.constant 0.000000e+00 : f32
      %broadcast_in_dim3A_277 = vector.broadcast %broadcast_in_dim3A_276 : f32 to vector<16xf32>
      %add3A_278 = arith.constant 80 : i32
      %add3A_279 = arith.addi %add3A_278, %scan3A_231 : i32
      %swap3A_280 = arith.index_cast %add3A_279 : i32 to index
      %swap3A_281 = arith.constant 80 : index
      %swap3A_282 = tpu.vector_load %arg10[%swap3A_280, %swap3A_281] {strides = array<i32>} : memref<240x128xf32, #tpu.memory_space<vmem>>, vector<1x16xf32>,
      %swap3A_283 = vector.shape_cast %swap3A_282 : vector<1x16xf32> to vector<16xf32>
      %swap3A_284 = vector.shape_cast %broadcast_in_dim3A_277 : vector<16xf32> to vector<1x16xf32>
      tpu.vector_store %arg10[%swap3A_280, %swap3A_281], %swap3A_284 {strides = array<i32>} : memref<240x128xf32, #tpu.memory_space<vmem>>, vector<1x16xf32>,
      %broadcast_in_dim3A_285 = arith.constant 0.000000e+00 : f32
      %broadcast_in_dim3A_286 = vector.broadcast %broadcast_in_dim3A_285 : f32 to vector<16xf32>
      %add3A_287 = arith.constant 80 : i32
      %add3A_288 = arith.addi %add3A_287, %scan3A_231 : i32
      %swap3A_289 = arith.index_cast %add3A_288 : i32 to index
      %swap3A_290 = arith.constant 96 : index
      %swap3A_291 = tpu.vector_load %arg10[%swap3A_289, %swap3A_290] {strides = array<i32>} : memref<240x128xf32, #tpu.memory_space<vmem>>, vector<1x16xf32>,
      %swap3A_292 = vector.shape_cast %swap3A_291 : vector<1x16xf32> to vector<16xf32>
      %swap3A_293 = vector.shape_cast %broadcast_in_dim3A_286 : vector<16xf32> to vector<1x16xf32>
      tpu.vector_store %arg10[%swap3A_289, %swap3A_290], %swap3A_293 {strides = array<i32>} : memref<240x128xf32, #tpu.memory_space<vmem>>, vector<1x16xf32>,
      %broadcast_in_dim3A_294 = arith.constant 0.000000e+00 : f32
      %broadcast_in_dim3A_295 = vector.broadcast %broadcast_in_dim3A_294 : f32 to vector<16xf32>
      %add3A_296 = arith.constant 80 : i32
      %add3A_297 = arith.addi %add3A_296, %scan3A_231 : i32
      %swap3A_298 = arith.index_cast %add3A_297 : i32 to index
      %swap3A_299 = arith.constant 112 : index
      %swap3A_300 = tpu.vector_load %arg10[%swap3A_298, %swap3A_299] {strides = array<i32>} : memref<240x128xf32, #tpu.memory_space<vmem>>, vector<1x16xf32>,
      %swap3A_301 = vector.shape_cast %swap3A_300 : vector<1x16xf32> to vector<16xf32>
      %swap3A_302 = vector.shape_cast %broadcast_in_dim3A_295 : vector<16xf32> to vector<1x16xf32>
      tpu.vector_store %arg10[%swap3A_298, %swap3A_299], %swap3A_302 {strides = array<i32>} : memref<240x128xf32, #tpu.memory_space<vmem>>, vector<1x16xf32>,
      %scan3A_303 = arith.constant 0 : i32
      scf.yield %scan3A_303 : i32
    }
    %scan3A_21 = arith.constant 125 : i32
    %dma_wait3A = arith.constant 0 : i32
    %dma_wait3A_22 = arith.constant 0 : i32
    %dma_wait3A_23 = tpu.memref_slice %arg3[%add3A, %dma_wait3A, %dma_wait3A_22] : memref<32x125x80xi32, #tpu.memory_space<hbm>> -> memref<1x125x80xi32, #tpu.memory_space<hbm>>
    %dma_wait3A_24 = tpu.memref_squeeze %dma_wait3A_23 : memref<1x125x80xi32, #tpu.memory_space<hbm>> -> memref<125x80xi32, #tpu.memory_space<hbm>>
    %dma_wait3A_25 = arith.constant 0 : i32
    %dma_wait3A_26 = arith.constant 0 : i32
    %dma_wait3A_27 = tpu.memref_slice %arg3[%add3A, %dma_wait3A_25, %dma_wait3A_26] : memref<32x125x80xi32, #tpu.memory_space<hbm>> -> memref<1x125x80xi32, #tpu.memory_space<hbm>>
    %dma_wait3A_28 = tpu.memref_squeeze %dma_wait3A_27 : memref<1x125x80xi32, #tpu.memory_space<hbm>> -> memref<125x80xi32, #tpu.memory_space<hbm>>
    tpu.wait_dma2 semaphore(%arg13 : memref<!tpu.dma_semaphore, #tpu.memory_space<semaphore_mem>>) src(%dma_wait3A_28 : memref<125x80xi32, #tpu.memory_space<hbm>>) dst(%arg7 : memref<125x80xi32, #tpu.memory_space<vmem>>)
    %dma_wait3A_29 = arith.constant 0 : i32
    %dma_wait3A_30 = arith.constant 0 : i32
    %dma_wait3A_31 = tpu.memref_slice %arg4[%add3A, %dma_wait3A_29, %dma_wait3A_30] : memref<32x125x80xi32, #tpu.memory_space<hbm>> -> memref<1x125x80xi32, #tpu.memory_space<hbm>>
    %dma_wait3A_32 = tpu.memref_squeeze %dma_wait3A_31 : memref<1x125x80xi32, #tpu.memory_space<hbm>> -> memref<125x80xi32, #tpu.memory_space<hbm>>
    %dma_wait3A_33 = arith.constant 0 : i32
    %dma_wait3A_34 = arith.constant 0 : i32
    %dma_wait3A_35 = tpu.memref_slice %arg4[%add3A, %dma_wait3A_33, %dma_wait3A_34] : memref<32x125x80xi32, #tpu.memory_space<hbm>> -> memref<1x125x80xi32, #tpu.memory_space<hbm>>
    %dma_wait3A_36 = tpu.memref_squeeze %dma_wait3A_35 : memref<1x125x80xi32, #tpu.memory_space<hbm>> -> memref<125x80xi32, #tpu.memory_space<hbm>>
    tpu.wait_dma2 semaphore(%arg13 : memref<!tpu.dma_semaphore, #tpu.memory_space<semaphore_mem>>) src(%dma_wait3A_36 : memref<125x80xi32, #tpu.memory_space<hbm>>) dst(%arg8 : memref<125x80xi32, #tpu.memory_space<vmem>>)
    %dma_start3A_37 = arith.constant 0 : i32
    %dma_start3A_38 = arith.constant 0 : i32
    %dma_start3A_39 = arith.constant 0 : i32
    %dma_start3A_40 = tpu.memref_slice %arg9[%dma_start3A_38, %dma_start3A_39] : memref<3x80xf32, #tpu.memory_space<vmem>> -> memref<1x80xf32, #tpu.memory_space<vmem>>
    %dma_start3A_41 = tpu.memref_squeeze %dma_start3A_40 : memref<1x80xf32, #tpu.memory_space<vmem>> -> memref<80xf32, #tpu.memory_space<vmem>>
    %dma_start3A_42 = arith.constant 0 : i32
    %dma_start3A_43 = tpu.memref_slice %arg5[%add3A, %dma_start3A_37, %dma_start3A_42] : memref<32x125x80xf32, #tpu.memory_space<hbm>> -> memref<1x1x80xf32, #tpu.memory_space<hbm>>
    %dma_start3A_44 = tpu.memref_squeeze %dma_start3A_43 : memref<1x1x80xf32, #tpu.memory_space<hbm>> -> memref<80xf32, #tpu.memory_space<hbm>>
    %dma_start3A_45 = arith.constant 0 : i32
    %dma_start3A_46 = tpu.memref_slice %arg9[%dma_start3A_38, %dma_start3A_45] : memref<3x80xf32, #tpu.memory_space<vmem>> -> memref<1x80xf32, #tpu.memory_space<vmem>>
    %dma_start3A_47 = tpu.memref_squeeze %dma_start3A_46 : memref<1x80xf32, #tpu.memory_space<vmem>> -> memref<80xf32, #tpu.memory_space<vmem>>
    %dma_start3A_48 = arith.constant 0 : i32
    %dma_start3A_49 = tpu.memref_slice %arg5[%add3A, %dma_start3A_37, %dma_start3A_48] : memref<32x125x80xf32, #tpu.memory_space<hbm>> -> memref<1x1x80xf32, #tpu.memory_space<hbm>>
    %dma_start3A_50 = tpu.memref_squeeze %dma_start3A_49 : memref<1x1x80xf32, #tpu.memory_space<hbm>> -> memref<80xf32, #tpu.memory_space<hbm>>
    tpu.enqueue_dma source(%dma_start3A_50 : memref<80xf32, #tpu.memory_space<hbm>>) target(%dma_start3A_47 : memref<80xf32, #tpu.memory_space<vmem>>) target_semaphore(%arg13 : memref<!tpu.dma_semaphore, #tpu.memory_space<semaphore_mem>>)
    %dma_start3A_51 = arith.constant 0 : i32
    %dma_start3A_52 = arith.constant 0 : i32
    %dma_start3A_53 = arith.constant 0 : i32
    %dma_start3A_54 = tpu.memref_slice %arg10[%dma_start3A_52, %dma_start3A_53] : memref<240x128xf32, #tpu.memory_space<vmem>> -> memref<80x128xf32, #tpu.memory_space<vmem>>
    %dma_start3A_55 = arith.constant 0 : i32
    %dma_start3A_56 = tpu.memref_slice %arg7[%dma_start3A_51, %dma_start3A_55] : memref<125x80xi32, #tpu.memory_space<vmem>> -> memref<1x80xi32, #tpu.memory_space<vmem>>
    %dma_start3A_57 = tpu.memref_squeeze %dma_start3A_56 : memref<1x80xi32, #tpu.memory_space<vmem>> -> memref<80xi32, #tpu.memory_space<vmem>>
    %dma_start3A_58 = arith.constant 0 : i32
    %dma_start3A_59 = arith.constant 0 : i32
    %dma_start3A_60 = tpu.memref_slice %arg2[%dma_start3A_58, %dma_start3A_59] : memref<10000x128xf32, #tpu.memory_space<hbm>> -> memref<10000x128xf32, #tpu.memory_space<hbm>>
    tpu.enqueue_indirect_dma source(%dma_start3A_60 : memref<10000x128xf32, #tpu.memory_space<hbm>>) target(%dma_start3A_54 : memref<80x128xf32, #tpu.memory_space<vmem>>) offsets(%dma_start3A_57 : memref<80xi32, #tpu.memory_space<vmem>>) semaphore(%arg12 : memref<!tpu.dma_semaphore, #tpu.memory_space<semaphore_mem>>)
    %mul3A_61 = arith.constant 625 : i32
    %mul3A_62 = arith.muli %arg1, %mul3A_61 : i32
    %add3A_63 = arith.constant 0 : i32
    %add3A_64 = arith.addi %mul3A_62, %add3A_63 : i32
    %dma_start3A_65 = arith.constant 80 : i32
    %dma_start3A_66 = arith.constant 0 : i32
    %dma_start3A_67 = tpu.memref_slice %arg10[%dma_start3A_65, %dma_start3A_66] : memref<240x128xf32, #tpu.memory_space<vmem>> -> memref<125x128xf32, #tpu.memory_space<vmem>>
    %dma_start3A_68 = arith.constant 0 : i32
    %dma_start3A_69 = tpu.memref_slice %arg11[%add3A_64, %dma_start3A_68] : memref<10000x128xf32, #tpu.memory_space<vmem_shared>> -> memref<125x128xf32, #tpu.memory_space<vmem_shared>>
    %dma_start3A_70 = arith.constant 0 : i32
    %dma_start3A_71 = tpu.memref_slice %arg11[%add3A_64, %dma_start3A_70] : memref<10000x128xf32, #tpu.memory_space<vmem_shared>> -> memref<125x128xf32, #tpu.memory_space<vmem_shared>>
    %dma_start3A_72 = arith.constant 80 : i32
    %dma_start3A_73 = arith.constant 0 : i32
    %dma_start3A_74 = tpu.memref_slice %arg10[%dma_start3A_72, %dma_start3A_73] : memref<240x128xf32, #tpu.memory_space<vmem>> -> memref<125x128xf32, #tpu.memory_space<vmem>>
    tpu.enqueue_dma source(%dma_start3A_74 : memref<125x128xf32, #tpu.memory_space<vmem>>) target(%dma_start3A_71 : memref<125x128xf32, #tpu.memory_space<vmem_shared>>) target_semaphore(%arg14 : memref<!tpu.dma_semaphore, #tpu.memory_space<semaphore_mem>>)
    %mul3A_75 = arith.constant 625 : i32
    %mul3A_76 = arith.muli %arg1, %mul3A_75 : i32
    %add3A_77 = arith.constant 125 : i32
    %add3A_78 = arith.addi %mul3A_76, %add3A_77 : i32
    %dma_start3A_79 = arith.constant 80 : i32
    %dma_start3A_80 = arith.constant 0 : i32
    %dma_start3A_81 = tpu.memref_slice %arg10[%dma_start3A_79, %dma_start3A_80] : memref<240x128xf32, #tpu.memory_space<vmem>> -> memref<125x128xf32, #tpu.memory_space<vmem>>
    %dma_start3A_82 = arith.constant 0 : i32
    %dma_start3A_83 = tpu.memref_slice %arg11[%add3A_78, %dma_start3A_82] : memref<10000x128xf32, #tpu.memory_space<vmem_shared>> -> memref<125x128xf32, #tpu.memory_space<vmem_shared>>
    %dma_start3A_84 = arith.constant 0 : i32
    %dma_start3A_85 = tpu.memref_slice %arg11[%add3A_78, %dma_start3A_84] : memref<10000x128xf32, #tpu.memory_space<vmem_shared>> -> memref<125x128xf32, #tpu.memory_space<vmem_shared>>
    %dma_start3A_86 = arith.constant 80 : i32
    %dma_start3A_87 = arith.constant 0 : i32
    %dma_start3A_88 = tpu.memref_slice %arg10[%dma_start3A_86, %dma_start3A_87] : memref<240x128xf32, #tpu.memory_space<vmem>> -> memref<125x128xf32, #tpu.memory_space<vmem>>
    tpu.enqueue_dma source(%dma_start3A_88 : memref<125x128xf32, #tpu.memory_space<vmem>>) target(%dma_start3A_85 : memref<125x128xf32, #tpu.memory_space<vmem_shared>>) target_semaphore(%arg14 : memref<!tpu.dma_semaphore, #tpu.memory_space<semaphore_mem>>)
    %mul3A_89 = arith.constant 625 : i32
    %mul3A_90 = arith.muli %arg1, %mul3A_89 : i32
    %add3A_91 = arith.constant 250 : i32
    %add3A_92 = arith.addi %mul3A_90, %add3A_91 : i32
    %dma_start3A_93 = arith.constant 80 : i32
    %dma_start3A_94 = arith.constant 0 : i32
    %dma_start3A_95 = tpu.memref_slice %arg10[%dma_start3A_93, %dma_start3A_94] : memref<240x128xf32, #tpu.memory_space<vmem>> -> memref<125x128xf32, #tpu.memory_space<vmem>>
    %dma_start3A_96 = arith.constant 0 : i32
    %dma_start3A_97 = tpu.memref_slice %arg11[%add3A_92, %dma_start3A_96] : memref<10000x128xf32, #tpu.memory_space<vmem_shared>> -> memref<125x128xf32, #tpu.memory_space<vmem_shared>>
    %dma_start3A_98 = arith.constant 0 : i32
    %dma_start3A_99 = tpu.memref_slice %arg11[%add3A_92, %dma_start3A_98] : memref<10000x128xf32, #tpu.memory_space<vmem_shared>> -> memref<125x128xf32, #tpu.memory_space<vmem_shared>>
    %dma_start3A_100 = arith.constant 80 : i32
    %dma_start3A_101 = arith.constant 0 : i32
    %dma_start3A_102 = tpu.memref_slice %arg10[%dma_start3A_100, %dma_start3A_101] : memref<240x128xf32, #tpu.memory_space<vmem>> -> memref<125x128xf32, #tpu.memory_space<vmem>>
    tpu.enqueue_dma source(%dma_start3A_102 : memref<125x128xf32, #tpu.memory_space<vmem>>) target(%dma_start3A_99 : memref<125x128xf32, #tpu.memory_space<vmem_shared>>) target_semaphore(%arg14 : memref<!tpu.dma_semaphore, #tpu.memory_space<semaphore_mem>>)
    %mul3A_103 = arith.constant 625 : i32
    %mul3A_104 = arith.muli %arg1, %mul3A_103 : i32
    %add3A_105 = arith.constant 375 : i32
    %add3A_106 = arith.addi %mul3A_104, %add3A_105 : i32
    %dma_start3A_107 = arith.constant 80 : i32
    %dma_start3A_108 = arith.constant 0 : i32
    %dma_start3A_109 = tpu.memref_slice %arg10[%dma_start3A_107, %dma_start3A_108] : memref<240x128xf32, #tpu.memory_space<vmem>> -> memref<125x128xf32, #tpu.memory_space<vmem>>
    %dma_start3A_110 = arith.constant 0 : i32
    %dma_start3A_111 = tpu.memref_slice %arg11[%add3A_106, %dma_start3A_110] : memref<10000x128xf32, #tpu.memory_space<vmem_shared>> -> memref<125x128xf32, #tpu.memory_space<vmem_shared>>
    %dma_start3A_112 = arith.constant 0 : i32
    %dma_start3A_113 = tpu.memref_slice %arg11[%add3A_106, %dma_start3A_112] : memref<10000x128xf32, #tpu.memory_space<vmem_shared>> -> memref<125x128xf32, #tpu.memory_space<vmem_shared>>
    %dma_start3A_114 = arith.constant 80 : i32
    %dma_start3A_115 = arith.constant 0 : i32
    %dma_start3A_116 = tpu.memref_slice %arg10[%dma_start3A_114, %dma_start3A_115] : memref<240x128xf32, #tpu.memory_space<vmem>> -> memref<125x128xf32, #tpu.memory_space<vmem>>
    tpu.enqueue_dma source(%dma_start3A_116 : memref<125x128xf32, #tpu.memory_space<vmem>>) target(%dma_start3A_113 : memref<125x128xf32, #tpu.memory_space<vmem_shared>>) target_semaphore(%arg14 : memref<!tpu.dma_semaphore, #tpu.memory_space<semaphore_mem>>)
    %mul3A_117 = arith.constant 625 : i32
    %mul3A_118 = arith.muli %arg1, %mul3A_117 : i32
    %add3A_119 = arith.constant 500 : i32
    %add3A_120 = arith.addi %mul3A_118, %add3A_119 : i32
    %dma_start3A_121 = arith.constant 80 : i32
    %dma_start3A_122 = arith.constant 0 : i32
    %dma_start3A_123 = tpu.memref_slice %arg10[%dma_start3A_121, %dma_start3A_122] : memref<240x128xf32, #tpu.memory_space<vmem>> -> memref<125x128xf32, #tpu.memory_space<vmem>>
    %dma_start3A_124 = arith.constant 0 : i32
    %dma_start3A_125 = tpu.memref_slice %arg11[%add3A_120, %dma_start3A_124] : memref<10000x128xf32, #tpu.memory_space<vmem_shared>> -> memref<125x128xf32, #tpu.memory_space<vmem_shared>>
    %dma_start3A_126 = arith.constant 0 : i32
    %dma_start3A_127 = tpu.memref_slice %arg11[%add3A_120, %dma_start3A_126] : memref<10000x128xf32, #tpu.memory_space<vmem_shared>> -> memref<125x128xf32, #tpu.memory_space<vmem_shared>>
    %dma_start3A_128 = arith.constant 80 : i32
    %dma_start3A_129 = arith.constant 0 : i32
    %dma_start3A_130 = tpu.memref_slice %arg10[%dma_start3A_128, %dma_start3A_129] : memref<240x128xf32, #tpu.memory_space<vmem>> -> memref<125x128xf32, #tpu.memory_space<vmem>>
    tpu.enqueue_dma source(%dma_start3A_130 : memref<125x128xf32, #tpu.memory_space<vmem>>) target(%dma_start3A_127 : memref<125x128xf32, #tpu.memory_space<vmem_shared>>) target_semaphore(%arg14 : memref<!tpu.dma_semaphore, #tpu.memory_space<semaphore_mem>>)
    %mul3A_131 = arith.constant 625 : i32
    %mul3A_132 = arith.muli %arg1, %mul3A_131 : i32
    %add3A_133 = arith.constant 0 : i32
    %add3A_134 = arith.addi %mul3A_132, %add3A_133 : i32
    %dma_wait3A_135 = arith.constant 80 : i32
    %dma_wait3A_136 = arith.constant 0 : i32
    %dma_wait3A_137 = tpu.memref_slice %arg10[%dma_wait3A_135, %dma_wait3A_136] : memref<240x128xf32, #tpu.memory_space<vmem>> -> memref<125x128xf32, #tpu.memory_space<vmem>>
    %dma_wait3A_138 = arith.constant 0 : i32
    %dma_wait3A_139 = tpu.memref_slice %arg11[%add3A_134, %dma_wait3A_138] : memref<10000x128xf32, #tpu.memory_space<vmem_shared>> -> memref<125x128xf32, #tpu.memory_space<vmem_shared>>
    %dma_wait3A_140 = arith.constant 0 : i32
    %dma_wait3A_141 = tpu.memref_slice %arg11[%add3A_134, %dma_wait3A_140] : memref<10000x128xf32, #tpu.memory_space<vmem_shared>> -> memref<125x128xf32, #tpu.memory_space<vmem_shared>>
    %dma_wait3A_142 = arith.constant 80 : i32
    %dma_wait3A_143 = arith.constant 0 : i32
    %dma_wait3A_144 = tpu.memref_slice %arg10[%dma_wait3A_142, %dma_wait3A_143] : memref<240x128xf32, #tpu.memory_space<vmem>> -> memref<125x128xf32, #tpu.memory_space<vmem>>
    tpu.wait_dma2 semaphore(%arg14 : memref<!tpu.dma_semaphore, #tpu.memory_space<semaphore_mem>>) src(%dma_wait3A_144 : memref<125x128xf32, #tpu.memory_space<vmem>>) dst(%dma_wait3A_141 : memref<125x128xf32, #tpu.memory_space<vmem_shared>>)
    %mul3A_145 = arith.constant 625 : i32
    %mul3A_146 = arith.muli %arg1, %mul3A_145 : i32
    %add3A_147 = arith.constant 125 : i32
    %add3A_148 = arith.addi %mul3A_146, %add3A_147 : i32
    %dma_wait3A_149 = arith.constant 80 : i32
    %dma_wait3A_150 = arith.constant 0 : i32
    %dma_wait3A_151 = tpu.memref_slice %arg10[%dma_wait3A_149, %dma_wait3A_150] : memref<240x128xf32, #tpu.memory_space<vmem>> -> memref<125x128xf32, #tpu.memory_space<vmem>>
    %dma_wait3A_152 = arith.constant 0 : i32
    %dma_wait3A_153 = tpu.memref_slice %arg11[%add3A_148, %dma_wait3A_152] : memref<10000x128xf32, #tpu.memory_space<vmem_shared>> -> memref<125x128xf32, #tpu.memory_space<vmem_shared>>
    %dma_wait3A_154 = arith.constant 0 : i32
    %dma_wait3A_155 = tpu.memref_slice %arg11[%add3A_148, %dma_wait3A_154] : memref<10000x128xf32, #tpu.memory_space<vmem_shared>> -> memref<125x128xf32, #tpu.memory_space<vmem_shared>>
    %dma_wait3A_156 = arith.constant 80 : i32
    %dma_wait3A_157 = arith.constant 0 : i32
    %dma_wait3A_158 = tpu.memref_slice %arg10[%dma_wait3A_156, %dma_wait3A_157] : memref<240x128xf32, #tpu.memory_space<vmem>> -> memref<125x128xf32, #tpu.memory_space<vmem>>
    tpu.wait_dma2 semaphore(%arg14 : memref<!tpu.dma_semaphore, #tpu.memory_space<semaphore_mem>>) src(%dma_wait3A_158 : memref<125x128xf32, #tpu.memory_space<vmem>>) dst(%dma_wait3A_155 : memref<125x128xf32, #tpu.memory_space<vmem_shared>>)
    %mul3A_159 = arith.constant 625 : i32
    %mul3A_160 = arith.muli %arg1, %mul3A_159 : i32
    %add3A_161 = arith.constant 250 : i32
    %add3A_162 = arith.addi %mul3A_160, %add3A_161 : i32
    %dma_wait3A_163 = arith.constant 80 : i32
    %dma_wait3A_164 = arith.constant 0 : i32
    %dma_wait3A_165 = tpu.memref_slice %arg10[%dma_wait3A_163, %dma_wait3A_164] : memref<240x128xf32, #tpu.memory_space<vmem>> -> memref<125x128xf32, #tpu.memory_space<vmem>>
    %dma_wait3A_166 = arith.constant 0 : i32
    %dma_wait3A_167 = tpu.memref_slice %arg11[%add3A_162, %dma_wait3A_166] : memref<10000x128xf32, #tpu.memory_space<vmem_shared>> -> memref<125x128xf32, #tpu.memory_space<vmem_shared>>
    %dma_wait3A_168 = arith.constant 0 : i32
    %dma_wait3A_169 = tpu.memref_slice %arg11[%add3A_162, %dma_wait3A_168] : memref<10000x128xf32, #tpu.memory_space<vmem_shared>> -> memref<125x128xf32, #tpu.memory_space<vmem_shared>>
    %dma_wait3A_170 = arith.constant 80 : i32
    %dma_wait3A_171 = arith.constant 0 : i32
    %dma_wait3A_172 = tpu.memref_slice %arg10[%dma_wait3A_170, %dma_wait3A_171] : memref<240x128xf32, #tpu.memory_space<vmem>> -> memref<125x128xf32, #tpu.memory_space<vmem>>
    tpu.wait_dma2 semaphore(%arg14 : memref<!tpu.dma_semaphore, #tpu.memory_space<semaphore_mem>>) src(%dma_wait3A_172 : memref<125x128xf32, #tpu.memory_space<vmem>>) dst(%dma_wait3A_169 : memref<125x128xf32, #tpu.memory_space<vmem_shared>>)
    %mul3A_173 = arith.constant 625 : i32
    %mul3A_174 = arith.muli %arg1, %mul3A_173 : i32
    %add3A_175 = arith.constant 375 : i32
    %add3A_176 = arith.addi %mul3A_174, %add3A_175 : i32
    %dma_wait3A_177 = arith.constant 80 : i32
    %dma_wait3A_178 = arith.constant 0 : i32
    %dma_wait3A_179 = tpu.memref_slice %arg10[%dma_wait3A_177, %dma_wait3A_178] : memref<240x128xf32, #tpu.memory_space<vmem>> -> memref<125x128xf32, #tpu.memory_space<vmem>>
    %dma_wait3A_180 = arith.constant 0 : i32
    %dma_wait3A_181 = tpu.memref_slice %arg11[%add3A_176, %dma_wait3A_180] : memref<10000x128xf32, #tpu.memory_space<vmem_shared>> -> memref<125x128xf32, #tpu.memory_space<vmem_shared>>
    %dma_wait3A_182 = arith.constant 0 : i32
    %dma_wait3A_183 = tpu.memref_slice %arg11[%add3A_176, %dma_wait3A_182] : memref<10000x128xf32, #tpu.memory_space<vmem_shared>> -> memref<125x128xf32, #tpu.memory_space<vmem_shared>>
    %dma_wait3A_184 = arith.constant 80 : i32
    %dma_wait3A_185 = arith.constant 0 : i32
    %dma_wait3A_186 = tpu.memref_slice %arg10[%dma_wait3A_184, %dma_wait3A_185] : memref<240x128xf32, #tpu.memory_space<vmem>> -> memref<125x128xf32, #tpu.memory_space<vmem>>
    tpu.wait_dma2 semaphore(%arg14 : memref<!tpu.dma_semaphore, #tpu.memory_space<semaphore_mem>>) src(%dma_wait3A_186 : memref<125x128xf32, #tpu.memory_space<vmem>>) dst(%dma_wait3A_183 : memref<125x128xf32, #tpu.memory_space<vmem_shared>>)
    %mul3A_187 = arith.constant 625 : i32
    %mul3A_188 = arith.muli %arg1, %mul3A_187 : i32
    %add3A_189 = arith.constant 500 : i32
    %add3A_190 = arith.addi %mul3A_188, %add3A_189 : i32
    %dma_wait3A_191 = arith.constant 80 : i32
    %dma_wait3A_192 = arith.constant 0 : i32
    %dma_wait3A_193 = tpu.memref_slice %arg10[%dma_wait3A_191, %dma_wait3A_192] : memref<240x128xf32, #tpu.memory_space<vmem>> -> memref<125x128xf32, #tpu.memory_space<vmem>>
    %dma_wait3A_194 = arith.constant 0 : i32
    %dma_wait3A_195 = tpu.memref_slice %arg11[%add3A_190, %dma_wait3A_194] : memref<10000x128xf32, #tpu.memory_space<vmem_shared>> -> memref<125x128xf32, #tpu.memory_space<vmem_shared>>
    %dma_wait3A_196 = arith.constant 0 : i32
    %dma_wait3A_197 = tpu.memref_slice %arg11[%add3A_190, %dma_wait3A_196] : memref<10000x128xf32, #tpu.memory_space<vmem_shared>> -> memref<125x128xf32, #tpu.memory_space<vmem_shared>>
    %dma_wait3A_198 = arith.constant 80 : i32
    %dma_wait3A_199 = arith.constant 0 : i32
    %dma_wait3A_200 = tpu.memref_slice %arg10[%dma_wait3A_198, %dma_wait3A_199] : memref<240x128xf32, #tpu.memory_space<vmem>> -> memref<125x128xf32, #tpu.memory_space<vmem>>
    tpu.wait_dma2 semaphore(%arg14 : memref<!tpu.dma_semaphore, #tpu.memory_space<semaphore_mem>>) src(%dma_wait3A_200 : memref<125x128xf32, #tpu.memory_space<vmem>>) dst(%dma_wait3A_197 : memref<125x128xf32, #tpu.memory_space<vmem_shared>>)
    %barrier3A = arith.constant 0 : index
    tpu.barrier barrier_id(%barrier3A)
    %scan3A_201 = arith.constant 0 : i32
    %scan3A_202 = arith.constant 0 : i32
    %scan3A_203 = arith.constant 125 : i32
    %scan3A_204 = arith.addi %scan3A_202, %scan3A_203 : i32
    %scan3A_205 = arith.constant 1 : i32
    %scan3A_206 = scf.for %scan3A_231 = %scan3A_202 to %scan3A_204 step %scan3A_205 iter_args(%scan3A_232 = %scan3A_201) -> (i32)  : i32 {
      %rem3A = arith.constant 3 : i32
      %rem3A_233 = arith.remsi %scan3A_231, %rem3A : i32
      %add3A_234 = arith.constant 1 : i32
      %add3A_235 = arith.addi %scan3A_231, %add3A_234 : i32
      %rem3A_236 = arith.constant 3 : i32
      %rem3A_237 = arith.remsi %add3A_235, %rem3A_236 : i32
      %gt3A = arith.constant 1 : i32
      %gt3A_238 = arith.cmpi sgt, %scan3A_231, %gt3A : i32
      %convert_element_type3A = arith.extui %gt3A_238 : i1 to i32
      %cond3A = arith.constant 0 : i32
      %cond3A_239 = arith.cmpi ne, %convert_element_type3A, %cond3A : i32
      scf.if %cond3A_239 {
        %mul3A_286 = arith.constant 80 : i32
        %mul3A_287 = arith.muli %rem3A_237, %mul3A_286 : i32
        %sub3A = arith.constant 2 : i32
        %sub3A_288 = arith.subi %scan3A_231, %sub3A : i32
        %dma_wait3A_289 = arith.constant 0 : i32
        %dma_wait3A_290 = tpu.memref_slice %arg10[%mul3A_287, %dma_wait3A_289] : memref<240x128xf32, #tpu.memory_space<vmem>> -> memref<80x128xf32, #tpu.memory_space<vmem>>
        %dma_wait3A_291 = arith.constant 0 : i32
        %dma_wait3A_292 = tpu.memref_slice %arg8[%sub3A_288, %dma_wait3A_291] : memref<125x80xi32, #tpu.memory_space<vmem>> -> memref<1x80xi32, #tpu.memory_space<vmem>>
        %dma_wait3A_293 = tpu.memref_squeeze %dma_wait3A_292 : memref<1x80xi32, #tpu.memory_space<vmem>> -> memref<80xi32, #tpu.memory_space<vmem>>
        %dma_wait3A_294 = arith.constant 0 : i32
        %dma_wait3A_295 = arith.constant 0 : i32
        %dma_wait3A_296 = tpu.memref_slice %arg11[%dma_wait3A_294, %dma_wait3A_295] : memref<10000x128xf32, #tpu.memory_space<vmem_shared>> -> memref<10000x128xf32, #tpu.memory_space<vmem_shared>>
        tpu.wait_indirect_dma semaphore(%arg14 : memref<!tpu.dma_semaphore, #tpu.memory_space<semaphore_mem>>) src(%dma_wait3A_290 : memref<80x128xf32, #tpu.memory_space<vmem>>) dst(%dma_wait3A_296 : memref<10000x128xf32, #tpu.memory_space<vmem_shared>>)
      } else {
      }
      %add3A_240 = arith.constant 1 : i32
      %add3A_241 = arith.addi %scan3A_231, %add3A_240 : i32
      %lt3A = arith.constant 125 : i32
      %lt3A_242 = arith.cmpi slt, %add3A_241, %lt3A : i32
      %convert_element_type3A_243 = arith.extui %lt3A_242 : i1 to i32
      %cond3A_244 = arith.constant 0 : i32
      %cond3A_245 = arith.cmpi ne, %convert_element_type3A_243, %cond3A_244 : i32
      scf.if %cond3A_245 {
        %add3A_286 = arith.constant 1 : i32
        %add3A_287 = arith.addi %scan3A_231, %add3A_286 : i32
        %dma_start3A_288 = arith.constant 0 : i32
        %dma_start3A_289 = tpu.memref_slice %arg9[%rem3A_237, %dma_start3A_288] : memref<3x80xf32, #tpu.memory_space<vmem>> -> memref<1x80xf32, #tpu.memory_space<vmem>>
        %dma_start3A_290 = tpu.memref_squeeze %dma_start3A_289 : memref<1x80xf32, #tpu.memory_space<vmem>> -> memref<80xf32, #tpu.memory_space<vmem>>
        %dma_start3A_291 = arith.constant 0 : i32
        %dma_start3A_292 = tpu.memref_slice %arg5[%add3A, %add3A_287, %dma_start3A_291] : memref<32x125x80xf32, #tpu.memory_space<hbm>> -> memref<1x1x80xf32, #tpu.memory_space<hbm>>
        %dma_start3A_293 = tpu.memref_squeeze %dma_start3A_292 : memref<1x1x80xf32, #tpu.memory_space<hbm>> -> memref<80xf32, #tpu.memory_space<hbm>>
        %dma_start3A_294 = arith.constant 0 : i32
        %dma_start3A_295 = tpu.memref_slice %arg9[%rem3A_237, %dma_start3A_294] : memref<3x80xf32, #tpu.memory_space<vmem>> -> memref<1x80xf32, #tpu.memory_space<vmem>>
        %dma_start3A_296 = tpu.memref_squeeze %dma_start3A_295 : memref<1x80xf32, #tpu.memory_space<vmem>> -> memref<80xf32, #tpu.memory_space<vmem>>
        %dma_start3A_297 = arith.constant 0 : i32
        %dma_start3A_298 = tpu.memref_slice %arg5[%add3A, %add3A_287, %dma_start3A_297] : memref<32x125x80xf32, #tpu.memory_space<hbm>> -> memref<1x1x80xf32, #tpu.memory_space<hbm>>
        %dma_start3A_299 = tpu.memref_squeeze %dma_start3A_298 : memref<1x1x80xf32, #tpu.memory_space<hbm>> -> memref<80xf32, #tpu.memory_space<hbm>>
        tpu.enqueue_dma source(%dma_start3A_299 : memref<80xf32, #tpu.memory_space<hbm>>) target(%dma_start3A_296 : memref<80xf32, #tpu.memory_space<vmem>>) target_semaphore(%arg13 : memref<!tpu.dma_semaphore, #tpu.memory_space<semaphore_mem>>)
        %add3A_300 = arith.constant 1 : i32
        %add3A_301 = arith.addi %scan3A_231, %add3A_300 : i32
        %mul3A_302 = arith.constant 80 : i32
        %mul3A_303 = arith.muli %rem3A_237, %mul3A_302 : i32
        %dma_start3A_304 = arith.constant 0 : i32
        %dma_start3A_305 = tpu.memref_slice %arg10[%mul3A_303, %dma_start3A_304] : memref<240x128xf32, #tpu.memory_space<vmem>> -> memref<80x128xf32, #tpu.memory_space<vmem>>
        %dma_start3A_306 = arith.constant 0 : i32
        %dma_start3A_307 = tpu.memref_slice %arg7[%add3A_301, %dma_start3A_306] : memref<125x80xi32, #tpu.memory_space<vmem>> -> memref<1x80xi32, #tpu.memory_space<vmem>>
        %dma_start3A_308 = tpu.memref_squeeze %dma_start3A_307 : memref<1x80xi32, #tpu.memory_space<vmem>> -> memref<80xi32, #tpu.memory_space<vmem>>
        %dma_start3A_309 = arith.constant 0 : i32
        %dma_start3A_310 = arith.constant 0 : i32
        %dma_start3A_311 = tpu.memref_slice %arg2[%dma_start3A_309, %dma_start3A_310] : memref<10000x128xf32, #tpu.memory_space<hbm>> -> memref<10000x128xf32, #tpu.memory_space<hbm>>
        tpu.enqueue_indirect_dma source(%dma_start3A_311 : memref<10000x128xf32, #tpu.memory_space<hbm>>) target(%dma_start3A_305 : memref<80x128xf32, #tpu.memory_space<vmem>>) offsets(%dma_start3A_308 : memref<80xi32, #tpu.memory_space<vmem>>) semaphore(%arg12 : memref<!tpu.dma_semaphore, #tpu.memory_space<semaphore_mem>>)
      } else {
      }
      %dma_wait3A_246 = arith.constant 0 : i32
      %dma_wait3A_247 = tpu.memref_slice %arg9[%rem3A_233, %dma_wait3A_246] : memref<3x80xf32, #tpu.memory_space<vmem>> -> memref<1x80xf32, #tpu.memory_space<vmem>>
      %dma_wait3A_248 = tpu.memref_squeeze %dma_wait3A_247 : memref<1x80xf32, #tpu.memory_space<vmem>> -> memref<80xf32, #tpu.memory_space<vmem>>
      %dma_wait3A_249 = arith.constant 0 : i32
      %dma_wait3A_250 = tpu.memref_slice %arg5[%add3A, %scan3A_231, %dma_wait3A_249] : memref<32x125x80xf32, #tpu.memory_space<hbm>> -> memref<1x1x80xf32, #tpu.memory_space<hbm>>
      %dma_wait3A_251 = tpu.memref_squeeze %dma_wait3A_250 : memref<1x1x80xf32, #tpu.memory_space<hbm>> -> memref<80xf32, #tpu.memory_space<hbm>>
      %dma_wait3A_252 = arith.constant 0 : i32
      %dma_wait3A_253 = tpu.memref_slice %arg9[%rem3A_233, %dma_wait3A_252] : memref<3x80xf32, #tpu.memory_space<vmem>> -> memref<1x80xf32, #tpu.memory_space<vmem>>
      %dma_wait3A_254 = tpu.memref_squeeze %dma_wait3A_253 : memref<1x80xf32, #tpu.memory_space<vmem>> -> memref<80xf32, #tpu.memory_space<vmem>>
      %dma_wait3A_255 = arith.constant 0 : i32
      %dma_wait3A_256 = tpu.memref_slice %arg5[%add3A, %scan3A_231, %dma_wait3A_255] : memref<32x125x80xf32, #tpu.memory_space<hbm>> -> memref<1x1x80xf32, #tpu.memory_space<hbm>>
      %dma_wait3A_257 = tpu.memref_squeeze %dma_wait3A_256 : memref<1x1x80xf32, #tpu.memory_space<hbm>> -> memref<80xf32, #tpu.memory_space<hbm>>
      tpu.wait_dma2 semaphore(%arg13 : memref<!tpu.dma_semaphore, #tpu.memory_space<semaphore_mem>>) src(%dma_wait3A_257 : memref<80xf32, #tpu.memory_space<hbm>>) dst(%dma_wait3A_254 : memref<80xf32, #tpu.memory_space<vmem>>)
      %mul3A_258 = arith.constant 80 : i32
      %mul3A_259 = arith.muli %rem3A_233, %mul3A_258 : i32
      %dma_wait3A_260 = arith.constant 0 : i32
      %dma_wait3A_261 = tpu.memref_slice %arg10[%mul3A_259, %dma_wait3A_260] : memref<240x128xf32, #tpu.memory_space<vmem>> -> memref<80x128xf32, #tpu.memory_space<vmem>>
      %dma_wait3A_262 = arith.constant 0 : i32
      %dma_wait3A_263 = tpu.memref_slice %arg7[%scan3A_231, %dma_wait3A_262] : memref<125x80xi32, #tpu.memory_space<vmem>> -> memref<1x80xi32, #tpu.memory_space<vmem>>
      %dma_wait3A_264 = tpu.memref_squeeze %dma_wait3A_263 : memref<1x80xi32, #tpu.memory_space<vmem>> -> memref<80xi32, #tpu.memory_space<vmem>>
      %dma_wait3A_265 = arith.constant 0 : i32
      %dma_wait3A_266 = arith.constant 0 : i32
      %dma_wait3A_267 = tpu.memref_slice %arg2[%dma_wait3A_265, %dma_wait3A_266] : memref<10000x128xf32, #tpu.memory_space<hbm>> -> memref<10000x128xf32, #tpu.memory_space<hbm>>
      tpu.wait_indirect_dma semaphore(%arg12 : memref<!tpu.dma_semaphore, #tpu.memory_space<semaphore_mem>>) src(%dma_wait3A_267 : memref<10000x128xf32, #tpu.memory_space<hbm>>) dst(%dma_wait3A_261 : memref<80x128xf32, #tpu.memory_space<vmem>>)
      %scan3A_268 = arith.constant 0 : i32
      %scan3A_269 = arith.constant 0 : i32
      %scan3A_270 = arith.constant 5 : i32
      %scan3A_271 = arith.addi %scan3A_269, %scan3A_270 : i32
      %scan3A_272 = arith.constant 1 : i32
      %scan3A_273 = scf.for %scan3A_286 = %scan3A_269 to %scan3A_271 step %scan3A_272 iter_args(%scan3A_287 = %scan3A_268) -> (i32)  : i32 {
        %mul3A_288 = arith.constant 16 : i32
        %mul3A_289 = arith.muli %scan3A_286, %mul3A_288 : i32
        %get3A = arith.index_cast %rem3A_233 : i32 to index
        %get3A_290 = arith.index_cast %mul3A_289 : i32 to index
        %get3A_291 = tpu.vector_load %arg9[%get3A, %get3A_290] {strides = array<i32>} : memref<3x80xf32, #tpu.memory_space<vmem>>, vector<1x16xf32>,
        %get3A_292 = vector.shape_cast %get3A_291 : vector<1x16xf32> to vector<16xf32>
        %slice3A = vector.extract_strided_slice %get3A_292 {offsets = [0], sizes = [1], strides = [1]} : vector<16xf32> to vector<1xf32>
        %squeeze3A = vector.extract %slice3A[0] : f32 from vector<1xf32>
        %broadcast_in_dim3A = vector.broadcast %squeeze3A : f32 to vector<16xf32>
        %mul3A_293 = arith.constant 80 : i32
        %mul3A_294 = arith.muli %rem3A_233, %mul3A_293 : i32
        %mul3A_295 = arith.constant 16 : i32
        %mul3A_296 = arith.muli %scan3A_286, %mul3A_295 : i32
        %add3A_297 = arith.addi %mul3A_294, %mul3A_296 : i32
        %add3A_298 = arith.constant 0 : i32
        %add3A_299 = arith.addi %add3A_297, %add3A_298 : i32
        %get3A_300 = arith.index_cast %add3A_299 : i32 to index
        %get3A_301 = arith.constant 0 : index
        %get3A_302 = tpu.vector_load %arg10[%get3A_300, %get3A_301] {strides = array<i32>} : memref<240x128xf32, #tpu.memory_space<vmem>>, vector<1x16xf32>,
        %get3A_303 = vector.shape_cast %get3A_302 : vector<1x16xf32> to vector<16xf32>
        %get3A_304 = arith.index_cast %add3A_299 : i32 to index
        %get3A_305 = arith.constant 16 : index
        %get3A_306 = tpu.vector_load %arg10[%get3A_304, %get3A_305] {strides = array<i32>} : memref<240x128xf32, #tpu.memory_space<vmem>>, vector<1x16xf32>,
        %get3A_307 = vector.shape_cast %get3A_306 : vector<1x16xf32> to vector<16xf32>
        %get3A_308 = arith.index_cast %add3A_299 : i32 to index
        %get3A_309 = arith.constant 32 : index
        %get3A_310 = tpu.vector_load %arg10[%get3A_308, %get3A_309] {strides = array<i32>} : memref<240x128xf32, #tpu.memory_space<vmem>>, vector<1x16xf32>,
        %get3A_311 = vector.shape_cast %get3A_310 : vector<1x16xf32> to vector<16xf32>
        %get3A_312 = arith.index_cast %add3A_299 : i32 to index
        %get3A_313 = arith.constant 48 : index
        %get3A_314 = tpu.vector_load %arg10[%get3A_312, %get3A_313] {strides = array<i32>} : memref<240x128xf32, #tpu.memory_space<vmem>>, vector<1x16xf32>,
        %get3A_315 = vector.shape_cast %get3A_314 : vector<1x16xf32> to vector<16xf32>
        %get3A_316 = arith.index_cast %add3A_299 : i32 to index
        %get3A_317 = arith.constant 64 : index
        %get3A_318 = tpu.vector_load %arg10[%get3A_316, %get3A_317] {strides = array<i32>} : memref<240x128xf32, #tpu.memory_space<vmem>>, vector<1x16xf32>,
        %get3A_319 = vector.shape_cast %get3A_318 : vector<1x16xf32> to vector<16xf32>
        %get3A_320 = arith.index_cast %add3A_299 : i32 to index
        %get3A_321 = arith.constant 80 : index
        %get3A_322 = tpu.vector_load %arg10[%get3A_320, %get3A_321] {strides = array<i32>} : memref<240x128xf32, #tpu.memory_space<vmem>>, vector<1x16xf32>,
        %get3A_323 = vector.shape_cast %get3A_322 : vector<1x16xf32> to vector<16xf32>
        %get3A_324 = arith.index_cast %add3A_299 : i32 to index
        %get3A_325 = arith.constant 96 : index
        %get3A_326 = tpu.vector_load %arg10[%get3A_324, %get3A_325] {strides = array<i32>} : memref<240x128xf32, #tpu.memory_space<vmem>>, vector<1x16xf32>,
        %get3A_327 = vector.shape_cast %get3A_326 : vector<1x16xf32> to vector<16xf32>
        %get3A_328 = arith.index_cast %add3A_299 : i32 to index
        %get3A_329 = arith.constant 112 : index
        %get3A_330 = tpu.vector_load %arg10[%get3A_328, %get3A_329] {strides = array<i32>} : memref<240x128xf32, #tpu.memory_space<vmem>>, vector<1x16xf32>,
        %get3A_331 = vector.shape_cast %get3A_330 : vector<1x16xf32> to vector<16xf32>
        %mul3A_332 = arith.mulf %get3A_303, %broadcast_in_dim3A : vector<16xf32>
        %swap3A = arith.index_cast %add3A_299 : i32 to index
        %swap3A_333 = arith.constant 0 : index
        %swap3A_334 = tpu.vector_load %arg10[%swap3A, %swap3A_333] {strides = array<i32>} : memref<240x128xf32, #tpu.memory_space<vmem>>, vector<1x16xf32>,
        %swap3A_335 = vector.shape_cast %swap3A_334 : vector<1x16xf32> to vector<16xf32>
        %swap3A_336 = vector.shape_cast %mul3A_332 : vector<16xf32> to vector<1x16xf32>
        tpu.vector_store %arg10[%swap3A, %swap3A_333], %swap3A_336 {strides = array<i32>} : memref<240x128xf32, #tpu.memory_space<vmem>>, vector<1x16xf32>,
        %mul3A_337 = arith.mulf %get3A_307, %broadcast_in_dim3A : vector<16xf32>
        %swap3A_338 = arith.index_cast %add3A_299 : i32 to index
        %swap3A_339 = arith.constant 16 : index
        %swap3A_340 = tpu.vector_load %arg10[%swap3A_338, %swap3A_339] {strides = array<i32>} : memref<240x128xf32, #tpu.memory_space<vmem>>, vector<1x16xf32>,
        %swap3A_341 = vector.shape_cast %swap3A_340 : vector<1x16xf32> to vector<16xf32>
        %swap3A_342 = vector.shape_cast %mul3A_337 : vector<16xf32> to vector<1x16xf32>
        tpu.vector_store %arg10[%swap3A_338, %swap3A_339], %swap3A_342 {strides = array<i32>} : memref<240x128xf32, #tpu.memory_space<vmem>>, vector<1x16xf32>,
        %mul3A_343 = arith.mulf %get3A_311, %broadcast_in_dim3A : vector<16xf32>
        %swap3A_344 = arith.index_cast %add3A_299 : i32 to index
        %swap3A_345 = arith.constant 32 : index
        %swap3A_346 = tpu.vector_load %arg10[%swap3A_344, %swap3A_345] {strides = array<i32>} : memref<240x128xf32, #tpu.memory_space<vmem>>, vector<1x16xf32>,
        %swap3A_347 = vector.shape_cast %swap3A_346 : vector<1x16xf32> to vector<16xf32>
        %swap3A_348 = vector.shape_cast %mul3A_343 : vector<16xf32> to vector<1x16xf32>
        tpu.vector_store %arg10[%swap3A_344, %swap3A_345], %swap3A_348 {strides = array<i32>} : memref<240x128xf32, #tpu.memory_space<vmem>>, vector<1x16xf32>,
        %mul3A_349 = arith.mulf %get3A_315, %broadcast_in_dim3A : vector<16xf32>
        %swap3A_350 = arith.index_cast %add3A_299 : i32 to index
        %swap3A_351 = arith.constant 48 : index
        %swap3A_352 = tpu.vector_load %arg10[%swap3A_350, %swap3A_351] {strides = array<i32>} : memref<240x128xf32, #tpu.memory_space<vmem>>, vector<1x16xf32>,
        %swap3A_353 = vector.shape_cast %swap3A_352 : vector<1x16xf32> to vector<16xf32>
        %swap3A_354 = vector.shape_cast %mul3A_349 : vector<16xf32> to vector<1x16xf32>
        tpu.vector_store %arg10[%swap3A_350, %swap3A_351], %swap3A_354 {strides = array<i32>} : memref<240x128xf32, #tpu.memory_space<vmem>>, vector<1x16xf32>,
        %mul3A_355 = arith.mulf %get3A_319, %broadcast_in_dim3A : vector<16xf32>
        %swap3A_356 = arith.index_cast %add3A_299 : i32 to index
        %swap3A_357 = arith.constant 64 : index
        %swap3A_358 = tpu.vector_load %arg10[%swap3A_356, %swap3A_357] {strides = array<i32>} : memref<240x128xf32, #tpu.memory_space<vmem>>, vector<1x16xf32>,
        %swap3A_359 = vector.shape_cast %swap3A_358 : vector<1x16xf32> to vector<16xf32>
        %swap3A_360 = vector.shape_cast %mul3A_355 : vector<16xf32> to vector<1x16xf32>
        tpu.vector_store %arg10[%swap3A_356, %swap3A_357], %swap3A_360 {strides = array<i32>} : memref<240x128xf32, #tpu.memory_space<vmem>>, vector<1x16xf32>,
        %mul3A_361 = arith.mulf %get3A_323, %broadcast_in_dim3A : vector<16xf32>
        %swap3A_362 = arith.index_cast %add3A_299 : i32 to index
        %swap3A_363 = arith.constant 80 : index
        %swap3A_364 = tpu.vector_load %arg10[%swap3A_362, %swap3A_363] {strides = array<i32>} : memref<240x128xf32, #tpu.memory_space<vmem>>, vector<1x16xf32>,
        %swap3A_365 = vector.shape_cast %swap3A_364 : vector<1x16xf32> to vector<16xf32>
        %swap3A_366 = vector.shape_cast %mul3A_361 : vector<16xf32> to vector<1x16xf32>
        tpu.vector_store %arg10[%swap3A_362, %swap3A_363], %swap3A_366 {strides = array<i32>} : memref<240x128xf32, #tpu.memory_space<vmem>>, vector<1x16xf32>,
        %mul3A_367 = arith.mulf %get3A_327, %broadcast_in_dim3A : vector<16xf32>
        %swap3A_368 = arith.index_cast %add3A_299 : i32 to index
        %swap3A_369 = arith.constant 96 : index
        %swap3A_370 = tpu.vector_load %arg10[%swap3A_368, %swap3A_369] {strides = array<i32>} : memref<240x128xf32, #tpu.memory_space<vmem>>, vector<1x16xf32>,
        %swap3A_371 = vector.shape_cast %swap3A_370 : vector<1x16xf32> to vector<16xf32>
        %swap3A_372 = vector.shape_cast %mul3A_367 : vector<16xf32> to vector<1x16xf32>
        tpu.vector_store %arg10[%swap3A_368, %swap3A_369], %swap3A_372 {strides = array<i32>} : memref<240x128xf32, #tpu.memory_space<vmem>>, vector<1x16xf32>,
        %mul3A_373 = arith.mulf %get3A_331, %broadcast_in_dim3A : vector<16xf32>
        %swap3A_374 = arith.index_cast %add3A_299 : i32 to index
        %swap3A_375 = arith.constant 112 : index
        %swap3A_376 = tpu.vector_load %arg10[%swap3A_374, %swap3A_375] {strides = array<i32>} : memref<240x128xf32, #tpu.memory_space<vmem>>, vector<1x16xf32>,
        %swap3A_377 = vector.shape_cast %swap3A_376 : vector<1x16xf32> to vector<16xf32>
        %swap3A_378 = vector.shape_cast %mul3A_373 : vector<16xf32> to vector<1x16xf32>
        tpu.vector_store %arg10[%swap3A_374, %swap3A_375], %swap3A_378 {strides = array<i32>} : memref<240x128xf32, #tpu.memory_space<vmem>>, vector<1x16xf32>,
        %slice3A_379 = vector.extract_strided_slice %get3A_292 {offsets = [1], sizes = [1], strides = [1]} : vector<16xf32> to vector<1xf32>
        %squeeze3A_380 = vector.extract %slice3A_379[0] : f32 from vector<1xf32>
        %broadcast_in_dim3A_381 = vector.broadcast %squeeze3A_380 : f32 to vector<16xf32>
        %mul3A_382 = arith.constant 80 : i32
        %mul3A_383 = arith.muli %rem3A_233, %mul3A_382 : i32
        %mul3A_384 = arith.constant 16 : i32
        %mul3A_385 = arith.muli %scan3A_286, %mul3A_384 : i32
        %add3A_386 = arith.addi %mul3A_383, %mul3A_385 : i32
        %add3A_387 = arith.constant 1 : i32
        %add3A_388 = arith.addi %add3A_386, %add3A_387 : i32
        %get3A_389 = arith.index_cast %add3A_388 : i32 to index
        %get3A_390 = arith.constant 0 : index
        %get3A_391 = tpu.vector_load %arg10[%get3A_389, %get3A_390] {strides = array<i32>} : memref<240x128xf32, #tpu.memory_space<vmem>>, vector<1x16xf32>,
        %get3A_392 = vector.shape_cast %get3A_391 : vector<1x16xf32> to vector<16xf32>
        %get3A_393 = arith.index_cast %add3A_388 : i32 to index
        %get3A_394 = arith.constant 16 : index
        %get3A_395 = tpu.vector_load %arg10[%get3A_393, %get3A_394] {strides = array<i32>} : memref<240x128xf32, #tpu.memory_space<vmem>>, vector<1x16xf32>,
        %get3A_396 = vector.shape_cast %get3A_395 : vector<1x16xf32> to vector<16xf32>
        %get3A_397 = arith.index_cast %add3A_388 : i32 to index
        %get3A_398 = arith.constant 32 : index
        %get3A_399 = tpu.vector_load %arg10[%get3A_397, %get3A_398] {strides = array<i32>} : memref<240x128xf32, #tpu.memory_space<vmem>>, vector<1x16xf32>,
        %get3A_400 = vector.shape_cast %get3A_399 : vector<1x16xf32> to vector<16xf32>
        %get3A_401 = arith.index_cast %add3A_388 : i32 to index
        %get3A_402 = arith.constant 48 : index
        %get3A_403 = tpu.vector_load %arg10[%get3A_401, %get3A_402] {strides = array<i32>} : memref<240x128xf32, #tpu.memory_space<vmem>>, vector<1x16xf32>,
        %get3A_404 = vector.shape_cast %get3A_403 : vector<1x16xf32> to vector<16xf32>
        %get3A_405 = arith.index_cast %add3A_388 : i32 to index
        %get3A_406 = arith.constant 64 : index
        %get3A_407 = tpu.vector_load %arg10[%get3A_405, %get3A_406] {strides = array<i32>} : memref<240x128xf32, #tpu.memory_space<vmem>>, vector<1x16xf32>,
        %get3A_408 = vector.shape_cast %get3A_407 : vector<1x16xf32> to vector<16xf32>
        %get3A_409 = arith.index_cast %add3A_388 : i32 to index
        %get3A_410 = arith.constant 80 : index
        %get3A_411 = tpu.vector_load %arg10[%get3A_409, %get3A_410] {strides = array<i32>} : memref<240x128xf32, #tpu.memory_space<vmem>>, vector<1x16xf32>,
        %get3A_412 = vector.shape_cast %get3A_411 : vector<1x16xf32> to vector<16xf32>
        %get3A_413 = arith.index_cast %add3A_388 : i32 to index
        %get3A_414 = arith.constant 96 : index
        %get3A_415 = tpu.vector_load %arg10[%get3A_413, %get3A_414] {strides = array<i32>} : memref<240x128xf32, #tpu.memory_space<vmem>>, vector<1x16xf32>,
        %get3A_416 = vector.shape_cast %get3A_415 : vector<1x16xf32> to vector<16xf32>
        %get3A_417 = arith.index_cast %add3A_388 : i32 to index
        %get3A_418 = arith.constant 112 : index
        %get3A_419 = tpu.vector_load %arg10[%get3A_417, %get3A_418] {strides = array<i32>} : memref<240x128xf32, #tpu.memory_space<vmem>>, vector<1x16xf32>,
        %get3A_420 = vector.shape_cast %get3A_419 : vector<1x16xf32> to vector<16xf32>
        %mul3A_421 = arith.mulf %get3A_392, %broadcast_in_dim3A_381 : vector<16xf32>
        %swap3A_422 = arith.index_cast %add3A_388 : i32 to index
        %swap3A_423 = arith.constant 0 : index
        %swap3A_424 = tpu.vector_load %arg10[%swap3A_422, %swap3A_423] {strides = array<i32>} : memref<240x128xf32, #tpu.memory_space<vmem>>, vector<1x16xf32>,
        %swap3A_425 = vector.shape_cast %swap3A_424 : vector<1x16xf32> to vector<16xf32>
        %swap3A_426 = vector.shape_cast %mul3A_421 : vector<16xf32> to vector<1x16xf32>
        tpu.vector_store %arg10[%swap3A_422, %swap3A_423], %swap3A_426 {strides = array<i32>} : memref<240x128xf32, #tpu.memory_space<vmem>>, vector<1x16xf32>,
        %mul3A_427 = arith.mulf %get3A_396, %broadcast_in_dim3A_381 : vector<16xf32>
        %swap3A_428 = arith.index_cast %add3A_388 : i32 to index
        %swap3A_429 = arith.constant 16 : index
        %swap3A_430 = tpu.vector_load %arg10[%swap3A_428, %swap3A_429] {strides = array<i32>} : memref<240x128xf32, #tpu.memory_space<vmem>>, vector<1x16xf32>,
        %swap3A_431 = vector.shape_cast %swap3A_430 : vector<1x16xf32> to vector<16xf32>
        %swap3A_432 = vector.shape_cast %mul3A_427 : vector<16xf32> to vector<1x16xf32>
        tpu.vector_store %arg10[%swap3A_428, %swap3A_429], %swap3A_432 {strides = array<i32>} : memref<240x128xf32, #tpu.memory_space<vmem>>, vector<1x16xf32>,
        %mul3A_433 = arith.mulf %get3A_400, %broadcast_in_dim3A_381 : vector<16xf32>
        %swap3A_434 = arith.index_cast %add3A_388 : i32 to index
        %swap3A_435 = arith.constant 32 : index
        %swap3A_436 = tpu.vector_load %arg10[%swap3A_434, %swap3A_435] {strides = array<i32>} : memref<240x128xf32, #tpu.memory_space<vmem>>, vector<1x16xf32>,
        %swap3A_437 = vector.shape_cast %swap3A_436 : vector<1x16xf32> to vector<16xf32>
        %swap3A_438 = vector.shape_cast %mul3A_433 : vector<16xf32> to vector<1x16xf32>
        tpu.vector_store %arg10[%swap3A_434, %swap3A_435], %swap3A_438 {strides = array<i32>} : memref<240x128xf32, #tpu.memory_space<vmem>>, vector<1x16xf32>,
        %mul3A_439 = arith.mulf %get3A_404, %broadcast_in_dim3A_381 : vector<16xf32>
        %swap3A_440 = arith.index_cast %add3A_388 : i32 to index
        %swap3A_441 = arith.constant 48 : index
        %swap3A_442 = tpu.vector_load %arg10[%swap3A_440, %swap3A_441] {strides = array<i32>} : memref<240x128xf32, #tpu.memory_space<vmem>>, vector<1x16xf32>,
        %swap3A_443 = vector.shape_cast %swap3A_442 : vector<1x16xf32> to vector<16xf32>
        %swap3A_444 = vector.shape_cast %mul3A_439 : vector<16xf32> to vector<1x16xf32>
        tpu.vector_store %arg10[%swap3A_440, %swap3A_441], %swap3A_444 {strides = array<i32>} : memref<240x128xf32, #tpu.memory_space<vmem>>, vector<1x16xf32>,
        %mul3A_445 = arith.mulf %get3A_408, %broadcast_in_dim3A_381 : vector<16xf32>
        %swap3A_446 = arith.index_cast %add3A_388 : i32 to index
        %swap3A_447 = arith.constant 64 : index
        %swap3A_448 = tpu.vector_load %arg10[%swap3A_446, %swap3A_447] {strides = array<i32>} : memref<240x128xf32, #tpu.memory_space<vmem>>, vector<1x16xf32>,
        %swap3A_449 = vector.shape_cast %swap3A_448 : vector<1x16xf32> to vector<16xf32>
        %swap3A_450 = vector.shape_cast %mul3A_445 : vector<16xf32> to vector<1x16xf32>
        tpu.vector_store %arg10[%swap3A_446, %swap3A_447], %swap3A_450 {strides = array<i32>} : memref<240x128xf32, #tpu.memory_space<vmem>>, vector<1x16xf32>,
        %mul3A_451 = arith.mulf %get3A_412, %broadcast_in_dim3A_381 : vector<16xf32>
        %swap3A_452 = arith.index_cast %add3A_388 : i32 to index
        %swap3A_453 = arith.constant 80 : index
        %swap3A_454 = tpu.vector_load %arg10[%swap3A_452, %swap3A_453] {strides = array<i32>} : memref<240x128xf32, #tpu.memory_space<vmem>>, vector<1x16xf32>,
        %swap3A_455 = vector.shape_cast %swap3A_454 : vector<1x16xf32> to vector<16xf32>
        %swap3A_456 = vector.shape_cast %mul3A_451 : vector<16xf32> to vector<1x16xf32>
        tpu.vector_store %arg10[%swap3A_452, %swap3A_453], %swap3A_456 {strides = array<i32>} : memref<240x128xf32, #tpu.memory_space<vmem>>, vector<1x16xf32>,
        %mul3A_457 = arith.mulf %get3A_416, %broadcast_in_dim3A_381 : vector<16xf32>
        %swap3A_458 = arith.index_cast %add3A_388 : i32 to index
        %swap3A_459 = arith.constant 96 : index
        %swap3A_460 = tpu.vector_load %arg10[%swap3A_458, %swap3A_459] {strides = array<i32>} : memref<240x128xf32, #tpu.memory_space<vmem>>, vector<1x16xf32>,
        %swap3A_461 = vector.shape_cast %swap3A_460 : vector<1x16xf32> to vector<16xf32>
        %swap3A_462 = vector.shape_cast %mul3A_457 : vector<16xf32> to vector<1x16xf32>
        tpu.vector_store %arg10[%swap3A_458, %swap3A_459], %swap3A_462 {strides = array<i32>} : memref<240x128xf32, #tpu.memory_space<vmem>>, vector<1x16xf32>,
        %mul3A_463 = arith.mulf %get3A_420, %broadcast_in_dim3A_381 : vector<16xf32>
        %swap3A_464 = arith.index_cast %add3A_388 : i32 to index
        %swap3A_465 = arith.constant 112 : index
        %swap3A_466 = tpu.vector_load %arg10[%swap3A_464, %swap3A_465] {strides = array<i32>} : memref<240x128xf32, #tpu.memory_space<vmem>>, vector<1x16xf32>,
        %swap3A_467 = vector.shape_cast %swap3A_466 : vector<1x16xf32> to vector<16xf32>
        %swap3A_468 = vector.shape_cast %mul3A_463 : vector<16xf32> to vector<1x16xf32>
        tpu.vector_store %arg10[%swap3A_464, %swap3A_465], %swap3A_468 {strides = array<i32>} : memref<240x128xf32, #tpu.memory_space<vmem>>, vector<1x16xf32>,
        %slice3A_469 = vector.extract_strided_slice %get3A_292 {offsets = [2], sizes = [1], strides = [1]} : vector<16xf32> to vector<1xf32>
        %squeeze3A_470 = vector.extract %slice3A_469[0] : f32 from vector<1xf32>
        %broadcast_in_dim3A_471 = vector.broadcast %squeeze3A_470 : f32 to vector<16xf32>
        %mul3A_472 = arith.constant 80 : i32
        %mul3A_473 = arith.muli %rem3A_233, %mul3A_472 : i32
        %mul3A_474 = arith.constant 16 : i32
        %mul3A_475 = arith.muli %scan3A_286, %mul3A_474 : i32
        %add3A_476 = arith.addi %mul3A_473, %mul3A_475 : i32
        %add3A_477 = arith.constant 2 : i32
        %add3A_478 = arith.addi %add3A_476, %add3A_477 : i32
        %get3A_479 = arith.index_cast %add3A_478 : i32 to index
        %get3A_480 = arith.constant 0 : index
        %get3A_481 = tpu.vector_load %arg10[%get3A_479, %get3A_480] {strides = array<i32>} : memref<240x128xf32, #tpu.memory_space<vmem>>, vector<1x16xf32>,
        %get3A_482 = vector.shape_cast %get3A_481 : vector<1x16xf32> to vector<16xf32>
        %get3A_483 = arith.index_cast %add3A_478 : i32 to index
        %get3A_484 = arith.constant 16 : index
        %get3A_485 = tpu.vector_load %arg10[%get3A_483, %get3A_484] {strides = array<i32>} : memref<240x128xf32, #tpu.memory_space<vmem>>, vector<1x16xf32>,
        %get3A_486 = vector.shape_cast %get3A_485 : vector<1x16xf32> to vector<16xf32>
        %get3A_487 = arith.index_cast %add3A_478 : i32 to index
        %get3A_488 = arith.constant 32 : index
        %get3A_489 = tpu.vector_load %arg10[%get3A_487, %get3A_488] {strides = array<i32>} : memref<240x128xf32, #tpu.memory_space<vmem>>, vector<1x16xf32>,
        %get3A_490 = vector.shape_cast %get3A_489 : vector<1x16xf32> to vector<16xf32>
        %get3A_491 = arith.index_cast %add3A_478 : i32 to index
        %get3A_492 = arith.constant 48 : index
        %get3A_493 = tpu.vector_load %arg10[%get3A_491, %get3A_492] {strides = array<i32>} : memref<240x128xf32, #tpu.memory_space<vmem>>, vector<1x16xf32>,
        %get3A_494 = vector.shape_cast %get3A_493 : vector<1x16xf32> to vector<16xf32>
        %get3A_495 = arith.index_cast %add3A_478 : i32 to index
        %get3A_496 = arith.constant 64 : index
        %get3A_497 = tpu.vector_load %arg10[%get3A_495, %get3A_496] {strides = array<i32>} : memref<240x128xf32, #tpu.memory_space<vmem>>, vector<1x16xf32>,
        %get3A_498 = vector.shape_cast %get3A_497 : vector<1x16xf32> to vector<16xf32>
        %get3A_499 = arith.index_cast %add3A_478 : i32 to index
        %get3A_500 = arith.constant 80 : index
        %get3A_501 = tpu.vector_load %arg10[%get3A_499, %get3A_500] {strides = array<i32>} : memref<240x128xf32, #tpu.memory_space<vmem>>, vector<1x16xf32>,
        %get3A_502 = vector.shape_cast %get3A_501 : vector<1x16xf32> to vector<16xf32>
        %get3A_503 = arith.index_cast %add3A_478 : i32 to index
        %get3A_504 = arith.constant 96 : index
        %get3A_505 = tpu.vector_load %arg10[%get3A_503, %get3A_504] {strides = array<i32>} : memref<240x128xf32, #tpu.memory_space<vmem>>, vector<1x16xf32>,
        %get3A_506 = vector.shape_cast %get3A_505 : vector<1x16xf32> to vector<16xf32>
        %get3A_507 = arith.index_cast %add3A_478 : i32 to index
        %get3A_508 = arith.constant 112 : index
        %get3A_509 = tpu.vector_load %arg10[%get3A_507, %get3A_508] {strides = array<i32>} : memref<240x128xf32, #tpu.memory_space<vmem>>, vector<1x16xf32>,
        %get3A_510 = vector.shape_cast %get3A_509 : vector<1x16xf32> to vector<16xf32>
        %mul3A_511 = arith.mulf %get3A_482, %broadcast_in_dim3A_471 : vector<16xf32>
        %swap3A_512 = arith.index_cast %add3A_478 : i32 to index
        %swap3A_513 = arith.constant 0 : index
        %swap3A_514 = tpu.vector_load %arg10[%swap3A_512, %swap3A_513] {strides = array<i32>} : memref<240x128xf32, #tpu.memory_space<vmem>>, vector<1x16xf32>,
        %swap3A_515 = vector.shape_cast %swap3A_514 : vector<1x16xf32> to vector<16xf32>
        %swap3A_516 = vector.shape_cast %mul3A_511 : vector<16xf32> to vector<1x16xf32>
        tpu.vector_store %arg10[%swap3A_512, %swap3A_513], %swap3A_516 {strides = array<i32>} : memref<240x128xf32, #tpu.memory_space<vmem>>, vector<1x16xf32>,
        %mul3A_517 = arith.mulf %get3A_486, %broadcast_in_dim3A_471 : vector<16xf32>
        %swap3A_518 = arith.index_cast %add3A_478 : i32 to index
        %swap3A_519 = arith.constant 16 : index
        %swap3A_520 = tpu.vector_load %arg10[%swap3A_518, %swap3A_519] {strides = array<i32>} : memref<240x128xf32, #tpu.memory_space<vmem>>, vector<1x16xf32>,
        %swap3A_521 = vector.shape_cast %swap3A_520 : vector<1x16xf32> to vector<16xf32>
        %swap3A_522 = vector.shape_cast %mul3A_517 : vector<16xf32> to vector<1x16xf32>
        tpu.vector_store %arg10[%swap3A_518, %swap3A_519], %swap3A_522 {strides = array<i32>} : memref<240x128xf32, #tpu.memory_space<vmem>>, vector<1x16xf32>,
        %mul3A_523 = arith.mulf %get3A_490, %broadcast_in_dim3A_471 : vector<16xf32>
        %swap3A_524 = arith.index_cast %add3A_478 : i32 to index
        %swap3A_525 = arith.constant 32 : index
        %swap3A_526 = tpu.vector_load %arg10[%swap3A_524, %swap3A_525] {strides = array<i32>} : memref<240x128xf32, #tpu.memory_space<vmem>>, vector<1x16xf32>,
        %swap3A_527 = vector.shape_cast %swap3A_526 : vector<1x16xf32> to vector<16xf32>
        %swap3A_528 = vector.shape_cast %mul3A_523 : vector<16xf32> to vector<1x16xf32>
        tpu.vector_store %arg10[%swap3A_524, %swap3A_525], %swap3A_528 {strides = array<i32>} : memref<240x128xf32, #tpu.memory_space<vmem>>, vector<1x16xf32>,
        %mul3A_529 = arith.mulf %get3A_494, %broadcast_in_dim3A_471 : vector<16xf32>
        %swap3A_530 = arith.index_cast %add3A_478 : i32 to index
        %swap3A_531 = arith.constant 48 : index
        %swap3A_532 = tpu.vector_load %arg10[%swap3A_530, %swap3A_531] {strides = array<i32>} : memref<240x128xf32, #tpu.memory_space<vmem>>, vector<1x16xf32>,
        %swap3A_533 = vector.shape_cast %swap3A_532 : vector<1x16xf32> to vector<16xf32>
        %swap3A_534 = vector.shape_cast %mul3A_529 : vector<16xf32> to vector<1x16xf32>
        tpu.vector_store %arg10[%swap3A_530, %swap3A_531], %swap3A_534 {strides = array<i32>} : memref<240x128xf32, #tpu.memory_space<vmem>>, vector<1x16xf32>,
        %mul3A_535 = arith.mulf %get3A_498, %broadcast_in_dim3A_471 : vector<16xf32>
        %swap3A_536 = arith.index_cast %add3A_478 : i32 to index
        %swap3A_537 = arith.constant 64 : index
        %swap3A_538 = tpu.vector_load %arg10[%swap3A_536, %swap3A_537] {strides = array<i32>} : memref<240x128xf32, #tpu.memory_space<vmem>>, vector<1x16xf32>,
        %swap3A_539 = vector.shape_cast %swap3A_538 : vector<1x16xf32> to vector<16xf32>
        %swap3A_540 = vector.shape_cast %mul3A_535 : vector<16xf32> to vector<1x16xf32>
        tpu.vector_store %arg10[%swap3A_536, %swap3A_537], %swap3A_540 {strides = array<i32>} : memref<240x128xf32, #tpu.memory_space<vmem>>, vector<1x16xf32>,
        %mul3A_541 = arith.mulf %get3A_502, %broadcast_in_dim3A_471 : vector<16xf32>
        %swap3A_542 = arith.index_cast %add3A_478 : i32 to index
        %swap3A_543 = arith.constant 80 : index
        %swap3A_544 = tpu.vector_load %arg10[%swap3A_542, %swap3A_543] {strides = array<i32>} : memref<240x128xf32, #tpu.memory_space<vmem>>, vector<1x16xf32>,
        %swap3A_545 = vector.shape_cast %swap3A_544 : vector<1x16xf32> to vector<16xf32>
        %swap3A_546 = vector.shape_cast %mul3A_541 : vector<16xf32> to vector<1x16xf32>
        tpu.vector_store %arg10[%swap3A_542, %swap3A_543], %swap3A_546 {strides = array<i32>} : memref<240x128xf32, #tpu.memory_space<vmem>>, vector<1x16xf32>,
        %mul3A_547 = arith.mulf %get3A_506, %broadcast_in_dim3A_471 : vector<16xf32>
        %swap3A_548 = arith.index_cast %add3A_478 : i32 to index
        %swap3A_549 = arith.constant 96 : index
        %swap3A_550 = tpu.vector_load %arg10[%swap3A_548, %swap3A_549] {strides = array<i32>} : memref<240x128xf32, #tpu.memory_space<vmem>>, vector<1x16xf32>,
        %swap3A_551 = vector.shape_cast %swap3A_550 : vector<1x16xf32> to vector<16xf32>
        %swap3A_552 = vector.shape_cast %mul3A_547 : vector<16xf32> to vector<1x16xf32>
        tpu.vector_store %arg10[%swap3A_548, %swap3A_549], %swap3A_552 {strides = array<i32>} : memref<240x128xf32, #tpu.memory_space<vmem>>, vector<1x16xf32>,
        %mul3A_553 = arith.mulf %get3A_510, %broadcast_in_dim3A_471 : vector<16xf32>
        %swap3A_554 = arith.index_cast %add3A_478 : i32 to index
        %swap3A_555 = arith.constant 112 : index
        %swap3A_556 = tpu.vector_load %arg10[%swap3A_554, %swap3A_555] {strides = array<i32>} : memref<240x128xf32, #tpu.memory_space<vmem>>, vector<1x16xf32>,
        %swap3A_557 = vector.shape_cast %swap3A_556 : vector<1x16xf32> to vector<16xf32>
        %swap3A_558 = vector.shape_cast %mul3A_553 : vector<16xf32> to vector<1x16xf32>
        tpu.vector_store %arg10[%swap3A_554, %swap3A_555], %swap3A_558 {strides = array<i32>} : memref<240x128xf32, #tpu.memory_space<vmem>>, vector<1x16xf32>,
        %slice3A_559 = vector.extract_strided_slice %get3A_292 {offsets = [3], sizes = [1], strides = [1]} : vector<16xf32> to vector<1xf32>
        %squeeze3A_560 = vector.extract %slice3A_559[0] : f32 from vector<1xf32>
        %broadcast_in_dim3A_561 = vector.broadcast %squeeze3A_560 : f32 to vector<16xf32>
        %mul3A_562 = arith.constant 80 : i32
        %mul3A_563 = arith.muli %rem3A_233, %mul3A_562 : i32
        %mul3A_564 = arith.constant 16 : i32
        %mul3A_565 = arith.muli %scan3A_286, %mul3A_564 : i32
        %add3A_566 = arith.addi %mul3A_563, %mul3A_565 : i32
        %add3A_567 = arith.constant 3 : i32
        %add3A_568 = arith.addi %add3A_566, %add3A_567 : i32
        %get3A_569 = arith.index_cast %add3A_568 : i32 to index
        %get3A_570 = arith.constant 0 : index
        %get3A_571 = tpu.vector_load %arg10[%get3A_569, %get3A_570] {strides = array<i32>} : memref<240x128xf32, #tpu.memory_space<vmem>>, vector<1x16xf32>,
        %get3A_572 = vector.shape_cast %get3A_571 : vector<1x16xf32> to vector<16xf32>
        %get3A_573 = arith.index_cast %add3A_568 : i32 to index
        %get3A_574 = arith.constant 16 : index
        %get3A_575 = tpu.vector_load %arg10[%get3A_573, %get3A_574] {strides = array<i32>} : memref<240x128xf32, #tpu.memory_space<vmem>>, vector<1x16xf32>,
        %get3A_576 = vector.shape_cast %get3A_575 : vector<1x16xf32> to vector<16xf32>
        %get3A_577 = arith.index_cast %add3A_568 : i32 to index
        %get3A_578 = arith.constant 32 : index
        %get3A_579 = tpu.vector_load %arg10[%get3A_577, %get3A_578] {strides = array<i32>} : memref<240x128xf32, #tpu.memory_space<vmem>>, vector<1x16xf32>,
        %get3A_580 = vector.shape_cast %get3A_579 : vector<1x16xf32> to vector<16xf32>
        %get3A_581 = arith.index_cast %add3A_568 : i32 to index
        %get3A_582 = arith.constant 48 : index
        %get3A_583 = tpu.vector_load %arg10[%get3A_581, %get3A_582] {strides = array<i32>} : memref<240x128xf32, #tpu.memory_space<vmem>>, vector<1x16xf32>,
        %get3A_584 = vector.shape_cast %get3A_583 : vector<1x16xf32> to vector<16xf32>
        %get3A_585 = arith.index_cast %add3A_568 : i32 to index
        %get3A_586 = arith.constant 64 : index
        %get3A_587 = tpu.vector_load %arg10[%get3A_585, %get3A_586] {strides = array<i32>} : memref<240x128xf32, #tpu.memory_space<vmem>>, vector<1x16xf32>,
        %get3A_588 = vector.shape_cast %get3A_587 : vector<1x16xf32> to vector<16xf32>
        %get3A_589 = arith.index_cast %add3A_568 : i32 to index
        %get3A_590 = arith.constant 80 : index
        %get3A_591 = tpu.vector_load %arg10[%get3A_589, %get3A_590] {strides = array<i32>} : memref<240x128xf32, #tpu.memory_space<vmem>>, vector<1x16xf32>,
        %get3A_592 = vector.shape_cast %get3A_591 : vector<1x16xf32> to vector<16xf32>
        %get3A_593 = arith.index_cast %add3A_568 : i32 to index
        %get3A_594 = arith.constant 96 : index
        %get3A_595 = tpu.vector_load %arg10[%get3A_593, %get3A_594] {strides = array<i32>} : memref<240x128xf32, #tpu.memory_space<vmem>>, vector<1x16xf32>,
        %get3A_596 = vector.shape_cast %get3A_595 : vector<1x16xf32> to vector<16xf32>
        %get3A_597 = arith.index_cast %add3A_568 : i32 to index
        %get3A_598 = arith.constant 112 : index
        %get3A_599 = tpu.vector_load %arg10[%get3A_597, %get3A_598] {strides = array<i32>} : memref<240x128xf32, #tpu.memory_space<vmem>>, vector<1x16xf32>,
        %get3A_600 = vector.shape_cast %get3A_599 : vector<1x16xf32> to vector<16xf32>
        %mul3A_601 = arith.mulf %get3A_572, %broadcast_in_dim3A_561 : vector<16xf32>
        %swap3A_602 = arith.index_cast %add3A_568 : i32 to index
        %swap3A_603 = arith.constant 0 : index
        %swap3A_604 = tpu.vector_load %arg10[%swap3A_602, %swap3A_603] {strides = array<i32>} : memref<240x128xf32, #tpu.memory_space<vmem>>, vector<1x16xf32>,
        %swap3A_605 = vector.shape_cast %swap3A_604 : vector<1x16xf32> to vector<16xf32>
        %swap3A_606 = vector.shape_cast %mul3A_601 : vector<16xf32> to vector<1x16xf32>
        tpu.vector_store %arg10[%swap3A_602, %swap3A_603], %swap3A_606 {strides = array<i32>} : memref<240x128xf32, #tpu.memory_space<vmem>>, vector<1x16xf32>,
        %mul3A_607 = arith.mulf %get3A_576, %broadcast_in_dim3A_561 : vector<16xf32>
        %swap3A_608 = arith.index_cast %add3A_568 : i32 to index
        %swap3A_609 = arith.constant 16 : index
        %swap3A_610 = tpu.vector_load %arg10[%swap3A_608, %swap3A_609] {strides = array<i32>} : memref<240x128xf32, #tpu.memory_space<vmem>>, vector<1x16xf32>,
        %swap3A_611 = vector.shape_cast %swap3A_610 : vector<1x16xf32> to vector<16xf32>
        %swap3A_612 = vector.shape_cast %mul3A_607 : vector<16xf32> to vector<1x16xf32>
        tpu.vector_store %arg10[%swap3A_608, %swap3A_609], %swap3A_612 {strides = array<i32>} : memref<240x128xf32, #tpu.memory_space<vmem>>, vector<1x16xf32>,
        %mul3A_613 = arith.mulf %get3A_580, %broadcast_in_dim3A_561 : vector<16xf32>
        %swap3A_614 = arith.index_cast %add3A_568 : i32 to index
        %swap3A_615 = arith.constant 32 : index
        %swap3A_616 = tpu.vector_load %arg10[%swap3A_614, %swap3A_615] {strides = array<i32>} : memref<240x128xf32, #tpu.memory_space<vmem>>, vector<1x16xf32>,
        %swap3A_617 = vector.shape_cast %swap3A_616 : vector<1x16xf32> to vector<16xf32>
        %swap3A_618 = vector.shape_cast %mul3A_613 : vector<16xf32> to vector<1x16xf32>
        tpu.vector_store %arg10[%swap3A_614, %swap3A_615], %swap3A_618 {strides = array<i32>} : memref<240x128xf32, #tpu.memory_space<vmem>>, vector<1x16xf32>,
        %mul3A_619 = arith.mulf %get3A_584, %broadcast_in_dim3A_561 : vector<16xf32>
        %swap3A_620 = arith.index_cast %add3A_568 : i32 to index
        %swap3A_621 = arith.constant 48 : index
        %swap3A_622 = tpu.vector_load %arg10[%swap3A_620, %swap3A_621] {strides = array<i32>} : memref<240x128xf32, #tpu.memory_space<vmem>>, vector<1x16xf32>,
        %swap3A_623 = vector.shape_cast %swap3A_622 : vector<1x16xf32> to vector<16xf32>
        %swap3A_624 = vector.shape_cast %mul3A_619 : vector<16xf32> to vector<1x16xf32>
        tpu.vector_store %arg10[%swap3A_620, %swap3A_621], %swap3A_624 {strides = array<i32>} : memref<240x128xf32, #tpu.memory_space<vmem>>, vector<1x16xf32>,
        %mul3A_625 = arith.mulf %get3A_588, %broadcast_in_dim3A_561 : vector<16xf32>
        %swap3A_626 = arith.index_cast %add3A_568 : i32 to index
        %swap3A_627 = arith.constant 64 : index
        %swap3A_628 = tpu.vector_load %arg10[%swap3A_626, %swap3A_627] {strides = array<i32>} : memref<240x128xf32, #tpu.memory_space<vmem>>, vector<1x16xf32>,
        %swap3A_629 = vector.shape_cast %swap3A_628 : vector<1x16xf32> to vector<16xf32>
        %swap3A_630 = vector.shape_cast %mul3A_625 : vector<16xf32> to vector<1x16xf32>
        tpu.vector_store %arg10[%swap3A_626, %swap3A_627], %swap3A_630 {strides = array<i32>} : memref<240x128xf32, #tpu.memory_space<vmem>>, vector<1x16xf32>,
        %mul3A_631 = arith.mulf %get3A_592, %broadcast_in_dim3A_561 : vector<16xf32>
        %swap3A_632 = arith.index_cast %add3A_568 : i32 to index
        %swap3A_633 = arith.constant 80 : index
        %swap3A_634 = tpu.vector_load %arg10[%swap3A_632, %swap3A_633] {strides = array<i32>} : memref<240x128xf32, #tpu.memory_space<vmem>>, vector<1x16xf32>,
        %swap3A_635 = vector.shape_cast %swap3A_634 : vector<1x16xf32> to vector<16xf32>
        %swap3A_636 = vector.shape_cast %mul3A_631 : vector<16xf32> to vector<1x16xf32>
        tpu.vector_store %arg10[%swap3A_632, %swap3A_633], %swap3A_636 {strides = array<i32>} : memref<240x128xf32, #tpu.memory_space<vmem>>, vector<1x16xf32>,
        %mul3A_637 = arith.mulf %get3A_596, %broadcast_in_dim3A_561 : vector<16xf32>
        %swap3A_638 = arith.index_cast %add3A_568 : i32 to index
        %swap3A_639 = arith.constant 96 : index
        %swap3A_640 = tpu.vector_load %arg10[%swap3A_638, %swap3A_639] {strides = array<i32>} : memref<240x128xf32, #tpu.memory_space<vmem>>, vector<1x16xf32>,
        %swap3A_641 = vector.shape_cast %swap3A_640 : vector<1x16xf32> to vector<16xf32>
        %swap3A_642 = vector.shape_cast %mul3A_637 : vector<16xf32> to vector<1x16xf32>
        tpu.vector_store %arg10[%swap3A_638, %swap3A_639], %swap3A_642 {strides = array<i32>} : memref<240x128xf32, #tpu.memory_space<vmem>>, vector<1x16xf32>,
        %mul3A_643 = arith.mulf %get3A_600, %broadcast_in_dim3A_561 : vector<16xf32>
        %swap3A_644 = arith.index_cast %add3A_568 : i32 to index
        %swap3A_645 = arith.constant 112 : index
        %swap3A_646 = tpu.vector_load %arg10[%swap3A_644, %swap3A_645] {strides = array<i32>} : memref<240x128xf32, #tpu.memory_space<vmem>>, vector<1x16xf32>,
        %swap3A_647 = vector.shape_cast %swap3A_646 : vector<1x16xf32> to vector<16xf32>
        %swap3A_648 = vector.shape_cast %mul3A_643 : vector<16xf32> to vector<1x16xf32>
        tpu.vector_store %arg10[%swap3A_644, %swap3A_645], %swap3A_648 {strides = array<i32>} : memref<240x128xf32, #tpu.memory_space<vmem>>, vector<1x16xf32>,
        %slice3A_649 = vector.extract_strided_slice %get3A_292 {offsets = [4], sizes = [1], strides = [1]} : vector<16xf32> to vector<1xf32>
        %squeeze3A_650 = vector.extract %slice3A_649[0] : f32 from vector<1xf32>
        %broadcast_in_dim3A_651 = vector.broadcast %squeeze3A_650 : f32 to vector<16xf32>
        %mul3A_652 = arith.constant 80 : i32
        %mul3A_653 = arith.muli %rem3A_233, %mul3A_652 : i32
        %mul3A_654 = arith.constant 16 : i32
        %mul3A_655 = arith.muli %scan3A_286, %mul3A_654 : i32
        %add3A_656 = arith.addi %mul3A_653, %mul3A_655 : i32
        %add3A_657 = arith.constant 4 : i32
        %add3A_658 = arith.addi %add3A_656, %add3A_657 : i32
        %get3A_659 = arith.index_cast %add3A_658 : i32 to index
        %get3A_660 = arith.constant 0 : index
        %get3A_661 = tpu.vector_load %arg10[%get3A_659, %get3A_660] {strides = array<i32>} : memref<240x128xf32, #tpu.memory_space<vmem>>, vector<1x16xf32>,
        %get3A_662 = vector.shape_cast %get3A_661 : vector<1x16xf32> to vector<16xf32>
        %get3A_663 = arith.index_cast %add3A_658 : i32 to index
        %get3A_664 = arith.constant 16 : index
        %get3A_665 = tpu.vector_load %arg10[%get3A_663, %get3A_664] {strides = array<i32>} : memref<240x128xf32, #tpu.memory_space<vmem>>, vector<1x16xf32>,
        %get3A_666 = vector.shape_cast %get3A_665 : vector<1x16xf32> to vector<16xf32>
        %get3A_667 = arith.index_cast %add3A_658 : i32 to index
        %get3A_668 = arith.constant 32 : index
        %get3A_669 = tpu.vector_load %arg10[%get3A_667, %get3A_668] {strides = array<i32>} : memref<240x128xf32, #tpu.memory_space<vmem>>, vector<1x16xf32>,
        %get3A_670 = vector.shape_cast %get3A_669 : vector<1x16xf32> to vector<16xf32>
        %get3A_671 = arith.index_cast %add3A_658 : i32 to index
        %get3A_672 = arith.constant 48 : index
        %get3A_673 = tpu.vector_load %arg10[%get3A_671, %get3A_672] {strides = array<i32>} : memref<240x128xf32, #tpu.memory_space<vmem>>, vector<1x16xf32>,
        %get3A_674 = vector.shape_cast %get3A_673 : vector<1x16xf32> to vector<16xf32>
        %get3A_675 = arith.index_cast %add3A_658 : i32 to index
        %get3A_676 = arith.constant 64 : index
        %get3A_677 = tpu.vector_load %arg10[%get3A_675, %get3A_676] {strides = array<i32>} : memref<240x128xf32, #tpu.memory_space<vmem>>, vector<1x16xf32>,
        %get3A_678 = vector.shape_cast %get3A_677 : vector<1x16xf32> to vector<16xf32>
        %get3A_679 = arith.index_cast %add3A_658 : i32 to index
        %get3A_680 = arith.constant 80 : index
        %get3A_681 = tpu.vector_load %arg10[%get3A_679, %get3A_680] {strides = array<i32>} : memref<240x128xf32, #tpu.memory_space<vmem>>, vector<1x16xf32>,
        %get3A_682 = vector.shape_cast %get3A_681 : vector<1x16xf32> to vector<16xf32>
        %get3A_683 = arith.index_cast %add3A_658 : i32 to index
        %get3A_684 = arith.constant 96 : index
        %get3A_685 = tpu.vector_load %arg10[%get3A_683, %get3A_684] {strides = array<i32>} : memref<240x128xf32, #tpu.memory_space<vmem>>, vector<1x16xf32>,
        %get3A_686 = vector.shape_cast %get3A_685 : vector<1x16xf32> to vector<16xf32>
        %get3A_687 = arith.index_cast %add3A_658 : i32 to index
        %get3A_688 = arith.constant 112 : index
        %get3A_689 = tpu.vector_load %arg10[%get3A_687, %get3A_688] {strides = array<i32>} : memref<240x128xf32, #tpu.memory_space<vmem>>, vector<1x16xf32>,
        %get3A_690 = vector.shape_cast %get3A_689 : vector<1x16xf32> to vector<16xf32>
        %mul3A_691 = arith.mulf %get3A_662, %broadcast_in_dim3A_651 : vector<16xf32>
        %swap3A_692 = arith.index_cast %add3A_658 : i32 to index
        %swap3A_693 = arith.constant 0 : index
        %swap3A_694 = tpu.vector_load %arg10[%swap3A_692, %swap3A_693] {strides = array<i32>} : memref<240x128xf32, #tpu.memory_space<vmem>>, vector<1x16xf32>,
        %swap3A_695 = vector.shape_cast %swap3A_694 : vector<1x16xf32> to vector<16xf32>
        %swap3A_696 = vector.shape_cast %mul3A_691 : vector<16xf32> to vector<1x16xf32>
        tpu.vector_store %arg10[%swap3A_692, %swap3A_693], %swap3A_696 {strides = array<i32>} : memref<240x128xf32, #tpu.memory_space<vmem>>, vector<1x16xf32>,
        %mul3A_697 = arith.mulf %get3A_666, %broadcast_in_dim3A_651 : vector<16xf32>
        %swap3A_698 = arith.index_cast %add3A_658 : i32 to index
        %swap3A_699 = arith.constant 16 : index
        %swap3A_700 = tpu.vector_load %arg10[%swap3A_698, %swap3A_699] {strides = array<i32>} : memref<240x128xf32, #tpu.memory_space<vmem>>, vector<1x16xf32>,
        %swap3A_701 = vector.shape_cast %swap3A_700 : vector<1x16xf32> to vector<16xf32>
        %swap3A_702 = vector.shape_cast %mul3A_697 : vector<16xf32> to vector<1x16xf32>
        tpu.vector_store %arg10[%swap3A_698, %swap3A_699], %swap3A_702 {strides = array<i32>} : memref<240x128xf32, #tpu.memory_space<vmem>>, vector<1x16xf32>,
        %mul3A_703 = arith.mulf %get3A_670, %broadcast_in_dim3A_651 : vector<16xf32>
        %swap3A_704 = arith.index_cast %add3A_658 : i32 to index
        %swap3A_705 = arith.constant 32 : index
        %swap3A_706 = tpu.vector_load %arg10[%swap3A_704, %swap3A_705] {strides = array<i32>} : memref<240x128xf32, #tpu.memory_space<vmem>>, vector<1x16xf32>,
        %swap3A_707 = vector.shape_cast %swap3A_706 : vector<1x16xf32> to vector<16xf32>
        %swap3A_708 = vector.shape_cast %mul3A_703 : vector<16xf32> to vector<1x16xf32>
        tpu.vector_store %arg10[%swap3A_704, %swap3A_705], %swap3A_708 {strides = array<i32>} : memref<240x128xf32, #tpu.memory_space<vmem>>, vector<1x16xf32>,
        %mul3A_709 = arith.mulf %get3A_674, %broadcast_in_dim3A_651 : vector<16xf32>
        %swap3A_710 = arith.index_cast %add3A_658 : i32 to index
        %swap3A_711 = arith.constant 48 : index
        %swap3A_712 = tpu.vector_load %arg10[%swap3A_710, %swap3A_711] {strides = array<i32>} : memref<240x128xf32, #tpu.memory_space<vmem>>, vector<1x16xf32>,
        %swap3A_713 = vector.shape_cast %swap3A_712 : vector<1x16xf32> to vector<16xf32>
        %swap3A_714 = vector.shape_cast %mul3A_709 : vector<16xf32> to vector<1x16xf32>
        tpu.vector_store %arg10[%swap3A_710, %swap3A_711], %swap3A_714 {strides = array<i32>} : memref<240x128xf32, #tpu.memory_space<vmem>>, vector<1x16xf32>,
        %mul3A_715 = arith.mulf %get3A_678, %broadcast_in_dim3A_651 : vector<16xf32>
        %swap3A_716 = arith.index_cast %add3A_658 : i32 to index
        %swap3A_717 = arith.constant 64 : index
        %swap3A_718 = tpu.vector_load %arg10[%swap3A_716, %swap3A_717] {strides = array<i32>} : memref<240x128xf32, #tpu.memory_space<vmem>>, vector<1x16xf32>,
        %swap3A_719 = vector.shape_cast %swap3A_718 : vector<1x16xf32> to vector<16xf32>
        %swap3A_720 = vector.shape_cast %mul3A_715 : vector<16xf32> to vector<1x16xf32>
        tpu.vector_store %arg10[%swap3A_716, %swap3A_717], %swap3A_720 {strides = array<i32>} : memref<240x128xf32, #tpu.memory_space<vmem>>, vector<1x16xf32>,
        %mul3A_721 = arith.mulf %get3A_682, %broadcast_in_dim3A_651 : vector<16xf32>
        %swap3A_722 = arith.index_cast %add3A_658 : i32 to index
        %swap3A_723 = arith.constant 80 : index
        %swap3A_724 = tpu.vector_load %arg10[%swap3A_722, %swap3A_723] {strides = array<i32>} : memref<240x128xf32, #tpu.memory_space<vmem>>, vector<1x16xf32>,
        %swap3A_725 = vector.shape_cast %swap3A_724 : vector<1x16xf32> to vector<16xf32>
        %swap3A_726 = vector.shape_cast %mul3A_721 : vector<16xf32> to vector<1x16xf32>
        tpu.vector_store %arg10[%swap3A_722, %swap3A_723], %swap3A_726 {strides = array<i32>} : memref<240x128xf32, #tpu.memory_space<vmem>>, vector<1x16xf32>,
        %mul3A_727 = arith.mulf %get3A_686, %broadcast_in_dim3A_651 : vector<16xf32>
        %swap3A_728 = arith.index_cast %add3A_658 : i32 to index
        %swap3A_729 = arith.constant 96 : index
        %swap3A_730 = tpu.vector_load %arg10[%swap3A_728, %swap3A_729] {strides = array<i32>} : memref<240x128xf32, #tpu.memory_space<vmem>>, vector<1x16xf32>,
        %swap3A_731 = vector.shape_cast %swap3A_730 : vector<1x16xf32> to vector<16xf32>
        %swap3A_732 = vector.shape_cast %mul3A_727 : vector<16xf32> to vector<1x16xf32>
        tpu.vector_store %arg10[%swap3A_728, %swap3A_729], %swap3A_732 {strides = array<i32>} : memref<240x128xf32, #tpu.memory_space<vmem>>, vector<1x16xf32>,
        %mul3A_733 = arith.mulf %get3A_690, %broadcast_in_dim3A_651 : vector<16xf32>
        %swap3A_734 = arith.index_cast %add3A_658 : i32 to index
        %swap3A_735 = arith.constant 112 : index
        %swap3A_736 = tpu.vector_load %arg10[%swap3A_734, %swap3A_735] {strides = array<i32>} : memref<240x128xf32, #tpu.memory_space<vmem>>, vector<1x16xf32>,
        %swap3A_737 = vector.shape_cast %swap3A_736 : vector<1x16xf32> to vector<16xf32>
        %swap3A_738 = vector.shape_cast %mul3A_733 : vector<16xf32> to vector<1x16xf32>
        tpu.vector_store %arg10[%swap3A_734, %swap3A_735], %swap3A_738 {strides = array<i32>} : memref<240x128xf32, #tpu.memory_space<vmem>>, vector<1x16xf32>,
        %slice3A_739 = vector.extract_strided_slice %get3A_292 {offsets = [5], sizes = [1], strides = [1]} : vector<16xf32> to vector<1xf32>
        %squeeze3A_740 = vector.extract %slice3A_739[0] : f32 from vector<1xf32>
        %broadcast_in_dim3A_741 = vector.broadcast %squeeze3A_740 : f32 to vector<16xf32>
        %mul3A_742 = arith.constant 80 : i32
        %mul3A_743 = arith.muli %rem3A_233, %mul3A_742 : i32
        %mul3A_744 = arith.constant 16 : i32
        %mul3A_745 = arith.muli %scan3A_286, %mul3A_744 : i32
        %add3A_746 = arith.addi %mul3A_743, %mul3A_745 : i32
        %add3A_747 = arith.constant 5 : i32
        %add3A_748 = arith.addi %add3A_746, %add3A_747 : i32
        %get3A_749 = arith.index_cast %add3A_748 : i32 to index
        %get3A_750 = arith.constant 0 : index
        %get3A_751 = tpu.vector_load %arg10[%get3A_749, %get3A_750] {strides = array<i32>} : memref<240x128xf32, #tpu.memory_space<vmem>>, vector<1x16xf32>,
        %get3A_752 = vector.shape_cast %get3A_751 : vector<1x16xf32> to vector<16xf32>
        %get3A_753 = arith.index_cast %add3A_748 : i32 to index
        %get3A_754 = arith.constant 16 : index
        %get3A_755 = tpu.vector_load %arg10[%get3A_753, %get3A_754] {strides = array<i32>} : memref<240x128xf32, #tpu.memory_space<vmem>>, vector<1x16xf32>,
        %get3A_756 = vector.shape_cast %get3A_755 : vector<1x16xf32> to vector<16xf32>
        %get3A_757 = arith.index_cast %add3A_748 : i32 to index
        %get3A_758 = arith.constant 32 : index
        %get3A_759 = tpu.vector_load %arg10[%get3A_757, %get3A_758] {strides = array<i32>} : memref<240x128xf32, #tpu.memory_space<vmem>>, vector<1x16xf32>,
        %get3A_760 = vector.shape_cast %get3A_759 : vector<1x16xf32> to vector<16xf32>
        %get3A_761 = arith.index_cast %add3A_748 : i32 to index
        %get3A_762 = arith.constant 48 : index
        %get3A_763 = tpu.vector_load %arg10[%get3A_761, %get3A_762] {strides = array<i32>} : memref<240x128xf32, #tpu.memory_space<vmem>>, vector<1x16xf32>,
        %get3A_764 = vector.shape_cast %get3A_763 : vector<1x16xf32> to vector<16xf32>
        %get3A_765 = arith.index_cast %add3A_748 : i32 to index
        %get3A_766 = arith.constant 64 : index
        %get3A_767 = tpu.vector_load %arg10[%get3A_765, %get3A_766] {strides = array<i32>} : memref<240x128xf32, #tpu.memory_space<vmem>>, vector<1x16xf32>,
        %get3A_768 = vector.shape_cast %get3A_767 : vector<1x16xf32> to vector<16xf32>
        %get3A_769 = arith.index_cast %add3A_748 : i32 to index
        %get3A_770 = arith.constant 80 : index
        %get3A_771 = tpu.vector_load %arg10[%get3A_769, %get3A_770] {strides = array<i32>} : memref<240x128xf32, #tpu.memory_space<vmem>>, vector<1x16xf32>,
        %get3A_772 = vector.shape_cast %get3A_771 : vector<1x16xf32> to vector<16xf32>
        %get3A_773 = arith.index_cast %add3A_748 : i32 to index
        %get3A_774 = arith.constant 96 : index
        %get3A_775 = tpu.vector_load %arg10[%get3A_773, %get3A_774] {strides = array<i32>} : memref<240x128xf32, #tpu.memory_space<vmem>>, vector<1x16xf32>,
        %get3A_776 = vector.shape_cast %get3A_775 : vector<1x16xf32> to vector<16xf32>
        %get3A_777 = arith.index_cast %add3A_748 : i32 to index
        %get3A_778 = arith.constant 112 : index
        %get3A_779 = tpu.vector_load %arg10[%get3A_777, %get3A_778] {strides = array<i32>} : memref<240x128xf32, #tpu.memory_space<vmem>>, vector<1x16xf32>,
        %get3A_780 = vector.shape_cast %get3A_779 : vector<1x16xf32> to vector<16xf32>
        %mul3A_781 = arith.mulf %get3A_752, %broadcast_in_dim3A_741 : vector<16xf32>
        %swap3A_782 = arith.index_cast %add3A_748 : i32 to index
        %swap3A_783 = arith.constant 0 : index
        %swap3A_784 = tpu.vector_load %arg10[%swap3A_782, %swap3A_783] {strides = array<i32>} : memref<240x128xf32, #tpu.memory_space<vmem>>, vector<1x16xf32>,
        %swap3A_785 = vector.shape_cast %swap3A_784 : vector<1x16xf32> to vector<16xf32>
        %swap3A_786 = vector.shape_cast %mul3A_781 : vector<16xf32> to vector<1x16xf32>
        tpu.vector_store %arg10[%swap3A_782, %swap3A_783], %swap3A_786 {strides = array<i32>} : memref<240x128xf32, #tpu.memory_space<vmem>>, vector<1x16xf32>,
        %mul3A_787 = arith.mulf %get3A_756, %broadcast_in_dim3A_741 : vector<16xf32>
        %swap3A_788 = arith.index_cast %add3A_748 : i32 to index
        %swap3A_789 = arith.constant 16 : index
        %swap3A_790 = tpu.vector_load %arg10[%swap3A_788, %swap3A_789] {strides = array<i32>} : memref<240x128xf32, #tpu.memory_space<vmem>>, vector<1x16xf32>,
        %swap3A_791 = vector.shape_cast %swap3A_790 : vector<1x16xf32> to vector<16xf32>
        %swap3A_792 = vector.shape_cast %mul3A_787 : vector<16xf32> to vector<1x16xf32>
        tpu.vector_store %arg10[%swap3A_788, %swap3A_789], %swap3A_792 {strides = array<i32>} : memref<240x128xf32, #tpu.memory_space<vmem>>, vector<1x16xf32>,
        %mul3A_793 = arith.mulf %get3A_760, %broadcast_in_dim3A_741 : vector<16xf32>
        %swap3A_794 = arith.index_cast %add3A_748 : i32 to index
        %swap3A_795 = arith.constant 32 : index
        %swap3A_796 = tpu.vector_load %arg10[%swap3A_794, %swap3A_795] {strides = array<i32>} : memref<240x128xf32, #tpu.memory_space<vmem>>, vector<1x16xf32>,
        %swap3A_797 = vector.shape_cast %swap3A_796 : vector<1x16xf32> to vector<16xf32>
        %swap3A_798 = vector.shape_cast %mul3A_793 : vector<16xf32> to vector<1x16xf32>
        tpu.vector_store %arg10[%swap3A_794, %swap3A_795], %swap3A_798 {strides = array<i32>} : memref<240x128xf32, #tpu.memory_space<vmem>>, vector<1x16xf32>,
        %mul3A_799 = arith.mulf %get3A_764, %broadcast_in_dim3A_741 : vector<16xf32>
        %swap3A_800 = arith.index_cast %add3A_748 : i32 to index
        %swap3A_801 = arith.constant 48 : index
        %swap3A_802 = tpu.vector_load %arg10[%swap3A_800, %swap3A_801] {strides = array<i32>} : memref<240x128xf32, #tpu.memory_space<vmem>>, vector<1x16xf32>,
        %swap3A_803 = vector.shape_cast %swap3A_802 : vector<1x16xf32> to vector<16xf32>
        %swap3A_804 = vector.shape_cast %mul3A_799 : vector<16xf32> to vector<1x16xf32>
        tpu.vector_store %arg10[%swap3A_800, %swap3A_801], %swap3A_804 {strides = array<i32>} : memref<240x128xf32, #tpu.memory_space<vmem>>, vector<1x16xf32>,
        %mul3A_805 = arith.mulf %get3A_768, %broadcast_in_dim3A_741 : vector<16xf32>
        %swap3A_806 = arith.index_cast %add3A_748 : i32 to index
        %swap3A_807 = arith.constant 64 : index
        %swap3A_808 = tpu.vector_load %arg10[%swap3A_806, %swap3A_807] {strides = array<i32>} : memref<240x128xf32, #tpu.memory_space<vmem>>, vector<1x16xf32>,
        %swap3A_809 = vector.shape_cast %swap3A_808 : vector<1x16xf32> to vector<16xf32>
        %swap3A_810 = vector.shape_cast %mul3A_805 : vector<16xf32> to vector<1x16xf32>
        tpu.vector_store %arg10[%swap3A_806, %swap3A_807], %swap3A_810 {strides = array<i32>} : memref<240x128xf32, #tpu.memory_space<vmem>>, vector<1x16xf32>,
        %mul3A_811 = arith.mulf %get3A_772, %broadcast_in_dim3A_741 : vector<16xf32>
        %swap3A_812 = arith.index_cast %add3A_748 : i32 to index
        %swap3A_813 = arith.constant 80 : index
        %swap3A_814 = tpu.vector_load %arg10[%swap3A_812, %swap3A_813] {strides = array<i32>} : memref<240x128xf32, #tpu.memory_space<vmem>>, vector<1x16xf32>,
        %swap3A_815 = vector.shape_cast %swap3A_814 : vector<1x16xf32> to vector<16xf32>
        %swap3A_816 = vector.shape_cast %mul3A_811 : vector<16xf32> to vector<1x16xf32>
        tpu.vector_store %arg10[%swap3A_812, %swap3A_813], %swap3A_816 {strides = array<i32>} : memref<240x128xf32, #tpu.memory_space<vmem>>, vector<1x16xf32>,
        %mul3A_817 = arith.mulf %get3A_776, %broadcast_in_dim3A_741 : vector<16xf32>
        %swap3A_818 = arith.index_cast %add3A_748 : i32 to index
        %swap3A_819 = arith.constant 96 : index
        %swap3A_820 = tpu.vector_load %arg10[%swap3A_818, %swap3A_819] {strides = array<i32>} : memref<240x128xf32, #tpu.memory_space<vmem>>, vector<1x16xf32>,
        %swap3A_821 = vector.shape_cast %swap3A_820 : vector<1x16xf32> to vector<16xf32>
        %swap3A_822 = vector.shape_cast %mul3A_817 : vector<16xf32> to vector<1x16xf32>
        tpu.vector_store %arg10[%swap3A_818, %swap3A_819], %swap3A_822 {strides = array<i32>} : memref<240x128xf32, #tpu.memory_space<vmem>>, vector<1x16xf32>,
        %mul3A_823 = arith.mulf %get3A_780, %broadcast_in_dim3A_741 : vector<16xf32>
        %swap3A_824 = arith.index_cast %add3A_748 : i32 to index
        %swap3A_825 = arith.constant 112 : index
        %swap3A_826 = tpu.vector_load %arg10[%swap3A_824, %swap3A_825] {strides = array<i32>} : memref<240x128xf32, #tpu.memory_space<vmem>>, vector<1x16xf32>,
        %swap3A_827 = vector.shape_cast %swap3A_826 : vector<1x16xf32> to vector<16xf32>
        %swap3A_828 = vector.shape_cast %mul3A_823 : vector<16xf32> to vector<1x16xf32>
        tpu.vector_store %arg10[%swap3A_824, %swap3A_825], %swap3A_828 {strides = array<i32>} : memref<240x128xf32, #tpu.memory_space<vmem>>, vector<1x16xf32>,
        %slice3A_829 = vector.extract_strided_slice %get3A_292 {offsets = [6], sizes = [1], strides = [1]} : vector<16xf32> to vector<1xf32>
        %squeeze3A_830 = vector.extract %slice3A_829[0] : f32 from vector<1xf32>
        %broadcast_in_dim3A_831 = vector.broadcast %squeeze3A_830 : f32 to vector<16xf32>
        %mul3A_832 = arith.constant 80 : i32
        %mul3A_833 = arith.muli %rem3A_233, %mul3A_832 : i32
        %mul3A_834 = arith.constant 16 : i32
        %mul3A_835 = arith.muli %scan3A_286, %mul3A_834 : i32
        %add3A_836 = arith.addi %mul3A_833, %mul3A_835 : i32
        %add3A_837 = arith.constant 6 : i32
        %add3A_838 = arith.addi %add3A_836, %add3A_837 : i32
        %get3A_839 = arith.index_cast %add3A_838 : i32 to index
        %get3A_840 = arith.constant 0 : index
        %get3A_841 = tpu.vector_load %arg10[%get3A_839, %get3A_840] {strides = array<i32>} : memref<240x128xf32, #tpu.memory_space<vmem>>, vector<1x16xf32>,
        %get3A_842 = vector.shape_cast %get3A_841 : vector<1x16xf32> to vector<16xf32>
        %get3A_843 = arith.index_cast %add3A_838 : i32 to index
        %get3A_844 = arith.constant 16 : index
        %get3A_845 = tpu.vector_load %arg10[%get3A_843, %get3A_844] {strides = array<i32>} : memref<240x128xf32, #tpu.memory_space<vmem>>, vector<1x16xf32>,
        %get3A_846 = vector.shape_cast %get3A_845 : vector<1x16xf32> to vector<16xf32>
        %get3A_847 = arith.index_cast %add3A_838 : i32 to index
        %get3A_848 = arith.constant 32 : index
        %get3A_849 = tpu.vector_load %arg10[%get3A_847, %get3A_848] {strides = array<i32>} : memref<240x128xf32, #tpu.memory_space<vmem>>, vector<1x16xf32>,
        %get3A_850 = vector.shape_cast %get3A_849 : vector<1x16xf32> to vector<16xf32>
        %get3A_851 = arith.index_cast %add3A_838 : i32 to index
        %get3A_852 = arith.constant 48 : index
        %get3A_853 = tpu.vector_load %arg10[%get3A_851, %get3A_852] {strides = array<i32>} : memref<240x128xf32, #tpu.memory_space<vmem>>, vector<1x16xf32>,
        %get3A_854 = vector.shape_cast %get3A_853 : vector<1x16xf32> to vector<16xf32>
        %get3A_855 = arith.index_cast %add3A_838 : i32 to index
        %get3A_856 = arith.constant 64 : index
        %get3A_857 = tpu.vector_load %arg10[%get3A_855, %get3A_856] {strides = array<i32>} : memref<240x128xf32, #tpu.memory_space<vmem>>, vector<1x16xf32>,
        %get3A_858 = vector.shape_cast %get3A_857 : vector<1x16xf32> to vector<16xf32>
        %get3A_859 = arith.index_cast %add3A_838 : i32 to index
        %get3A_860 = arith.constant 80 : index
        %get3A_861 = tpu.vector_load %arg10[%get3A_859, %get3A_860] {strides = array<i32>} : memref<240x128xf32, #tpu.memory_space<vmem>>, vector<1x16xf32>,
        %get3A_862 = vector.shape_cast %get3A_861 : vector<1x16xf32> to vector<16xf32>
        %get3A_863 = arith.index_cast %add3A_838 : i32 to index
        %get3A_864 = arith.constant 96 : index
        %get3A_865 = tpu.vector_load %arg10[%get3A_863, %get3A_864] {strides = array<i32>} : memref<240x128xf32, #tpu.memory_space<vmem>>, vector<1x16xf32>,
        %get3A_866 = vector.shape_cast %get3A_865 : vector<1x16xf32> to vector<16xf32>
        %get3A_867 = arith.index_cast %add3A_838 : i32 to index
        %get3A_868 = arith.constant 112 : index
        %get3A_869 = tpu.vector_load %arg10[%get3A_867, %get3A_868] {strides = array<i32>} : memref<240x128xf32, #tpu.memory_space<vmem>>, vector<1x16xf32>,
        %get3A_870 = vector.shape_cast %get3A_869 : vector<1x16xf32> to vector<16xf32>
        %mul3A_871 = arith.mulf %get3A_842, %broadcast_in_dim3A_831 : vector<16xf32>
        %swap3A_872 = arith.index_cast %add3A_838 : i32 to index
        %swap3A_873 = arith.constant 0 : index
        %swap3A_874 = tpu.vector_load %arg10[%swap3A_872, %swap3A_873] {strides = array<i32>} : memref<240x128xf32, #tpu.memory_space<vmem>>, vector<1x16xf32>,
        %swap3A_875 = vector.shape_cast %swap3A_874 : vector<1x16xf32> to vector<16xf32>
        %swap3A_876 = vector.shape_cast %mul3A_871 : vector<16xf32> to vector<1x16xf32>
        tpu.vector_store %arg10[%swap3A_872, %swap3A_873], %swap3A_876 {strides = array<i32>} : memref<240x128xf32, #tpu.memory_space<vmem>>, vector<1x16xf32>,
        %mul3A_877 = arith.mulf %get3A_846, %broadcast_in_dim3A_831 : vector<16xf32>
        %swap3A_878 = arith.index_cast %add3A_838 : i32 to index
        %swap3A_879 = arith.constant 16 : index
        %swap3A_880 = tpu.vector_load %arg10[%swap3A_878, %swap3A_879] {strides = array<i32>} : memref<240x128xf32, #tpu.memory_space<vmem>>, vector<1x16xf32>,
        %swap3A_881 = vector.shape_cast %swap3A_880 : vector<1x16xf32> to vector<16xf32>
        %swap3A_882 = vector.shape_cast %mul3A_877 : vector<16xf32> to vector<1x16xf32>
        tpu.vector_store %arg10[%swap3A_878, %swap3A_879], %swap3A_882 {strides = array<i32>} : memref<240x128xf32, #tpu.memory_space<vmem>>, vector<1x16xf32>,
        %mul3A_883 = arith.mulf %get3A_850, %broadcast_in_dim3A_831 : vector<16xf32>
        %swap3A_884 = arith.index_cast %add3A_838 : i32 to index
        %swap3A_885 = arith.constant 32 : index
        %swap3A_886 = tpu.vector_load %arg10[%swap3A_884, %swap3A_885] {strides = array<i32>} : memref<240x128xf32, #tpu.memory_space<vmem>>, vector<1x16xf32>,
        %swap3A_887 = vector.shape_cast %swap3A_886 : vector<1x16xf32> to vector<16xf32>
        %swap3A_888 = vector.shape_cast %mul3A_883 : vector<16xf32> to vector<1x16xf32>
        tpu.vector_store %arg10[%swap3A_884, %swap3A_885], %swap3A_888 {strides = array<i32>} : memref<240x128xf32, #tpu.memory_space<vmem>>, vector<1x16xf32>,
        %mul3A_889 = arith.mulf %get3A_854, %broadcast_in_dim3A_831 : vector<16xf32>
        %swap3A_890 = arith.index_cast %add3A_838 : i32 to index
        %swap3A_891 = arith.constant 48 : index
        %swap3A_892 = tpu.vector_load %arg10[%swap3A_890, %swap3A_891] {strides = array<i32>} : memref<240x128xf32, #tpu.memory_space<vmem>>, vector<1x16xf32>,
        %swap3A_893 = vector.shape_cast %swap3A_892 : vector<1x16xf32> to vector<16xf32>
        %swap3A_894 = vector.shape_cast %mul3A_889 : vector<16xf32> to vector<1x16xf32>
        tpu.vector_store %arg10[%swap3A_890, %swap3A_891], %swap3A_894 {strides = array<i32>} : memref<240x128xf32, #tpu.memory_space<vmem>>, vector<1x16xf32>,
        %mul3A_895 = arith.mulf %get3A_858, %broadcast_in_dim3A_831 : vector<16xf32>
        %swap3A_896 = arith.index_cast %add3A_838 : i32 to index
        %swap3A_897 = arith.constant 64 : index
        %swap3A_898 = tpu.vector_load %arg10[%swap3A_896, %swap3A_897] {strides = array<i32>} : memref<240x128xf32, #tpu.memory_space<vmem>>, vector<1x16xf32>,
        %swap3A_899 = vector.shape_cast %swap3A_898 : vector<1x16xf32> to vector<16xf32>
        %swap3A_900 = vector.shape_cast %mul3A_895 : vector<16xf32> to vector<1x16xf32>
        tpu.vector_store %arg10[%swap3A_896, %swap3A_897], %swap3A_900 {strides = array<i32>} : memref<240x128xf32, #tpu.memory_space<vmem>>, vector<1x16xf32>,
        %mul3A_901 = arith.mulf %get3A_862, %broadcast_in_dim3A_831 : vector<16xf32>
        %swap3A_902 = arith.index_cast %add3A_838 : i32 to index
        %swap3A_903 = arith.constant 80 : index
        %swap3A_904 = tpu.vector_load %arg10[%swap3A_902, %swap3A_903] {strides = array<i32>} : memref<240x128xf32, #tpu.memory_space<vmem>>, vector<1x16xf32>,
        %swap3A_905 = vector.shape_cast %swap3A_904 : vector<1x16xf32> to vector<16xf32>
        %swap3A_906 = vector.shape_cast %mul3A_901 : vector<16xf32> to vector<1x16xf32>
        tpu.vector_store %arg10[%swap3A_902, %swap3A_903], %swap3A_906 {strides = array<i32>} : memref<240x128xf32, #tpu.memory_space<vmem>>, vector<1x16xf32>,
        %mul3A_907 = arith.mulf %get3A_866, %broadcast_in_dim3A_831 : vector<16xf32>
        %swap3A_908 = arith.index_cast %add3A_838 : i32 to index
        %swap3A_909 = arith.constant 96 : index
        %swap3A_910 = tpu.vector_load %arg10[%swap3A_908, %swap3A_909] {strides = array<i32>} : memref<240x128xf32, #tpu.memory_space<vmem>>, vector<1x16xf32>,
        %swap3A_911 = vector.shape_cast %swap3A_910 : vector<1x16xf32> to vector<16xf32>
        %swap3A_912 = vector.shape_cast %mul3A_907 : vector<16xf32> to vector<1x16xf32>
        tpu.vector_store %arg10[%swap3A_908, %swap3A_909], %swap3A_912 {strides = array<i32>} : memref<240x128xf32, #tpu.memory_space<vmem>>, vector<1x16xf32>,
        %mul3A_913 = arith.mulf %get3A_870, %broadcast_in_dim3A_831 : vector<16xf32>
        %swap3A_914 = arith.index_cast %add3A_838 : i32 to index
        %swap3A_915 = arith.constant 112 : index
        %swap3A_916 = tpu.vector_load %arg10[%swap3A_914, %swap3A_915] {strides = array<i32>} : memref<240x128xf32, #tpu.memory_space<vmem>>, vector<1x16xf32>,
        %swap3A_917 = vector.shape_cast %swap3A_916 : vector<1x16xf32> to vector<16xf32>
        %swap3A_918 = vector.shape_cast %mul3A_913 : vector<16xf32> to vector<1x16xf32>
        tpu.vector_store %arg10[%swap3A_914, %swap3A_915], %swap3A_918 {strides = array<i32>} : memref<240x128xf32, #tpu.memory_space<vmem>>, vector<1x16xf32>,
        %slice3A_919 = vector.extract_strided_slice %get3A_292 {offsets = [7], sizes = [1], strides = [1]} : vector<16xf32> to vector<1xf32>
        %squeeze3A_920 = vector.extract %slice3A_919[0] : f32 from vector<1xf32>
        %broadcast_in_dim3A_921 = vector.broadcast %squeeze3A_920 : f32 to vector<16xf32>
        %mul3A_922 = arith.constant 80 : i32
        %mul3A_923 = arith.muli %rem3A_233, %mul3A_922 : i32
        %mul3A_924 = arith.constant 16 : i32
        %mul3A_925 = arith.muli %scan3A_286, %mul3A_924 : i32
        %add3A_926 = arith.addi %mul3A_923, %mul3A_925 : i32
        %add3A_927 = arith.constant 7 : i32
        %add3A_928 = arith.addi %add3A_926, %add3A_927 : i32
        %get3A_929 = arith.index_cast %add3A_928 : i32 to index
        %get3A_930 = arith.constant 0 : index
        %get3A_931 = tpu.vector_load %arg10[%get3A_929, %get3A_930] {strides = array<i32>} : memref<240x128xf32, #tpu.memory_space<vmem>>, vector<1x16xf32>,
        %get3A_932 = vector.shape_cast %get3A_931 : vector<1x16xf32> to vector<16xf32>
        %get3A_933 = arith.index_cast %add3A_928 : i32 to index
        %get3A_934 = arith.constant 16 : index
        %get3A_935 = tpu.vector_load %arg10[%get3A_933, %get3A_934] {strides = array<i32>} : memref<240x128xf32, #tpu.memory_space<vmem>>, vector<1x16xf32>,
        %get3A_936 = vector.shape_cast %get3A_935 : vector<1x16xf32> to vector<16xf32>
        %get3A_937 = arith.index_cast %add3A_928 : i32 to index
        %get3A_938 = arith.constant 32 : index
        %get3A_939 = tpu.vector_load %arg10[%get3A_937, %get3A_938] {strides = array<i32>} : memref<240x128xf32, #tpu.memory_space<vmem>>, vector<1x16xf32>,
        %get3A_940 = vector.shape_cast %get3A_939 : vector<1x16xf32> to vector<16xf32>
        %get3A_941 = arith.index_cast %add3A_928 : i32 to index
        %get3A_942 = arith.constant 48 : index
        %get3A_943 = tpu.vector_load %arg10[%get3A_941, %get3A_942] {strides = array<i32>} : memref<240x128xf32, #tpu.memory_space<vmem>>, vector<1x16xf32>,
        %get3A_944 = vector.shape_cast %get3A_943 : vector<1x16xf32> to vector<16xf32>
        %get3A_945 = arith.index_cast %add3A_928 : i32 to index
        %get3A_946 = arith.constant 64 : index
        %get3A_947 = tpu.vector_load %arg10[%get3A_945, %get3A_946] {strides = array<i32>} : memref<240x128xf32, #tpu.memory_space<vmem>>, vector<1x16xf32>,
        %get3A_948 = vector.shape_cast %get3A_947 : vector<1x16xf32> to vector<16xf32>
        %get3A_949 = arith.index_cast %add3A_928 : i32 to index
        %get3A_950 = arith.constant 80 : index
        %get3A_951 = tpu.vector_load %arg10[%get3A_949, %get3A_950] {strides = array<i32>} : memref<240x128xf32, #tpu.memory_space<vmem>>, vector<1x16xf32>,
        %get3A_952 = vector.shape_cast %get3A_951 : vector<1x16xf32> to vector<16xf32>
        %get3A_953 = arith.index_cast %add3A_928 : i32 to index
        %get3A_954 = arith.constant 96 : index
        %get3A_955 = tpu.vector_load %arg10[%get3A_953, %get3A_954] {strides = array<i32>} : memref<240x128xf32, #tpu.memory_space<vmem>>, vector<1x16xf32>,
        %get3A_956 = vector.shape_cast %get3A_955 : vector<1x16xf32> to vector<16xf32>
        %get3A_957 = arith.index_cast %add3A_928 : i32 to index
        %get3A_958 = arith.constant 112 : index
        %get3A_959 = tpu.vector_load %arg10[%get3A_957, %get3A_958] {strides = array<i32>} : memref<240x128xf32, #tpu.memory_space<vmem>>, vector<1x16xf32>,
        %get3A_960 = vector.shape_cast %get3A_959 : vector<1x16xf32> to vector<16xf32>
        %mul3A_961 = arith.mulf %get3A_932, %broadcast_in_dim3A_921 : vector<16xf32>
        %swap3A_962 = arith.index_cast %add3A_928 : i32 to index
        %swap3A_963 = arith.constant 0 : index
        %swap3A_964 = tpu.vector_load %arg10[%swap3A_962, %swap3A_963] {strides = array<i32>} : memref<240x128xf32, #tpu.memory_space<vmem>>, vector<1x16xf32>,
        %swap3A_965 = vector.shape_cast %swap3A_964 : vector<1x16xf32> to vector<16xf32>
        %swap3A_966 = vector.shape_cast %mul3A_961 : vector<16xf32> to vector<1x16xf32>
        tpu.vector_store %arg10[%swap3A_962, %swap3A_963], %swap3A_966 {strides = array<i32>} : memref<240x128xf32, #tpu.memory_space<vmem>>, vector<1x16xf32>,
        %mul3A_967 = arith.mulf %get3A_936, %broadcast_in_dim3A_921 : vector<16xf32>
        %swap3A_968 = arith.index_cast %add3A_928 : i32 to index
        %swap3A_969 = arith.constant 16 : index
        %swap3A_970 = tpu.vector_load %arg10[%swap3A_968, %swap3A_969] {strides = array<i32>} : memref<240x128xf32, #tpu.memory_space<vmem>>, vector<1x16xf32>,
        %swap3A_971 = vector.shape_cast %swap3A_970 : vector<1x16xf32> to vector<16xf32>
        %swap3A_972 = vector.shape_cast %mul3A_967 : vector<16xf32> to vector<1x16xf32>
        tpu.vector_store %arg10[%swap3A_968, %swap3A_969], %swap3A_972 {strides = array<i32>} : memref<240x128xf32, #tpu.memory_space<vmem>>, vector<1x16xf32>,
        %mul3A_973 = arith.mulf %get3A_940, %broadcast_in_dim3A_921 : vector<16xf32>
        %swap3A_974 = arith.index_cast %add3A_928 : i32 to index
        %swap3A_975 = arith.constant 32 : index
        %swap3A_976 = tpu.vector_load %arg10[%swap3A_974, %swap3A_975] {strides = array<i32>} : memref<240x128xf32, #tpu.memory_space<vmem>>, vector<1x16xf32>,
        %swap3A_977 = vector.shape_cast %swap3A_976 : vector<1x16xf32> to vector<16xf32>
        %swap3A_978 = vector.shape_cast %mul3A_973 : vector<16xf32> to vector<1x16xf32>
        tpu.vector_store %arg10[%swap3A_974, %swap3A_975], %swap3A_978 {strides = array<i32>} : memref<240x128xf32, #tpu.memory_space<vmem>>, vector<1x16xf32>,
        %mul3A_979 = arith.mulf %get3A_944, %broadcast_in_dim3A_921 : vector<16xf32>
        %swap3A_980 = arith.index_cast %add3A_928 : i32 to index
        %swap3A_981 = arith.constant 48 : index
        %swap3A_982 = tpu.vector_load %arg10[%swap3A_980, %swap3A_981] {strides = array<i32>} : memref<240x128xf32, #tpu.memory_space<vmem>>, vector<1x16xf32>,
        %swap3A_983 = vector.shape_cast %swap3A_982 : vector<1x16xf32> to vector<16xf32>
        %swap3A_984 = vector.shape_cast %mul3A_979 : vector<16xf32> to vector<1x16xf32>
        tpu.vector_store %arg10[%swap3A_980, %swap3A_981], %swap3A_984 {strides = array<i32>} : memref<240x128xf32, #tpu.memory_space<vmem>>, vector<1x16xf32>,
        %mul3A_985 = arith.mulf %get3A_948, %broadcast_in_dim3A_921 : vector<16xf32>
        %swap3A_986 = arith.index_cast %add3A_928 : i32 to index
        %swap3A_987 = arith.constant 64 : index
        %swap3A_988 = tpu.vector_load %arg10[%swap3A_986, %swap3A_987] {strides = array<i32>} : memref<240x128xf32, #tpu.memory_space<vmem>>, vector<1x16xf32>,
        %swap3A_989 = vector.shape_cast %swap3A_988 : vector<1x16xf32> to vector<16xf32>
        %swap3A_990 = vector.shape_cast %mul3A_985 : vector<16xf32> to vector<1x16xf32>
        tpu.vector_store %arg10[%swap3A_986, %swap3A_987], %swap3A_990 {strides = array<i32>} : memref<240x128xf32, #tpu.memory_space<vmem>>, vector<1x16xf32>,
        %mul3A_991 = arith.mulf %get3A_952, %broadcast_in_dim3A_921 : vector<16xf32>
        %swap3A_992 = arith.index_cast %add3A_928 : i32 to index
        %swap3A_993 = arith.constant 80 : index
        %swap3A_994 = tpu.vector_load %arg10[%swap3A_992, %swap3A_993] {strides = array<i32>} : memref<240x128xf32, #tpu.memory_space<vmem>>, vector<1x16xf32>,
        %swap3A_995 = vector.shape_cast %swap3A_994 : vector<1x16xf32> to vector<16xf32>
        %swap3A_996 = vector.shape_cast %mul3A_991 : vector<16xf32> to vector<1x16xf32>
        tpu.vector_store %arg10[%swap3A_992, %swap3A_993], %swap3A_996 {strides = array<i32>} : memref<240x128xf32, #tpu.memory_space<vmem>>, vector<1x16xf32>,
        %mul3A_997 = arith.mulf %get3A_956, %broadcast_in_dim3A_921 : vector<16xf32>
        %swap3A_998 = arith.index_cast %add3A_928 : i32 to index
        %swap3A_999 = arith.constant 96 : index
        %swap3A_1000 = tpu.vector_load %arg10[%swap3A_998, %swap3A_999] {strides = array<i32>} : memref<240x128xf32, #tpu.memory_space<vmem>>, vector<1x16xf32>,
        %swap3A_1001 = vector.shape_cast %swap3A_1000 : vector<1x16xf32> to vector<16xf32>
        %swap3A_1002 = vector.shape_cast %mul3A_997 : vector<16xf32> to vector<1x16xf32>
        tpu.vector_store %arg10[%swap3A_998, %swap3A_999], %swap3A_1002 {strides = array<i32>} : memref<240x128xf32, #tpu.memory_space<vmem>>, vector<1x16xf32>,
        %mul3A_1003 = arith.mulf %get3A_960, %broadcast_in_dim3A_921 : vector<16xf32>
        %swap3A_1004 = arith.index_cast %add3A_928 : i32 to index
        %swap3A_1005 = arith.constant 112 : index
        %swap3A_1006 = tpu.vector_load %arg10[%swap3A_1004, %swap3A_1005] {strides = array<i32>} : memref<240x128xf32, #tpu.memory_space<vmem>>, vector<1x16xf32>,
        %swap3A_1007 = vector.shape_cast %swap3A_1006 : vector<1x16xf32> to vector<16xf32>
        %swap3A_1008 = vector.shape_cast %mul3A_1003 : vector<16xf32> to vector<1x16xf32>
        tpu.vector_store %arg10[%swap3A_1004, %swap3A_1005], %swap3A_1008 {strides = array<i32>} : memref<240x128xf32, #tpu.memory_space<vmem>>, vector<1x16xf32>,
        %slice3A_1009 = vector.extract_strided_slice %get3A_292 {offsets = [8], sizes = [1], strides = [1]} : vector<16xf32> to vector<1xf32>
        %squeeze3A_1010 = vector.extract %slice3A_1009[0] : f32 from vector<1xf32>
        %broadcast_in_dim3A_1011 = vector.broadcast %squeeze3A_1010 : f32 to vector<16xf32>
        %mul3A_1012 = arith.constant 80 : i32
        %mul3A_1013 = arith.muli %rem3A_233, %mul3A_1012 : i32
        %mul3A_1014 = arith.constant 16 : i32
        %mul3A_1015 = arith.muli %scan3A_286, %mul3A_1014 : i32
        %add3A_1016 = arith.addi %mul3A_1013, %mul3A_1015 : i32
        %add3A_1017 = arith.constant 8 : i32
        %add3A_1018 = arith.addi %add3A_1016, %add3A_1017 : i32
        %get3A_1019 = arith.index_cast %add3A_1018 : i32 to index
        %get3A_1020 = arith.constant 0 : index
        %get3A_1021 = tpu.vector_load %arg10[%get3A_1019, %get3A_1020] {strides = array<i32>} : memref<240x128xf32, #tpu.memory_space<vmem>>, vector<1x16xf32>,
        %get3A_1022 = vector.shape_cast %get3A_1021 : vector<1x16xf32> to vector<16xf32>
        %get3A_1023 = arith.index_cast %add3A_1018 : i32 to index
        %get3A_1024 = arith.constant 16 : index
        %get3A_1025 = tpu.vector_load %arg10[%get3A_1023, %get3A_1024] {strides = array<i32>} : memref<240x128xf32, #tpu.memory_space<vmem>>, vector<1x16xf32>,
        %get3A_1026 = vector.shape_cast %get3A_1025 : vector<1x16xf32> to vector<16xf32>
        %get3A_1027 = arith.index_cast %add3A_1018 : i32 to index
        %get3A_1028 = arith.constant 32 : index
        %get3A_1029 = tpu.vector_load %arg10[%get3A_1027, %get3A_1028] {strides = array<i32>} : memref<240x128xf32, #tpu.memory_space<vmem>>, vector<1x16xf32>,
        %get3A_1030 = vector.shape_cast %get3A_1029 : vector<1x16xf32> to vector<16xf32>
        %get3A_1031 = arith.index_cast %add3A_1018 : i32 to index
        %get3A_1032 = arith.constant 48 : index
        %get3A_1033 = tpu.vector_load %arg10[%get3A_1031, %get3A_1032] {strides = array<i32>} : memref<240x128xf32, #tpu.memory_space<vmem>>, vector<1x16xf32>,
        %get3A_1034 = vector.shape_cast %get3A_1033 : vector<1x16xf32> to vector<16xf32>
        %get3A_1035 = arith.index_cast %add3A_1018 : i32 to index
        %get3A_1036 = arith.constant 64 : index
        %get3A_1037 = tpu.vector_load %arg10[%get3A_1035, %get3A_1036] {strides = array<i32>} : memref<240x128xf32, #tpu.memory_space<vmem>>, vector<1x16xf32>,
        %get3A_1038 = vector.shape_cast %get3A_1037 : vector<1x16xf32> to vector<16xf32>
        %get3A_1039 = arith.index_cast %add3A_1018 : i32 to index
        %get3A_1040 = arith.constant 80 : index
        %get3A_1041 = tpu.vector_load %arg10[%get3A_1039, %get3A_1040] {strides = array<i32>} : memref<240x128xf32, #tpu.memory_space<vmem>>, vector<1x16xf32>,
        %get3A_1042 = vector.shape_cast %get3A_1041 : vector<1x16xf32> to vector<16xf32>
        %get3A_1043 = arith.index_cast %add3A_1018 : i32 to index
        %get3A_1044 = arith.constant 96 : index
        %get3A_1045 = tpu.vector_load %arg10[%get3A_1043, %get3A_1044] {strides = array<i32>} : memref<240x128xf32, #tpu.memory_space<vmem>>, vector<1x16xf32>,
        %get3A_1046 = vector.shape_cast %get3A_1045 : vector<1x16xf32> to vector<16xf32>
        %get3A_1047 = arith.index_cast %add3A_1018 : i32 to index
        %get3A_1048 = arith.constant 112 : index
        %get3A_1049 = tpu.vector_load %arg10[%get3A_1047, %get3A_1048] {strides = array<i32>} : memref<240x128xf32, #tpu.memory_space<vmem>>, vector<1x16xf32>,
        %get3A_1050 = vector.shape_cast %get3A_1049 : vector<1x16xf32> to vector<16xf32>
        %mul3A_1051 = arith.mulf %get3A_1022, %broadcast_in_dim3A_1011 : vector<16xf32>
        %swap3A_1052 = arith.index_cast %add3A_1018 : i32 to index
        %swap3A_1053 = arith.constant 0 : index
        %swap3A_1054 = tpu.vector_load %arg10[%swap3A_1052, %swap3A_1053] {strides = array<i32>} : memref<240x128xf32, #tpu.memory_space<vmem>>, vector<1x16xf32>,
        %swap3A_1055 = vector.shape_cast %swap3A_1054 : vector<1x16xf32> to vector<16xf32>
        %swap3A_1056 = vector.shape_cast %mul3A_1051 : vector<16xf32> to vector<1x16xf32>
        tpu.vector_store %arg10[%swap3A_1052, %swap3A_1053], %swap3A_1056 {strides = array<i32>} : memref<240x128xf32, #tpu.memory_space<vmem>>, vector<1x16xf32>,
        %mul3A_1057 = arith.mulf %get3A_1026, %broadcast_in_dim3A_1011 : vector<16xf32>
        %swap3A_1058 = arith.index_cast %add3A_1018 : i32 to index
        %swap3A_1059 = arith.constant 16 : index
        %swap3A_1060 = tpu.vector_load %arg10[%swap3A_1058, %swap3A_1059] {strides = array<i32>} : memref<240x128xf32, #tpu.memory_space<vmem>>, vector<1x16xf32>,
        %swap3A_1061 = vector.shape_cast %swap3A_1060 : vector<1x16xf32> to vector<16xf32>
        %swap3A_1062 = vector.shape_cast %mul3A_1057 : vector<16xf32> to vector<1x16xf32>
        tpu.vector_store %arg10[%swap3A_1058, %swap3A_1059], %swap3A_1062 {strides = array<i32>} : memref<240x128xf32, #tpu.memory_space<vmem>>, vector<1x16xf32>,
        %mul3A_1063 = arith.mulf %get3A_1030, %broadcast_in_dim3A_1011 : vector<16xf32>
        %swap3A_1064 = arith.index_cast %add3A_1018 : i32 to index
        %swap3A_1065 = arith.constant 32 : index
        %swap3A_1066 = tpu.vector_load %arg10[%swap3A_1064, %swap3A_1065] {strides = array<i32>} : memref<240x128xf32, #tpu.memory_space<vmem>>, vector<1x16xf32>,
        %swap3A_1067 = vector.shape_cast %swap3A_1066 : vector<1x16xf32> to vector<16xf32>
        %swap3A_1068 = vector.shape_cast %mul3A_1063 : vector<16xf32> to vector<1x16xf32>
        tpu.vector_store %arg10[%swap3A_1064, %swap3A_1065], %swap3A_1068 {strides = array<i32>} : memref<240x128xf32, #tpu.memory_space<vmem>>, vector<1x16xf32>,
        %mul3A_1069 = arith.mulf %get3A_1034, %broadcast_in_dim3A_1011 : vector<16xf32>
        %swap3A_1070 = arith.index_cast %add3A_1018 : i32 to index
        %swap3A_1071 = arith.constant 48 : index
        %swap3A_1072 = tpu.vector_load %arg10[%swap3A_1070, %swap3A_1071] {strides = array<i32>} : memref<240x128xf32, #tpu.memory_space<vmem>>, vector<1x16xf32>,
        %swap3A_1073 = vector.shape_cast %swap3A_1072 : vector<1x16xf32> to vector<16xf32>
        %swap3A_1074 = vector.shape_cast %mul3A_1069 : vector<16xf32> to vector<1x16xf32>
        tpu.vector_store %arg10[%swap3A_1070, %swap3A_1071], %swap3A_1074 {strides = array<i32>} : memref<240x128xf32, #tpu.memory_space<vmem>>, vector<1x16xf32>,
        %mul3A_1075 = arith.mulf %get3A_1038, %broadcast_in_dim3A_1011 : vector<16xf32>
        %swap3A_1076 = arith.index_cast %add3A_1018 : i32 to index
        %swap3A_1077 = arith.constant 64 : index
        %swap3A_1078 = tpu.vector_load %arg10[%swap3A_1076, %swap3A_1077] {strides = array<i32>} : memref<240x128xf32, #tpu.memory_space<vmem>>, vector<1x16xf32>,
        %swap3A_1079 = vector.shape_cast %swap3A_1078 : vector<1x16xf32> to vector<16xf32>
        %swap3A_1080 = vector.shape_cast %mul3A_1075 : vector<16xf32> to vector<1x16xf32>
        tpu.vector_store %arg10[%swap3A_1076, %swap3A_1077], %swap3A_1080 {strides = array<i32>} : memref<240x128xf32, #tpu.memory_space<vmem>>, vector<1x16xf32>,
        %mul3A_1081 = arith.mulf %get3A_1042, %broadcast_in_dim3A_1011 : vector<16xf32>
        %swap3A_1082 = arith.index_cast %add3A_1018 : i32 to index
        %swap3A_1083 = arith.constant 80 : index
        %swap3A_1084 = tpu.vector_load %arg10[%swap3A_1082, %swap3A_1083] {strides = array<i32>} : memref<240x128xf32, #tpu.memory_space<vmem>>, vector<1x16xf32>,
        %swap3A_1085 = vector.shape_cast %swap3A_1084 : vector<1x16xf32> to vector<16xf32>
        %swap3A_1086 = vector.shape_cast %mul3A_1081 : vector<16xf32> to vector<1x16xf32>
        tpu.vector_store %arg10[%swap3A_1082, %swap3A_1083], %swap3A_1086 {strides = array<i32>} : memref<240x128xf32, #tpu.memory_space<vmem>>, vector<1x16xf32>,
        %mul3A_1087 = arith.mulf %get3A_1046, %broadcast_in_dim3A_1011 : vector<16xf32>
        %swap3A_1088 = arith.index_cast %add3A_1018 : i32 to index
        %swap3A_1089 = arith.constant 96 : index
        %swap3A_1090 = tpu.vector_load %arg10[%swap3A_1088, %swap3A_1089] {strides = array<i32>} : memref<240x128xf32, #tpu.memory_space<vmem>>, vector<1x16xf32>,
        %swap3A_1091 = vector.shape_cast %swap3A_1090 : vector<1x16xf32> to vector<16xf32>
        %swap3A_1092 = vector.shape_cast %mul3A_1087 : vector<16xf32> to vector<1x16xf32>
        tpu.vector_store %arg10[%swap3A_1088, %swap3A_1089], %swap3A_1092 {strides = array<i32>} : memref<240x128xf32, #tpu.memory_space<vmem>>, vector<1x16xf32>,
        %mul3A_1093 = arith.mulf %get3A_1050, %broadcast_in_dim3A_1011 : vector<16xf32>
        %swap3A_1094 = arith.index_cast %add3A_1018 : i32 to index
        %swap3A_1095 = arith.constant 112 : index
        %swap3A_1096 = tpu.vector_load %arg10[%swap3A_1094, %swap3A_1095] {strides = array<i32>} : memref<240x128xf32, #tpu.memory_space<vmem>>, vector<1x16xf32>,
        %swap3A_1097 = vector.shape_cast %swap3A_1096 : vector<1x16xf32> to vector<16xf32>
        %swap3A_1098 = vector.shape_cast %mul3A_1093 : vector<16xf32> to vector<1x16xf32>
        tpu.vector_store %arg10[%swap3A_1094, %swap3A_1095], %swap3A_1098 {strides = array<i32>} : memref<240x128xf32, #tpu.memory_space<vmem>>, vector<1x16xf32>,
        %slice3A_1099 = vector.extract_strided_slice %get3A_292 {offsets = [9], sizes = [1], strides = [1]} : vector<16xf32> to vector<1xf32>
        %squeeze3A_1100 = vector.extract %slice3A_1099[0] : f32 from vector<1xf32>
        %broadcast_in_dim3A_1101 = vector.broadcast %squeeze3A_1100 : f32 to vector<16xf32>
        %mul3A_1102 = arith.constant 80 : i32
        %mul3A_1103 = arith.muli %rem3A_233, %mul3A_1102 : i32
        %mul3A_1104 = arith.constant 16 : i32
        %mul3A_1105 = arith.muli %scan3A_286, %mul3A_1104 : i32
        %add3A_1106 = arith.addi %mul3A_1103, %mul3A_1105 : i32
        %add3A_1107 = arith.constant 9 : i32
        %add3A_1108 = arith.addi %add3A_1106, %add3A_1107 : i32
        %get3A_1109 = arith.index_cast %add3A_1108 : i32 to index
        %get3A_1110 = arith.constant 0 : index
        %get3A_1111 = tpu.vector_load %arg10[%get3A_1109, %get3A_1110] {strides = array<i32>} : memref<240x128xf32, #tpu.memory_space<vmem>>, vector<1x16xf32>,
        %get3A_1112 = vector.shape_cast %get3A_1111 : vector<1x16xf32> to vector<16xf32>
        %get3A_1113 = arith.index_cast %add3A_1108 : i32 to index
        %get3A_1114 = arith.constant 16 : index
        %get3A_1115 = tpu.vector_load %arg10[%get3A_1113, %get3A_1114] {strides = array<i32>} : memref<240x128xf32, #tpu.memory_space<vmem>>, vector<1x16xf32>,
        %get3A_1116 = vector.shape_cast %get3A_1115 : vector<1x16xf32> to vector<16xf32>
        %get3A_1117 = arith.index_cast %add3A_1108 : i32 to index
        %get3A_1118 = arith.constant 32 : index
        %get3A_1119 = tpu.vector_load %arg10[%get3A_1117, %get3A_1118] {strides = array<i32>} : memref<240x128xf32, #tpu.memory_space<vmem>>, vector<1x16xf32>,
        %get3A_1120 = vector.shape_cast %get3A_1119 : vector<1x16xf32> to vector<16xf32>
        %get3A_1121 = arith.index_cast %add3A_1108 : i32 to index
        %get3A_1122 = arith.constant 48 : index
        %get3A_1123 = tpu.vector_load %arg10[%get3A_1121, %get3A_1122] {strides = array<i32>} : memref<240x128xf32, #tpu.memory_space<vmem>>, vector<1x16xf32>,
        %get3A_1124 = vector.shape_cast %get3A_1123 : vector<1x16xf32> to vector<16xf32>
        %get3A_1125 = arith.index_cast %add3A_1108 : i32 to index
        %get3A_1126 = arith.constant 64 : index
        %get3A_1127 = tpu.vector_load %arg10[%get3A_1125, %get3A_1126] {strides = array<i32>} : memref<240x128xf32, #tpu.memory_space<vmem>>, vector<1x16xf32>,
        %get3A_1128 = vector.shape_cast %get3A_1127 : vector<1x16xf32> to vector<16xf32>
        %get3A_1129 = arith.index_cast %add3A_1108 : i32 to index
        %get3A_1130 = arith.constant 80 : index
        %get3A_1131 = tpu.vector_load %arg10[%get3A_1129, %get3A_1130] {strides = array<i32>} : memref<240x128xf32, #tpu.memory_space<vmem>>, vector<1x16xf32>,
        %get3A_1132 = vector.shape_cast %get3A_1131 : vector<1x16xf32> to vector<16xf32>
        %get3A_1133 = arith.index_cast %add3A_1108 : i32 to index
        %get3A_1134 = arith.constant 96 : index
        %get3A_1135 = tpu.vector_load %arg10[%get3A_1133, %get3A_1134] {strides = array<i32>} : memref<240x128xf32, #tpu.memory_space<vmem>>, vector<1x16xf32>,
        %get3A_1136 = vector.shape_cast %get3A_1135 : vector<1x16xf32> to vector<16xf32>
        %get3A_1137 = arith.index_cast %add3A_1108 : i32 to index
        %get3A_1138 = arith.constant 112 : index
        %get3A_1139 = tpu.vector_load %arg10[%get3A_1137, %get3A_1138] {strides = array<i32>} : memref<240x128xf32, #tpu.memory_space<vmem>>, vector<1x16xf32>,
        %get3A_1140 = vector.shape_cast %get3A_1139 : vector<1x16xf32> to vector<16xf32>
        %mul3A_1141 = arith.mulf %get3A_1112, %broadcast_in_dim3A_1101 : vector<16xf32>
        %swap3A_1142 = arith.index_cast %add3A_1108 : i32 to index
        %swap3A_1143 = arith.constant 0 : index
        %swap3A_1144 = tpu.vector_load %arg10[%swap3A_1142, %swap3A_1143] {strides = array<i32>} : memref<240x128xf32, #tpu.memory_space<vmem>>, vector<1x16xf32>,
        %swap3A_1145 = vector.shape_cast %swap3A_1144 : vector<1x16xf32> to vector<16xf32>
        %swap3A_1146 = vector.shape_cast %mul3A_1141 : vector<16xf32> to vector<1x16xf32>
        tpu.vector_store %arg10[%swap3A_1142, %swap3A_1143], %swap3A_1146 {strides = array<i32>} : memref<240x128xf32, #tpu.memory_space<vmem>>, vector<1x16xf32>,
        %mul3A_1147 = arith.mulf %get3A_1116, %broadcast_in_dim3A_1101 : vector<16xf32>
        %swap3A_1148 = arith.index_cast %add3A_1108 : i32 to index
        %swap3A_1149 = arith.constant 16 : index
        %swap3A_1150 = tpu.vector_load %arg10[%swap3A_1148, %swap3A_1149] {strides = array<i32>} : memref<240x128xf32, #tpu.memory_space<vmem>>, vector<1x16xf32>,
        %swap3A_1151 = vector.shape_cast %swap3A_1150 : vector<1x16xf32> to vector<16xf32>
        %swap3A_1152 = vector.shape_cast %mul3A_1147 : vector<16xf32> to vector<1x16xf32>
        tpu.vector_store %arg10[%swap3A_1148, %swap3A_1149], %swap3A_1152 {strides = array<i32>} : memref<240x128xf32, #tpu.memory_space<vmem>>, vector<1x16xf32>,
        %mul3A_1153 = arith.mulf %get3A_1120, %broadcast_in_dim3A_1101 : vector<16xf32>
        %swap3A_1154 = arith.index_cast %add3A_1108 : i32 to index
        %swap3A_1155 = arith.constant 32 : index
        %swap3A_1156 = tpu.vector_load %arg10[%swap3A_1154, %swap3A_1155] {strides = array<i32>} : memref<240x128xf32, #tpu.memory_space<vmem>>, vector<1x16xf32>,
        %swap3A_1157 = vector.shape_cast %swap3A_1156 : vector<1x16xf32> to vector<16xf32>
        %swap3A_1158 = vector.shape_cast %mul3A_1153 : vector<16xf32> to vector<1x16xf32>
        tpu.vector_store %arg10[%swap3A_1154, %swap3A_1155], %swap3A_1158 {strides = array<i32>} : memref<240x128xf32, #tpu.memory_space<vmem>>, vector<1x16xf32>,
        %mul3A_1159 = arith.mulf %get3A_1124, %broadcast_in_dim3A_1101 : vector<16xf32>
        %swap3A_1160 = arith.index_cast %add3A_1108 : i32 to index
        %swap3A_1161 = arith.constant 48 : index
        %swap3A_1162 = tpu.vector_load %arg10[%swap3A_1160, %swap3A_1161] {strides = array<i32>} : memref<240x128xf32, #tpu.memory_space<vmem>>, vector<1x16xf32>,
        %swap3A_1163 = vector.shape_cast %swap3A_1162 : vector<1x16xf32> to vector<16xf32>
        %swap3A_1164 = vector.shape_cast %mul3A_1159 : vector<16xf32> to vector<1x16xf32>
        tpu.vector_store %arg10[%swap3A_1160, %swap3A_1161], %swap3A_1164 {strides = array<i32>} : memref<240x128xf32, #tpu.memory_space<vmem>>, vector<1x16xf32>,
        %mul3A_1165 = arith.mulf %get3A_1128, %broadcast_in_dim3A_1101 : vector<16xf32>
        %swap3A_1166 = arith.index_cast %add3A_1108 : i32 to index
        %swap3A_1167 = arith.constant 64 : index
        %swap3A_1168 = tpu.vector_load %arg10[%swap3A_1166, %swap3A_1167] {strides = array<i32>} : memref<240x128xf32, #tpu.memory_space<vmem>>, vector<1x16xf32>,
        %swap3A_1169 = vector.shape_cast %swap3A_1168 : vector<1x16xf32> to vector<16xf32>
        %swap3A_1170 = vector.shape_cast %mul3A_1165 : vector<16xf32> to vector<1x16xf32>
        tpu.vector_store %arg10[%swap3A_1166, %swap3A_1167], %swap3A_1170 {strides = array<i32>} : memref<240x128xf32, #tpu.memory_space<vmem>>, vector<1x16xf32>,
        %mul3A_1171 = arith.mulf %get3A_1132, %broadcast_in_dim3A_1101 : vector<16xf32>
        %swap3A_1172 = arith.index_cast %add3A_1108 : i32 to index
        %swap3A_1173 = arith.constant 80 : index
        %swap3A_1174 = tpu.vector_load %arg10[%swap3A_1172, %swap3A_1173] {strides = array<i32>} : memref<240x128xf32, #tpu.memory_space<vmem>>, vector<1x16xf32>,
        %swap3A_1175 = vector.shape_cast %swap3A_1174 : vector<1x16xf32> to vector<16xf32>
        %swap3A_1176 = vector.shape_cast %mul3A_1171 : vector<16xf32> to vector<1x16xf32>
        tpu.vector_store %arg10[%swap3A_1172, %swap3A_1173], %swap3A_1176 {strides = array<i32>} : memref<240x128xf32, #tpu.memory_space<vmem>>, vector<1x16xf32>,
        %mul3A_1177 = arith.mulf %get3A_1136, %broadcast_in_dim3A_1101 : vector<16xf32>
        %swap3A_1178 = arith.index_cast %add3A_1108 : i32 to index
        %swap3A_1179 = arith.constant 96 : index
        %swap3A_1180 = tpu.vector_load %arg10[%swap3A_1178, %swap3A_1179] {strides = array<i32>} : memref<240x128xf32, #tpu.memory_space<vmem>>, vector<1x16xf32>,
        %swap3A_1181 = vector.shape_cast %swap3A_1180 : vector<1x16xf32> to vector<16xf32>
        %swap3A_1182 = vector.shape_cast %mul3A_1177 : vector<16xf32> to vector<1x16xf32>
        tpu.vector_store %arg10[%swap3A_1178, %swap3A_1179], %swap3A_1182 {strides = array<i32>} : memref<240x128xf32, #tpu.memory_space<vmem>>, vector<1x16xf32>,
        %mul3A_1183 = arith.mulf %get3A_1140, %broadcast_in_dim3A_1101 : vector<16xf32>
        %swap3A_1184 = arith.index_cast %add3A_1108 : i32 to index
        %swap3A_1185 = arith.constant 112 : index
        %swap3A_1186 = tpu.vector_load %arg10[%swap3A_1184, %swap3A_1185] {strides = array<i32>} : memref<240x128xf32, #tpu.memory_space<vmem>>, vector<1x16xf32>,
        %swap3A_1187 = vector.shape_cast %swap3A_1186 : vector<1x16xf32> to vector<16xf32>
        %swap3A_1188 = vector.shape_cast %mul3A_1183 : vector<16xf32> to vector<1x16xf32>
        tpu.vector_store %arg10[%swap3A_1184, %swap3A_1185], %swap3A_1188 {strides = array<i32>} : memref<240x128xf32, #tpu.memory_space<vmem>>, vector<1x16xf32>,
        %slice3A_1189 = vector.extract_strided_slice %get3A_292 {offsets = [10], sizes = [1], strides = [1]} : vector<16xf32> to vector<1xf32>
        %squeeze3A_1190 = vector.extract %slice3A_1189[0] : f32 from vector<1xf32>
        %broadcast_in_dim3A_1191 = vector.broadcast %squeeze3A_1190 : f32 to vector<16xf32>
        %mul3A_1192 = arith.constant 80 : i32
        %mul3A_1193 = arith.muli %rem3A_233, %mul3A_1192 : i32
        %mul3A_1194 = arith.constant 16 : i32
        %mul3A_1195 = arith.muli %scan3A_286, %mul3A_1194 : i32
        %add3A_1196 = arith.addi %mul3A_1193, %mul3A_1195 : i32
        %add3A_1197 = arith.constant 10 : i32
        %add3A_1198 = arith.addi %add3A_1196, %add3A_1197 : i32
        %get3A_1199 = arith.index_cast %add3A_1198 : i32 to index
        %get3A_1200 = arith.constant 0 : index
        %get3A_1201 = tpu.vector_load %arg10[%get3A_1199, %get3A_1200] {strides = array<i32>} : memref<240x128xf32, #tpu.memory_space<vmem>>, vector<1x16xf32>,
        %get3A_1202 = vector.shape_cast %get3A_1201 : vector<1x16xf32> to vector<16xf32>
        %get3A_1203 = arith.index_cast %add3A_1198 : i32 to index
        %get3A_1204 = arith.constant 16 : index
        %get3A_1205 = tpu.vector_load %arg10[%get3A_1203, %get3A_1204] {strides = array<i32>} : memref<240x128xf32, #tpu.memory_space<vmem>>, vector<1x16xf32>,
        %get3A_1206 = vector.shape_cast %get3A_1205 : vector<1x16xf32> to vector<16xf32>
        %get3A_1207 = arith.index_cast %add3A_1198 : i32 to index
        %get3A_1208 = arith.constant 32 : index
        %get3A_1209 = tpu.vector_load %arg10[%get3A_1207, %get3A_1208] {strides = array<i32>} : memref<240x128xf32, #tpu.memory_space<vmem>>, vector<1x16xf32>,
        %get3A_1210 = vector.shape_cast %get3A_1209 : vector<1x16xf32> to vector<16xf32>
        %get3A_1211 = arith.index_cast %add3A_1198 : i32 to index
        %get3A_1212 = arith.constant 48 : index
        %get3A_1213 = tpu.vector_load %arg10[%get3A_1211, %get3A_1212] {strides = array<i32>} : memref<240x128xf32, #tpu.memory_space<vmem>>, vector<1x16xf32>,
        %get3A_1214 = vector.shape_cast %get3A_1213 : vector<1x16xf32> to vector<16xf32>
        %get3A_1215 = arith.index_cast %add3A_1198 : i32 to index
        %get3A_1216 = arith.constant 64 : index
        %get3A_1217 = tpu.vector_load %arg10[%get3A_1215, %get3A_1216] {strides = array<i32>} : memref<240x128xf32, #tpu.memory_space<vmem>>, vector<1x16xf32>,
        %get3A_1218 = vector.shape_cast %get3A_1217 : vector<1x16xf32> to vector<16xf32>
        %get3A_1219 = arith.index_cast %add3A_1198 : i32 to index
        %get3A_1220 = arith.constant 80 : index
        %get3A_1221 = tpu.vector_load %arg10[%get3A_1219, %get3A_1220] {strides = array<i32>} : memref<240x128xf32, #tpu.memory_space<vmem>>, vector<1x16xf32>,
        %get3A_1222 = vector.shape_cast %get3A_1221 : vector<1x16xf32> to vector<16xf32>
        %get3A_1223 = arith.index_cast %add3A_1198 : i32 to index
        %get3A_1224 = arith.constant 96 : index
        %get3A_1225 = tpu.vector_load %arg10[%get3A_1223, %get3A_1224] {strides = array<i32>} : memref<240x128xf32, #tpu.memory_space<vmem>>, vector<1x16xf32>,
        %get3A_1226 = vector.shape_cast %get3A_1225 : vector<1x16xf32> to vector<16xf32>
        %get3A_1227 = arith.index_cast %add3A_1198 : i32 to index
        %get3A_1228 = arith.constant 112 : index
        %get3A_1229 = tpu.vector_load %arg10[%get3A_1227, %get3A_1228] {strides = array<i32>} : memref<240x128xf32, #tpu.memory_space<vmem>>, vector<1x16xf32>,
        %get3A_1230 = vector.shape_cast %get3A_1229 : vector<1x16xf32> to vector<16xf32>
        %mul3A_1231 = arith.mulf %get3A_1202, %broadcast_in_dim3A_1191 : vector<16xf32>
        %swap3A_1232 = arith.index_cast %add3A_1198 : i32 to index
        %swap3A_1233 = arith.constant 0 : index
        %swap3A_1234 = tpu.vector_load %arg10[%swap3A_1232, %swap3A_1233] {strides = array<i32>} : memref<240x128xf32, #tpu.memory_space<vmem>>, vector<1x16xf32>,
        %swap3A_1235 = vector.shape_cast %swap3A_1234 : vector<1x16xf32> to vector<16xf32>
        %swap3A_1236 = vector.shape_cast %mul3A_1231 : vector<16xf32> to vector<1x16xf32>
        tpu.vector_store %arg10[%swap3A_1232, %swap3A_1233], %swap3A_1236 {strides = array<i32>} : memref<240x128xf32, #tpu.memory_space<vmem>>, vector<1x16xf32>,
        %mul3A_1237 = arith.mulf %get3A_1206, %broadcast_in_dim3A_1191 : vector<16xf32>
        %swap3A_1238 = arith.index_cast %add3A_1198 : i32 to index
        %swap3A_1239 = arith.constant 16 : index
        %swap3A_1240 = tpu.vector_load %arg10[%swap3A_1238, %swap3A_1239] {strides = array<i32>} : memref<240x128xf32, #tpu.memory_space<vmem>>, vector<1x16xf32>,
        %swap3A_1241 = vector.shape_cast %swap3A_1240 : vector<1x16xf32> to vector<16xf32>
        %swap3A_1242 = vector.shape_cast %mul3A_1237 : vector<16xf32> to vector<1x16xf32>
        tpu.vector_store %arg10[%swap3A_1238, %swap3A_1239], %swap3A_1242 {strides = array<i32>} : memref<240x128xf32, #tpu.memory_space<vmem>>, vector<1x16xf32>,
        %mul3A_1243 = arith.mulf %get3A_1210, %broadcast_in_dim3A_1191 : vector<16xf32>
        %swap3A_1244 = arith.index_cast %add3A_1198 : i32 to index
        %swap3A_1245 = arith.constant 32 : index
        %swap3A_1246 = tpu.vector_load %arg10[%swap3A_1244, %swap3A_1245] {strides = array<i32>} : memref<240x128xf32, #tpu.memory_space<vmem>>, vector<1x16xf32>,
        %swap3A_1247 = vector.shape_cast %swap3A_1246 : vector<1x16xf32> to vector<16xf32>
        %swap3A_1248 = vector.shape_cast %mul3A_1243 : vector<16xf32> to vector<1x16xf32>
        tpu.vector_store %arg10[%swap3A_1244, %swap3A_1245], %swap3A_1248 {strides = array<i32>} : memref<240x128xf32, #tpu.memory_space<vmem>>, vector<1x16xf32>,
        %mul3A_1249 = arith.mulf %get3A_1214, %broadcast_in_dim3A_1191 : vector<16xf32>
        %swap3A_1250 = arith.index_cast %add3A_1198 : i32 to index
        %swap3A_1251 = arith.constant 48 : index
        %swap3A_1252 = tpu.vector_load %arg10[%swap3A_1250, %swap3A_1251] {strides = array<i32>} : memref<240x128xf32, #tpu.memory_space<vmem>>, vector<1x16xf32>,
        %swap3A_1253 = vector.shape_cast %swap3A_1252 : vector<1x16xf32> to vector<16xf32>
        %swap3A_1254 = vector.shape_cast %mul3A_1249 : vector<16xf32> to vector<1x16xf32>
        tpu.vector_store %arg10[%swap3A_1250, %swap3A_1251], %swap3A_1254 {strides = array<i32>} : memref<240x128xf32, #tpu.memory_space<vmem>>, vector<1x16xf32>,
        %mul3A_1255 = arith.mulf %get3A_1218, %broadcast_in_dim3A_1191 : vector<16xf32>
        %swap3A_1256 = arith.index_cast %add3A_1198 : i32 to index
        %swap3A_1257 = arith.constant 64 : index
        %swap3A_1258 = tpu.vector_load %arg10[%swap3A_1256, %swap3A_1257] {strides = array<i32>} : memref<240x128xf32, #tpu.memory_space<vmem>>, vector<1x16xf32>,
        %swap3A_1259 = vector.shape_cast %swap3A_1258 : vector<1x16xf32> to vector<16xf32>
        %swap3A_1260 = vector.shape_cast %mul3A_1255 : vector<16xf32> to vector<1x16xf32>
        tpu.vector_store %arg10[%swap3A_1256, %swap3A_1257], %swap3A_1260 {strides = array<i32>} : memref<240x128xf32, #tpu.memory_space<vmem>>, vector<1x16xf32>,
        %mul3A_1261 = arith.mulf %get3A_1222, %broadcast_in_dim3A_1191 : vector<16xf32>
        %swap3A_1262 = arith.index_cast %add3A_1198 : i32 to index
        %swap3A_1263 = arith.constant 80 : index
        %swap3A_1264 = tpu.vector_load %arg10[%swap3A_1262, %swap3A_1263] {strides = array<i32>} : memref<240x128xf32, #tpu.memory_space<vmem>>, vector<1x16xf32>,
        %swap3A_1265 = vector.shape_cast %swap3A_1264 : vector<1x16xf32> to vector<16xf32>
        %swap3A_1266 = vector.shape_cast %mul3A_1261 : vector<16xf32> to vector<1x16xf32>
        tpu.vector_store %arg10[%swap3A_1262, %swap3A_1263], %swap3A_1266 {strides = array<i32>} : memref<240x128xf32, #tpu.memory_space<vmem>>, vector<1x16xf32>,
        %mul3A_1267 = arith.mulf %get3A_1226, %broadcast_in_dim3A_1191 : vector<16xf32>
        %swap3A_1268 = arith.index_cast %add3A_1198 : i32 to index
        %swap3A_1269 = arith.constant 96 : index
        %swap3A_1270 = tpu.vector_load %arg10[%swap3A_1268, %swap3A_1269] {strides = array<i32>} : memref<240x128xf32, #tpu.memory_space<vmem>>, vector<1x16xf32>,
        %swap3A_1271 = vector.shape_cast %swap3A_1270 : vector<1x16xf32> to vector<16xf32>
        %swap3A_1272 = vector.shape_cast %mul3A_1267 : vector<16xf32> to vector<1x16xf32>
        tpu.vector_store %arg10[%swap3A_1268, %swap3A_1269], %swap3A_1272 {strides = array<i32>} : memref<240x128xf32, #tpu.memory_space<vmem>>, vector<1x16xf32>,
        %mul3A_1273 = arith.mulf %get3A_1230, %broadcast_in_dim3A_1191 : vector<16xf32>
        %swap3A_1274 = arith.index_cast %add3A_1198 : i32 to index
        %swap3A_1275 = arith.constant 112 : index
        %swap3A_1276 = tpu.vector_load %arg10[%swap3A_1274, %swap3A_1275] {strides = array<i32>} : memref<240x128xf32, #tpu.memory_space<vmem>>, vector<1x16xf32>,
        %swap3A_1277 = vector.shape_cast %swap3A_1276 : vector<1x16xf32> to vector<16xf32>
        %swap3A_1278 = vector.shape_cast %mul3A_1273 : vector<16xf32> to vector<1x16xf32>
        tpu.vector_store %arg10[%swap3A_1274, %swap3A_1275], %swap3A_1278 {strides = array<i32>} : memref<240x128xf32, #tpu.memory_space<vmem>>, vector<1x16xf32>,
        %slice3A_1279 = vector.extract_strided_slice %get3A_292 {offsets = [11], sizes = [1], strides = [1]} : vector<16xf32> to vector<1xf32>
        %squeeze3A_1280 = vector.extract %slice3A_1279[0] : f32 from vector<1xf32>
        %broadcast_in_dim3A_1281 = vector.broadcast %squeeze3A_1280 : f32 to vector<16xf32>
        %mul3A_1282 = arith.constant 80 : i32
        %mul3A_1283 = arith.muli %rem3A_233, %mul3A_1282 : i32
        %mul3A_1284 = arith.constant 16 : i32
        %mul3A_1285 = arith.muli %scan3A_286, %mul3A_1284 : i32
        %add3A_1286 = arith.addi %mul3A_1283, %mul3A_1285 : i32
        %add3A_1287 = arith.constant 11 : i32
        %add3A_1288 = arith.addi %add3A_1286, %add3A_1287 : i32
        %get3A_1289 = arith.index_cast %add3A_1288 : i32 to index
        %get3A_1290 = arith.constant 0 : index
        %get3A_1291 = tpu.vector_load %arg10[%get3A_1289, %get3A_1290] {strides = array<i32>} : memref<240x128xf32, #tpu.memory_space<vmem>>, vector<1x16xf32>,
        %get3A_1292 = vector.shape_cast %get3A_1291 : vector<1x16xf32> to vector<16xf32>
        %get3A_1293 = arith.index_cast %add3A_1288 : i32 to index
        %get3A_1294 = arith.constant 16 : index
        %get3A_1295 = tpu.vector_load %arg10[%get3A_1293, %get3A_1294] {strides = array<i32>} : memref<240x128xf32, #tpu.memory_space<vmem>>, vector<1x16xf32>,
        %get3A_1296 = vector.shape_cast %get3A_1295 : vector<1x16xf32> to vector<16xf32>
        %get3A_1297 = arith.index_cast %add3A_1288 : i32 to index
        %get3A_1298 = arith.constant 32 : index
        %get3A_1299 = tpu.vector_load %arg10[%get3A_1297, %get3A_1298] {strides = array<i32>} : memref<240x128xf32, #tpu.memory_space<vmem>>, vector<1x16xf32>,
        %get3A_1300 = vector.shape_cast %get3A_1299 : vector<1x16xf32> to vector<16xf32>
        %get3A_1301 = arith.index_cast %add3A_1288 : i32 to index
        %get3A_1302 = arith.constant 48 : index
        %get3A_1303 = tpu.vector_load %arg10[%get3A_1301, %get3A_1302] {strides = array<i32>} : memref<240x128xf32, #tpu.memory_space<vmem>>, vector<1x16xf32>,
        %get3A_1304 = vector.shape_cast %get3A_1303 : vector<1x16xf32> to vector<16xf32>
        %get3A_1305 = arith.index_cast %add3A_1288 : i32 to index
        %get3A_1306 = arith.constant 64 : index
        %get3A_1307 = tpu.vector_load %arg10[%get3A_1305, %get3A_1306] {strides = array<i32>} : memref<240x128xf32, #tpu.memory_space<vmem>>, vector<1x16xf32>,
        %get3A_1308 = vector.shape_cast %get3A_1307 : vector<1x16xf32> to vector<16xf32>
        %get3A_1309 = arith.index_cast %add3A_1288 : i32 to index
        %get3A_1310 = arith.constant 80 : index
        %get3A_1311 = tpu.vector_load %arg10[%get3A_1309, %get3A_1310] {strides = array<i32>} : memref<240x128xf32, #tpu.memory_space<vmem>>, vector<1x16xf32>,
        %get3A_1312 = vector.shape_cast %get3A_1311 : vector<1x16xf32> to vector<16xf32>
        %get3A_1313 = arith.index_cast %add3A_1288 : i32 to index
        %get3A_1314 = arith.constant 96 : index
        %get3A_1315 = tpu.vector_load %arg10[%get3A_1313, %get3A_1314] {strides = array<i32>} : memref<240x128xf32, #tpu.memory_space<vmem>>, vector<1x16xf32>,
        %get3A_1316 = vector.shape_cast %get3A_1315 : vector<1x16xf32> to vector<16xf32>
        %get3A_1317 = arith.index_cast %add3A_1288 : i32 to index
        %get3A_1318 = arith.constant 112 : index
        %get3A_1319 = tpu.vector_load %arg10[%get3A_1317, %get3A_1318] {strides = array<i32>} : memref<240x128xf32, #tpu.memory_space<vmem>>, vector<1x16xf32>,
        %get3A_1320 = vector.shape_cast %get3A_1319 : vector<1x16xf32> to vector<16xf32>
        %mul3A_1321 = arith.mulf %get3A_1292, %broadcast_in_dim3A_1281 : vector<16xf32>
        %swap3A_1322 = arith.index_cast %add3A_1288 : i32 to index
        %swap3A_1323 = arith.constant 0 : index
        %swap3A_1324 = tpu.vector_load %arg10[%swap3A_1322, %swap3A_1323] {strides = array<i32>} : memref<240x128xf32, #tpu.memory_space<vmem>>, vector<1x16xf32>,
        %swap3A_1325 = vector.shape_cast %swap3A_1324 : vector<1x16xf32> to vector<16xf32>
        %swap3A_1326 = vector.shape_cast %mul3A_1321 : vector<16xf32> to vector<1x16xf32>
        tpu.vector_store %arg10[%swap3A_1322, %swap3A_1323], %swap3A_1326 {strides = array<i32>} : memref<240x128xf32, #tpu.memory_space<vmem>>, vector<1x16xf32>,
        %mul3A_1327 = arith.mulf %get3A_1296, %broadcast_in_dim3A_1281 : vector<16xf32>
        %swap3A_1328 = arith.index_cast %add3A_1288 : i32 to index
        %swap3A_1329 = arith.constant 16 : index
        %swap3A_1330 = tpu.vector_load %arg10[%swap3A_1328, %swap3A_1329] {strides = array<i32>} : memref<240x128xf32, #tpu.memory_space<vmem>>, vector<1x16xf32>,
        %swap3A_1331 = vector.shape_cast %swap3A_1330 : vector<1x16xf32> to vector<16xf32>
        %swap3A_1332 = vector.shape_cast %mul3A_1327 : vector<16xf32> to vector<1x16xf32>
        tpu.vector_store %arg10[%swap3A_1328, %swap3A_1329], %swap3A_1332 {strides = array<i32>} : memref<240x128xf32, #tpu.memory_space<vmem>>, vector<1x16xf32>,
        %mul3A_1333 = arith.mulf %get3A_1300, %broadcast_in_dim3A_1281 : vector<16xf32>
        %swap3A_1334 = arith.index_cast %add3A_1288 : i32 to index
        %swap3A_1335 = arith.constant 32 : index
        %swap3A_1336 = tpu.vector_load %arg10[%swap3A_1334, %swap3A_1335] {strides = array<i32>} : memref<240x128xf32, #tpu.memory_space<vmem>>, vector<1x16xf32>,
        %swap3A_1337 = vector.shape_cast %swap3A_1336 : vector<1x16xf32> to vector<16xf32>
        %swap3A_1338 = vector.shape_cast %mul3A_1333 : vector<16xf32> to vector<1x16xf32>
        tpu.vector_store %arg10[%swap3A_1334, %swap3A_1335], %swap3A_1338 {strides = array<i32>} : memref<240x128xf32, #tpu.memory_space<vmem>>, vector<1x16xf32>,
        %mul3A_1339 = arith.mulf %get3A_1304, %broadcast_in_dim3A_1281 : vector<16xf32>
        %swap3A_1340 = arith.index_cast %add3A_1288 : i32 to index
        %swap3A_1341 = arith.constant 48 : index
        %swap3A_1342 = tpu.vector_load %arg10[%swap3A_1340, %swap3A_1341] {strides = array<i32>} : memref<240x128xf32, #tpu.memory_space<vmem>>, vector<1x16xf32>,
        %swap3A_1343 = vector.shape_cast %swap3A_1342 : vector<1x16xf32> to vector<16xf32>
        %swap3A_1344 = vector.shape_cast %mul3A_1339 : vector<16xf32> to vector<1x16xf32>
        tpu.vector_store %arg10[%swap3A_1340, %swap3A_1341], %swap3A_1344 {strides = array<i32>} : memref<240x128xf32, #tpu.memory_space<vmem>>, vector<1x16xf32>,
        %mul3A_1345 = arith.mulf %get3A_1308, %broadcast_in_dim3A_1281 : vector<16xf32>
        %swap3A_1346 = arith.index_cast %add3A_1288 : i32 to index
        %swap3A_1347 = arith.constant 64 : index
        %swap3A_1348 = tpu.vector_load %arg10[%swap3A_1346, %swap3A_1347] {strides = array<i32>} : memref<240x128xf32, #tpu.memory_space<vmem>>, vector<1x16xf32>,
        %swap3A_1349 = vector.shape_cast %swap3A_1348 : vector<1x16xf32> to vector<16xf32>
        %swap3A_1350 = vector.shape_cast %mul3A_1345 : vector<16xf32> to vector<1x16xf32>
        tpu.vector_store %arg10[%swap3A_1346, %swap3A_1347], %swap3A_1350 {strides = array<i32>} : memref<240x128xf32, #tpu.memory_space<vmem>>, vector<1x16xf32>,
        %mul3A_1351 = arith.mulf %get3A_1312, %broadcast_in_dim3A_1281 : vector<16xf32>
        %swap3A_1352 = arith.index_cast %add3A_1288 : i32 to index
        %swap3A_1353 = arith.constant 80 : index
        %swap3A_1354 = tpu.vector_load %arg10[%swap3A_1352, %swap3A_1353] {strides = array<i32>} : memref<240x128xf32, #tpu.memory_space<vmem>>, vector<1x16xf32>,
        %swap3A_1355 = vector.shape_cast %swap3A_1354 : vector<1x16xf32> to vector<16xf32>
        %swap3A_1356 = vector.shape_cast %mul3A_1351 : vector<16xf32> to vector<1x16xf32>
        tpu.vector_store %arg10[%swap3A_1352, %swap3A_1353], %swap3A_1356 {strides = array<i32>} : memref<240x128xf32, #tpu.memory_space<vmem>>, vector<1x16xf32>,
        %mul3A_1357 = arith.mulf %get3A_1316, %broadcast_in_dim3A_1281 : vector<16xf32>
        %swap3A_1358 = arith.index_cast %add3A_1288 : i32 to index
        %swap3A_1359 = arith.constant 96 : index
        %swap3A_1360 = tpu.vector_load %arg10[%swap3A_1358, %swap3A_1359] {strides = array<i32>} : memref<240x128xf32, #tpu.memory_space<vmem>>, vector<1x16xf32>,
        %swap3A_1361 = vector.shape_cast %swap3A_1360 : vector<1x16xf32> to vector<16xf32>
        %swap3A_1362 = vector.shape_cast %mul3A_1357 : vector<16xf32> to vector<1x16xf32>
        tpu.vector_store %arg10[%swap3A_1358, %swap3A_1359], %swap3A_1362 {strides = array<i32>} : memref<240x128xf32, #tpu.memory_space<vmem>>, vector<1x16xf32>,
        %mul3A_1363 = arith.mulf %get3A_1320, %broadcast_in_dim3A_1281 : vector<16xf32>
        %swap3A_1364 = arith.index_cast %add3A_1288 : i32 to index
        %swap3A_1365 = arith.constant 112 : index
        %swap3A_1366 = tpu.vector_load %arg10[%swap3A_1364, %swap3A_1365] {strides = array<i32>} : memref<240x128xf32, #tpu.memory_space<vmem>>, vector<1x16xf32>,
        %swap3A_1367 = vector.shape_cast %swap3A_1366 : vector<1x16xf32> to vector<16xf32>
        %swap3A_1368 = vector.shape_cast %mul3A_1363 : vector<16xf32> to vector<1x16xf32>
        tpu.vector_store %arg10[%swap3A_1364, %swap3A_1365], %swap3A_1368 {strides = array<i32>} : memref<240x128xf32, #tpu.memory_space<vmem>>, vector<1x16xf32>,
        %slice3A_1369 = vector.extract_strided_slice %get3A_292 {offsets = [12], sizes = [1], strides = [1]} : vector<16xf32> to vector<1xf32>
        %squeeze3A_1370 = vector.extract %slice3A_1369[0] : f32 from vector<1xf32>
        %broadcast_in_dim3A_1371 = vector.broadcast %squeeze3A_1370 : f32 to vector<16xf32>
        %mul3A_1372 = arith.constant 80 : i32
        %mul3A_1373 = arith.muli %rem3A_233, %mul3A_1372 : i32
        %mul3A_1374 = arith.constant 16 : i32
        %mul3A_1375 = arith.muli %scan3A_286, %mul3A_1374 : i32
        %add3A_1376 = arith.addi %mul3A_1373, %mul3A_1375 : i32
        %add3A_1377 = arith.constant 12 : i32
        %add3A_1378 = arith.addi %add3A_1376, %add3A_1377 : i32
        %get3A_1379 = arith.index_cast %add3A_1378 : i32 to index
        %get3A_1380 = arith.constant 0 : index
        %get3A_1381 = tpu.vector_load %arg10[%get3A_1379, %get3A_1380] {strides = array<i32>} : memref<240x128xf32, #tpu.memory_space<vmem>>, vector<1x16xf32>,
        %get3A_1382 = vector.shape_cast %get3A_1381 : vector<1x16xf32> to vector<16xf32>
        %get3A_1383 = arith.index_cast %add3A_1378 : i32 to index
        %get3A_1384 = arith.constant 16 : index
        %get3A_1385 = tpu.vector_load %arg10[%get3A_1383, %get3A_1384] {strides = array<i32>} : memref<240x128xf32, #tpu.memory_space<vmem>>, vector<1x16xf32>,
        %get3A_1386 = vector.shape_cast %get3A_1385 : vector<1x16xf32> to vector<16xf32>
        %get3A_1387 = arith.index_cast %add3A_1378 : i32 to index
        %get3A_1388 = arith.constant 32 : index
        %get3A_1389 = tpu.vector_load %arg10[%get3A_1387, %get3A_1388] {strides = array<i32>} : memref<240x128xf32, #tpu.memory_space<vmem>>, vector<1x16xf32>,
        %get3A_1390 = vector.shape_cast %get3A_1389 : vector<1x16xf32> to vector<16xf32>
        %get3A_1391 = arith.index_cast %add3A_1378 : i32 to index
        %get3A_1392 = arith.constant 48 : index
        %get3A_1393 = tpu.vector_load %arg10[%get3A_1391, %get3A_1392] {strides = array<i32>} : memref<240x128xf32, #tpu.memory_space<vmem>>, vector<1x16xf32>,
        %get3A_1394 = vector.shape_cast %get3A_1393 : vector<1x16xf32> to vector<16xf32>
        %get3A_1395 = arith.index_cast %add3A_1378 : i32 to index
        %get3A_1396 = arith.constant 64 : index
        %get3A_1397 = tpu.vector_load %arg10[%get3A_1395, %get3A_1396] {strides = array<i32>} : memref<240x128xf32, #tpu.memory_space<vmem>>, vector<1x16xf32>,
        %get3A_1398 = vector.shape_cast %get3A_1397 : vector<1x16xf32> to vector<16xf32>
        %get3A_1399 = arith.index_cast %add3A_1378 : i32 to index
        %get3A_1400 = arith.constant 80 : index
        %get3A_1401 = tpu.vector_load %arg10[%get3A_1399, %get3A_1400] {strides = array<i32>} : memref<240x128xf32, #tpu.memory_space<vmem>>, vector<1x16xf32>,
        %get3A_1402 = vector.shape_cast %get3A_1401 : vector<1x16xf32> to vector<16xf32>
        %get3A_1403 = arith.index_cast %add3A_1378 : i32 to index
        %get3A_1404 = arith.constant 96 : index
        %get3A_1405 = tpu.vector_load %arg10[%get3A_1403, %get3A_1404] {strides = array<i32>} : memref<240x128xf32, #tpu.memory_space<vmem>>, vector<1x16xf32>,
        %get3A_1406 = vector.shape_cast %get3A_1405 : vector<1x16xf32> to vector<16xf32>
        %get3A_1407 = arith.index_cast %add3A_1378 : i32 to index
        %get3A_1408 = arith.constant 112 : index
        %get3A_1409 = tpu.vector_load %arg10[%get3A_1407, %get3A_1408] {strides = array<i32>} : memref<240x128xf32, #tpu.memory_space<vmem>>, vector<1x16xf32>,
        %get3A_1410 = vector.shape_cast %get3A_1409 : vector<1x16xf32> to vector<16xf32>
        %mul3A_1411 = arith.mulf %get3A_1382, %broadcast_in_dim3A_1371 : vector<16xf32>
        %swap3A_1412 = arith.index_cast %add3A_1378 : i32 to index
        %swap3A_1413 = arith.constant 0 : index
        %swap3A_1414 = tpu.vector_load %arg10[%swap3A_1412, %swap3A_1413] {strides = array<i32>} : memref<240x128xf32, #tpu.memory_space<vmem>>, vector<1x16xf32>,
        %swap3A_1415 = vector.shape_cast %swap3A_1414 : vector<1x16xf32> to vector<16xf32>
        %swap3A_1416 = vector.shape_cast %mul3A_1411 : vector<16xf32> to vector<1x16xf32>
        tpu.vector_store %arg10[%swap3A_1412, %swap3A_1413], %swap3A_1416 {strides = array<i32>} : memref<240x128xf32, #tpu.memory_space<vmem>>, vector<1x16xf32>,
        %mul3A_1417 = arith.mulf %get3A_1386, %broadcast_in_dim3A_1371 : vector<16xf32>
        %swap3A_1418 = arith.index_cast %add3A_1378 : i32 to index
        %swap3A_1419 = arith.constant 16 : index
        %swap3A_1420 = tpu.vector_load %arg10[%swap3A_1418, %swap3A_1419] {strides = array<i32>} : memref<240x128xf32, #tpu.memory_space<vmem>>, vector<1x16xf32>,
        %swap3A_1421 = vector.shape_cast %swap3A_1420 : vector<1x16xf32> to vector<16xf32>
        %swap3A_1422 = vector.shape_cast %mul3A_1417 : vector<16xf32> to vector<1x16xf32>
        tpu.vector_store %arg10[%swap3A_1418, %swap3A_1419], %swap3A_1422 {strides = array<i32>} : memref<240x128xf32, #tpu.memory_space<vmem>>, vector<1x16xf32>,
        %mul3A_1423 = arith.mulf %get3A_1390, %broadcast_in_dim3A_1371 : vector<16xf32>
        %swap3A_1424 = arith.index_cast %add3A_1378 : i32 to index
        %swap3A_1425 = arith.constant 32 : index
        %swap3A_1426 = tpu.vector_load %arg10[%swap3A_1424, %swap3A_1425] {strides = array<i32>} : memref<240x128xf32, #tpu.memory_space<vmem>>, vector<1x16xf32>,
        %swap3A_1427 = vector.shape_cast %swap3A_1426 : vector<1x16xf32> to vector<16xf32>
        %swap3A_1428 = vector.shape_cast %mul3A_1423 : vector<16xf32> to vector<1x16xf32>
        tpu.vector_store %arg10[%swap3A_1424, %swap3A_1425], %swap3A_1428 {strides = array<i32>} : memref<240x128xf32, #tpu.memory_space<vmem>>, vector<1x16xf32>,
        %mul3A_1429 = arith.mulf %get3A_1394, %broadcast_in_dim3A_1371 : vector<16xf32>
        %swap3A_1430 = arith.index_cast %add3A_1378 : i32 to index
        %swap3A_1431 = arith.constant 48 : index
        %swap3A_1432 = tpu.vector_load %arg10[%swap3A_1430, %swap3A_1431] {strides = array<i32>} : memref<240x128xf32, #tpu.memory_space<vmem>>, vector<1x16xf32>,
        %swap3A_1433 = vector.shape_cast %swap3A_1432 : vector<1x16xf32> to vector<16xf32>
        %swap3A_1434 = vector.shape_cast %mul3A_1429 : vector<16xf32> to vector<1x16xf32>
        tpu.vector_store %arg10[%swap3A_1430, %swap3A_1431], %swap3A_1434 {strides = array<i32>} : memref<240x128xf32, #tpu.memory_space<vmem>>, vector<1x16xf32>,
        %mul3A_1435 = arith.mulf %get3A_1398, %broadcast_in_dim3A_1371 : vector<16xf32>
        %swap3A_1436 = arith.index_cast %add3A_1378 : i32 to index
        %swap3A_1437 = arith.constant 64 : index
        %swap3A_1438 = tpu.vector_load %arg10[%swap3A_1436, %swap3A_1437] {strides = array<i32>} : memref<240x128xf32, #tpu.memory_space<vmem>>, vector<1x16xf32>,
        %swap3A_1439 = vector.shape_cast %swap3A_1438 : vector<1x16xf32> to vector<16xf32>
        %swap3A_1440 = vector.shape_cast %mul3A_1435 : vector<16xf32> to vector<1x16xf32>
        tpu.vector_store %arg10[%swap3A_1436, %swap3A_1437], %swap3A_1440 {strides = array<i32>} : memref<240x128xf32, #tpu.memory_space<vmem>>, vector<1x16xf32>,
        %mul3A_1441 = arith.mulf %get3A_1402, %broadcast_in_dim3A_1371 : vector<16xf32>
        %swap3A_1442 = arith.index_cast %add3A_1378 : i32 to index
        %swap3A_1443 = arith.constant 80 : index
        %swap3A_1444 = tpu.vector_load %arg10[%swap3A_1442, %swap3A_1443] {strides = array<i32>} : memref<240x128xf32, #tpu.memory_space<vmem>>, vector<1x16xf32>,
        %swap3A_1445 = vector.shape_cast %swap3A_1444 : vector<1x16xf32> to vector<16xf32>
        %swap3A_1446 = vector.shape_cast %mul3A_1441 : vector<16xf32> to vector<1x16xf32>
        tpu.vector_store %arg10[%swap3A_1442, %swap3A_1443], %swap3A_1446 {strides = array<i32>} : memref<240x128xf32, #tpu.memory_space<vmem>>, vector<1x16xf32>,
        %mul3A_1447 = arith.mulf %get3A_1406, %broadcast_in_dim3A_1371 : vector<16xf32>
        %swap3A_1448 = arith.index_cast %add3A_1378 : i32 to index
        %swap3A_1449 = arith.constant 96 : index
        %swap3A_1450 = tpu.vector_load %arg10[%swap3A_1448, %swap3A_1449] {strides = array<i32>} : memref<240x128xf32, #tpu.memory_space<vmem>>, vector<1x16xf32>,
        %swap3A_1451 = vector.shape_cast %swap3A_1450 : vector<1x16xf32> to vector<16xf32>
        %swap3A_1452 = vector.shape_cast %mul3A_1447 : vector<16xf32> to vector<1x16xf32>
        tpu.vector_store %arg10[%swap3A_1448, %swap3A_1449], %swap3A_1452 {strides = array<i32>} : memref<240x128xf32, #tpu.memory_space<vmem>>, vector<1x16xf32>,
        %mul3A_1453 = arith.mulf %get3A_1410, %broadcast_in_dim3A_1371 : vector<16xf32>
        %swap3A_1454 = arith.index_cast %add3A_1378 : i32 to index
        %swap3A_1455 = arith.constant 112 : index
        %swap3A_1456 = tpu.vector_load %arg10[%swap3A_1454, %swap3A_1455] {strides = array<i32>} : memref<240x128xf32, #tpu.memory_space<vmem>>, vector<1x16xf32>,
        %swap3A_1457 = vector.shape_cast %swap3A_1456 : vector<1x16xf32> to vector<16xf32>
        %swap3A_1458 = vector.shape_cast %mul3A_1453 : vector<16xf32> to vector<1x16xf32>
        tpu.vector_store %arg10[%swap3A_1454, %swap3A_1455], %swap3A_1458 {strides = array<i32>} : memref<240x128xf32, #tpu.memory_space<vmem>>, vector<1x16xf32>,
        %slice3A_1459 = vector.extract_strided_slice %get3A_292 {offsets = [13], sizes = [1], strides = [1]} : vector<16xf32> to vector<1xf32>
        %squeeze3A_1460 = vector.extract %slice3A_1459[0] : f32 from vector<1xf32>
        %broadcast_in_dim3A_1461 = vector.broadcast %squeeze3A_1460 : f32 to vector<16xf32>
        %mul3A_1462 = arith.constant 80 : i32
        %mul3A_1463 = arith.muli %rem3A_233, %mul3A_1462 : i32
        %mul3A_1464 = arith.constant 16 : i32
        %mul3A_1465 = arith.muli %scan3A_286, %mul3A_1464 : i32
        %add3A_1466 = arith.addi %mul3A_1463, %mul3A_1465 : i32
        %add3A_1467 = arith.constant 13 : i32
        %add3A_1468 = arith.addi %add3A_1466, %add3A_1467 : i32
        %get3A_1469 = arith.index_cast %add3A_1468 : i32 to index
        %get3A_1470 = arith.constant 0 : index
        %get3A_1471 = tpu.vector_load %arg10[%get3A_1469, %get3A_1470] {strides = array<i32>} : memref<240x128xf32, #tpu.memory_space<vmem>>, vector<1x16xf32>,
        %get3A_1472 = vector.shape_cast %get3A_1471 : vector<1x16xf32> to vector<16xf32>
        %get3A_1473 = arith.index_cast %add3A_1468 : i32 to index
        %get3A_1474 = arith.constant 16 : index
        %get3A_1475 = tpu.vector_load %arg10[%get3A_1473, %get3A_1474] {strides = array<i32>} : memref<240x128xf32, #tpu.memory_space<vmem>>, vector<1x16xf32>,
        %get3A_1476 = vector.shape_cast %get3A_1475 : vector<1x16xf32> to vector<16xf32>
        %get3A_1477 = arith.index_cast %add3A_1468 : i32 to index
        %get3A_1478 = arith.constant 32 : index
        %get3A_1479 = tpu.vector_load %arg10[%get3A_1477, %get3A_1478] {strides = array<i32>} : memref<240x128xf32, #tpu.memory_space<vmem>>, vector<1x16xf32>,
        %get3A_1480 = vector.shape_cast %get3A_1479 : vector<1x16xf32> to vector<16xf32>
        %get3A_1481 = arith.index_cast %add3A_1468 : i32 to index
        %get3A_1482 = arith.constant 48 : index
        %get3A_1483 = tpu.vector_load %arg10[%get3A_1481, %get3A_1482] {strides = array<i32>} : memref<240x128xf32, #tpu.memory_space<vmem>>, vector<1x16xf32>,
        %get3A_1484 = vector.shape_cast %get3A_1483 : vector<1x16xf32> to vector<16xf32>
        %get3A_1485 = arith.index_cast %add3A_1468 : i32 to index
        %get3A_1486 = arith.constant 64 : index
        %get3A_1487 = tpu.vector_load %arg10[%get3A_1485, %get3A_1486] {strides = array<i32>} : memref<240x128xf32, #tpu.memory_space<vmem>>, vector<1x16xf32>,
        %get3A_1488 = vector.shape_cast %get3A_1487 : vector<1x16xf32> to vector<16xf32>
        %get3A_1489 = arith.index_cast %add3A_1468 : i32 to index
        %get3A_1490 = arith.constant 80 : index
        %get3A_1491 = tpu.vector_load %arg10[%get3A_1489, %get3A_1490] {strides = array<i32>} : memref<240x128xf32, #tpu.memory_space<vmem>>, vector<1x16xf32>,
        %get3A_1492 = vector.shape_cast %get3A_1491 : vector<1x16xf32> to vector<16xf32>
        %get3A_1493 = arith.index_cast %add3A_1468 : i32 to index
        %get3A_1494 = arith.constant 96 : index
        %get3A_1495 = tpu.vector_load %arg10[%get3A_1493, %get3A_1494] {strides = array<i32>} : memref<240x128xf32, #tpu.memory_space<vmem>>, vector<1x16xf32>,
        %get3A_1496 = vector.shape_cast %get3A_1495 : vector<1x16xf32> to vector<16xf32>
        %get3A_1497 = arith.index_cast %add3A_1468 : i32 to index
        %get3A_1498 = arith.constant 112 : index
        %get3A_1499 = tpu.vector_load %arg10[%get3A_1497, %get3A_1498] {strides = array<i32>} : memref<240x128xf32, #tpu.memory_space<vmem>>, vector<1x16xf32>,
        %get3A_1500 = vector.shape_cast %get3A_1499 : vector<1x16xf32> to vector<16xf32>
        %mul3A_1501 = arith.mulf %get3A_1472, %broadcast_in_dim3A_1461 : vector<16xf32>
        %swap3A_1502 = arith.index_cast %add3A_1468 : i32 to index
        %swap3A_1503 = arith.constant 0 : index
        %swap3A_1504 = tpu.vector_load %arg10[%swap3A_1502, %swap3A_1503] {strides = array<i32>} : memref<240x128xf32, #tpu.memory_space<vmem>>, vector<1x16xf32>,
        %swap3A_1505 = vector.shape_cast %swap3A_1504 : vector<1x16xf32> to vector<16xf32>
        %swap3A_1506 = vector.shape_cast %mul3A_1501 : vector<16xf32> to vector<1x16xf32>
        tpu.vector_store %arg10[%swap3A_1502, %swap3A_1503], %swap3A_1506 {strides = array<i32>} : memref<240x128xf32, #tpu.memory_space<vmem>>, vector<1x16xf32>,
        %mul3A_1507 = arith.mulf %get3A_1476, %broadcast_in_dim3A_1461 : vector<16xf32>
        %swap3A_1508 = arith.index_cast %add3A_1468 : i32 to index
        %swap3A_1509 = arith.constant 16 : index
        %swap3A_1510 = tpu.vector_load %arg10[%swap3A_1508, %swap3A_1509] {strides = array<i32>} : memref<240x128xf32, #tpu.memory_space<vmem>>, vector<1x16xf32>,
        %swap3A_1511 = vector.shape_cast %swap3A_1510 : vector<1x16xf32> to vector<16xf32>
        %swap3A_1512 = vector.shape_cast %mul3A_1507 : vector<16xf32> to vector<1x16xf32>
        tpu.vector_store %arg10[%swap3A_1508, %swap3A_1509], %swap3A_1512 {strides = array<i32>} : memref<240x128xf32, #tpu.memory_space<vmem>>, vector<1x16xf32>,
        %mul3A_1513 = arith.mulf %get3A_1480, %broadcast_in_dim3A_1461 : vector<16xf32>
        %swap3A_1514 = arith.index_cast %add3A_1468 : i32 to index
        %swap3A_1515 = arith.constant 32 : index
        %swap3A_1516 = tpu.vector_load %arg10[%swap3A_1514, %swap3A_1515] {strides = array<i32>} : memref<240x128xf32, #tpu.memory_space<vmem>>, vector<1x16xf32>,
        %swap3A_1517 = vector.shape_cast %swap3A_1516 : vector<1x16xf32> to vector<16xf32>
        %swap3A_1518 = vector.shape_cast %mul3A_1513 : vector<16xf32> to vector<1x16xf32>
        tpu.vector_store %arg10[%swap3A_1514, %swap3A_1515], %swap3A_1518 {strides = array<i32>} : memref<240x128xf32, #tpu.memory_space<vmem>>, vector<1x16xf32>,
        %mul3A_1519 = arith.mulf %get3A_1484, %broadcast_in_dim3A_1461 : vector<16xf32>
        %swap3A_1520 = arith.index_cast %add3A_1468 : i32 to index
        %swap3A_1521 = arith.constant 48 : index
        %swap3A_1522 = tpu.vector_load %arg10[%swap3A_1520, %swap3A_1521] {strides = array<i32>} : memref<240x128xf32, #tpu.memory_space<vmem>>, vector<1x16xf32>,
        %swap3A_1523 = vector.shape_cast %swap3A_1522 : vector<1x16xf32> to vector<16xf32>
        %swap3A_1524 = vector.shape_cast %mul3A_1519 : vector<16xf32> to vector<1x16xf32>
        tpu.vector_store %arg10[%swap3A_1520, %swap3A_1521], %swap3A_1524 {strides = array<i32>} : memref<240x128xf32, #tpu.memory_space<vmem>>, vector<1x16xf32>,
        %mul3A_1525 = arith.mulf %get3A_1488, %broadcast_in_dim3A_1461 : vector<16xf32>
        %swap3A_1526 = arith.index_cast %add3A_1468 : i32 to index
        %swap3A_1527 = arith.constant 64 : index
        %swap3A_1528 = tpu.vector_load %arg10[%swap3A_1526, %swap3A_1527] {strides = array<i32>} : memref<240x128xf32, #tpu.memory_space<vmem>>, vector<1x16xf32>,
        %swap3A_1529 = vector.shape_cast %swap3A_1528 : vector<1x16xf32> to vector<16xf32>
        %swap3A_1530 = vector.shape_cast %mul3A_1525 : vector<16xf32> to vector<1x16xf32>
        tpu.vector_store %arg10[%swap3A_1526, %swap3A_1527], %swap3A_1530 {strides = array<i32>} : memref<240x128xf32, #tpu.memory_space<vmem>>, vector<1x16xf32>,
        %mul3A_1531 = arith.mulf %get3A_1492, %broadcast_in_dim3A_1461 : vector<16xf32>
        %swap3A_1532 = arith.index_cast %add3A_1468 : i32 to index
        %swap3A_1533 = arith.constant 80 : index
        %swap3A_1534 = tpu.vector_load %arg10[%swap3A_1532, %swap3A_1533] {strides = array<i32>} : memref<240x128xf32, #tpu.memory_space<vmem>>, vector<1x16xf32>,
        %swap3A_1535 = vector.shape_cast %swap3A_1534 : vector<1x16xf32> to vector<16xf32>
        %swap3A_1536 = vector.shape_cast %mul3A_1531 : vector<16xf32> to vector<1x16xf32>
        tpu.vector_store %arg10[%swap3A_1532, %swap3A_1533], %swap3A_1536 {strides = array<i32>} : memref<240x128xf32, #tpu.memory_space<vmem>>, vector<1x16xf32>,
        %mul3A_1537 = arith.mulf %get3A_1496, %broadcast_in_dim3A_1461 : vector<16xf32>
        %swap3A_1538 = arith.index_cast %add3A_1468 : i32 to index
        %swap3A_1539 = arith.constant 96 : index
        %swap3A_1540 = tpu.vector_load %arg10[%swap3A_1538, %swap3A_1539] {strides = array<i32>} : memref<240x128xf32, #tpu.memory_space<vmem>>, vector<1x16xf32>,
        %swap3A_1541 = vector.shape_cast %swap3A_1540 : vector<1x16xf32> to vector<16xf32>
        %swap3A_1542 = vector.shape_cast %mul3A_1537 : vector<16xf32> to vector<1x16xf32>
        tpu.vector_store %arg10[%swap3A_1538, %swap3A_1539], %swap3A_1542 {strides = array<i32>} : memref<240x128xf32, #tpu.memory_space<vmem>>, vector<1x16xf32>,
        %mul3A_1543 = arith.mulf %get3A_1500, %broadcast_in_dim3A_1461 : vector<16xf32>
        %swap3A_1544 = arith.index_cast %add3A_1468 : i32 to index
        %swap3A_1545 = arith.constant 112 : index
        %swap3A_1546 = tpu.vector_load %arg10[%swap3A_1544, %swap3A_1545] {strides = array<i32>} : memref<240x128xf32, #tpu.memory_space<vmem>>, vector<1x16xf32>,
        %swap3A_1547 = vector.shape_cast %swap3A_1546 : vector<1x16xf32> to vector<16xf32>
        %swap3A_1548 = vector.shape_cast %mul3A_1543 : vector<16xf32> to vector<1x16xf32>
        tpu.vector_store %arg10[%swap3A_1544, %swap3A_1545], %swap3A_1548 {strides = array<i32>} : memref<240x128xf32, #tpu.memory_space<vmem>>, vector<1x16xf32>,
        %slice3A_1549 = vector.extract_strided_slice %get3A_292 {offsets = [14], sizes = [1], strides = [1]} : vector<16xf32> to vector<1xf32>
        %squeeze3A_1550 = vector.extract %slice3A_1549[0] : f32 from vector<1xf32>
        %broadcast_in_dim3A_1551 = vector.broadcast %squeeze3A_1550 : f32 to vector<16xf32>
        %mul3A_1552 = arith.constant 80 : i32
        %mul3A_1553 = arith.muli %rem3A_233, %mul3A_1552 : i32
        %mul3A_1554 = arith.constant 16 : i32
        %mul3A_1555 = arith.muli %scan3A_286, %mul3A_1554 : i32
        %add3A_1556 = arith.addi %mul3A_1553, %mul3A_1555 : i32
        %add3A_1557 = arith.constant 14 : i32
        %add3A_1558 = arith.addi %add3A_1556, %add3A_1557 : i32
        %get3A_1559 = arith.index_cast %add3A_1558 : i32 to index
        %get3A_1560 = arith.constant 0 : index
        %get3A_1561 = tpu.vector_load %arg10[%get3A_1559, %get3A_1560] {strides = array<i32>} : memref<240x128xf32, #tpu.memory_space<vmem>>, vector<1x16xf32>,
        %get3A_1562 = vector.shape_cast %get3A_1561 : vector<1x16xf32> to vector<16xf32>
        %get3A_1563 = arith.index_cast %add3A_1558 : i32 to index
        %get3A_1564 = arith.constant 16 : index
        %get3A_1565 = tpu.vector_load %arg10[%get3A_1563, %get3A_1564] {strides = array<i32>} : memref<240x128xf32, #tpu.memory_space<vmem>>, vector<1x16xf32>,
        %get3A_1566 = vector.shape_cast %get3A_1565 : vector<1x16xf32> to vector<16xf32>
        %get3A_1567 = arith.index_cast %add3A_1558 : i32 to index
        %get3A_1568 = arith.constant 32 : index
        %get3A_1569 = tpu.vector_load %arg10[%get3A_1567, %get3A_1568] {strides = array<i32>} : memref<240x128xf32, #tpu.memory_space<vmem>>, vector<1x16xf32>,
        %get3A_1570 = vector.shape_cast %get3A_1569 : vector<1x16xf32> to vector<16xf32>
        %get3A_1571 = arith.index_cast %add3A_1558 : i32 to index
        %get3A_1572 = arith.constant 48 : index
        %get3A_1573 = tpu.vector_load %arg10[%get3A_1571, %get3A_1572] {strides = array<i32>} : memref<240x128xf32, #tpu.memory_space<vmem>>, vector<1x16xf32>,
        %get3A_1574 = vector.shape_cast %get3A_1573 : vector<1x16xf32> to vector<16xf32>
        %get3A_1575 = arith.index_cast %add3A_1558 : i32 to index
        %get3A_1576 = arith.constant 64 : index
        %get3A_1577 = tpu.vector_load %arg10[%get3A_1575, %get3A_1576] {strides = array<i32>} : memref<240x128xf32, #tpu.memory_space<vmem>>, vector<1x16xf32>,
        %get3A_1578 = vector.shape_cast %get3A_1577 : vector<1x16xf32> to vector<16xf32>
        %get3A_1579 = arith.index_cast %add3A_1558 : i32 to index
        %get3A_1580 = arith.constant 80 : index
        %get3A_1581 = tpu.vector_load %arg10[%get3A_1579, %get3A_1580] {strides = array<i32>} : memref<240x128xf32, #tpu.memory_space<vmem>>, vector<1x16xf32>,
        %get3A_1582 = vector.shape_cast %get3A_1581 : vector<1x16xf32> to vector<16xf32>
        %get3A_1583 = arith.index_cast %add3A_1558 : i32 to index
        %get3A_1584 = arith.constant 96 : index
        %get3A_1585 = tpu.vector_load %arg10[%get3A_1583, %get3A_1584] {strides = array<i32>} : memref<240x128xf32, #tpu.memory_space<vmem>>, vector<1x16xf32>,
        %get3A_1586 = vector.shape_cast %get3A_1585 : vector<1x16xf32> to vector<16xf32>
        %get3A_1587 = arith.index_cast %add3A_1558 : i32 to index
        %get3A_1588 = arith.constant 112 : index
        %get3A_1589 = tpu.vector_load %arg10[%get3A_1587, %get3A_1588] {strides = array<i32>} : memref<240x128xf32, #tpu.memory_space<vmem>>, vector<1x16xf32>,
        %get3A_1590 = vector.shape_cast %get3A_1589 : vector<1x16xf32> to vector<16xf32>
        %mul3A_1591 = arith.mulf %get3A_1562, %broadcast_in_dim3A_1551 : vector<16xf32>
        %swap3A_1592 = arith.index_cast %add3A_1558 : i32 to index
        %swap3A_1593 = arith.constant 0 : index
        %swap3A_1594 = tpu.vector_load %arg10[%swap3A_1592, %swap3A_1593] {strides = array<i32>} : memref<240x128xf32, #tpu.memory_space<vmem>>, vector<1x16xf32>,
        %swap3A_1595 = vector.shape_cast %swap3A_1594 : vector<1x16xf32> to vector<16xf32>
        %swap3A_1596 = vector.shape_cast %mul3A_1591 : vector<16xf32> to vector<1x16xf32>
        tpu.vector_store %arg10[%swap3A_1592, %swap3A_1593], %swap3A_1596 {strides = array<i32>} : memref<240x128xf32, #tpu.memory_space<vmem>>, vector<1x16xf32>,
        %mul3A_1597 = arith.mulf %get3A_1566, %broadcast_in_dim3A_1551 : vector<16xf32>
        %swap3A_1598 = arith.index_cast %add3A_1558 : i32 to index
        %swap3A_1599 = arith.constant 16 : index
        %swap3A_1600 = tpu.vector_load %arg10[%swap3A_1598, %swap3A_1599] {strides = array<i32>} : memref<240x128xf32, #tpu.memory_space<vmem>>, vector<1x16xf32>,
        %swap3A_1601 = vector.shape_cast %swap3A_1600 : vector<1x16xf32> to vector<16xf32>
        %swap3A_1602 = vector.shape_cast %mul3A_1597 : vector<16xf32> to vector<1x16xf32>
        tpu.vector_store %arg10[%swap3A_1598, %swap3A_1599], %swap3A_1602 {strides = array<i32>} : memref<240x128xf32, #tpu.memory_space<vmem>>, vector<1x16xf32>,
        %mul3A_1603 = arith.mulf %get3A_1570, %broadcast_in_dim3A_1551 : vector<16xf32>
        %swap3A_1604 = arith.index_cast %add3A_1558 : i32 to index
        %swap3A_1605 = arith.constant 32 : index
        %swap3A_1606 = tpu.vector_load %arg10[%swap3A_1604, %swap3A_1605] {strides = array<i32>} : memref<240x128xf32, #tpu.memory_space<vmem>>, vector<1x16xf32>,
        %swap3A_1607 = vector.shape_cast %swap3A_1606 : vector<1x16xf32> to vector<16xf32>
        %swap3A_1608 = vector.shape_cast %mul3A_1603 : vector<16xf32> to vector<1x16xf32>
        tpu.vector_store %arg10[%swap3A_1604, %swap3A_1605], %swap3A_1608 {strides = array<i32>} : memref<240x128xf32, #tpu.memory_space<vmem>>, vector<1x16xf32>,
        %mul3A_1609 = arith.mulf %get3A_1574, %broadcast_in_dim3A_1551 : vector<16xf32>
        %swap3A_1610 = arith.index_cast %add3A_1558 : i32 to index
        %swap3A_1611 = arith.constant 48 : index
        %swap3A_1612 = tpu.vector_load %arg10[%swap3A_1610, %swap3A_1611] {strides = array<i32>} : memref<240x128xf32, #tpu.memory_space<vmem>>, vector<1x16xf32>,
        %swap3A_1613 = vector.shape_cast %swap3A_1612 : vector<1x16xf32> to vector<16xf32>
        %swap3A_1614 = vector.shape_cast %mul3A_1609 : vector<16xf32> to vector<1x16xf32>
        tpu.vector_store %arg10[%swap3A_1610, %swap3A_1611], %swap3A_1614 {strides = array<i32>} : memref<240x128xf32, #tpu.memory_space<vmem>>, vector<1x16xf32>,
        %mul3A_1615 = arith.mulf %get3A_1578, %broadcast_in_dim3A_1551 : vector<16xf32>
        %swap3A_1616 = arith.index_cast %add3A_1558 : i32 to index
        %swap3A_1617 = arith.constant 64 : index
        %swap3A_1618 = tpu.vector_load %arg10[%swap3A_1616, %swap3A_1617] {strides = array<i32>} : memref<240x128xf32, #tpu.memory_space<vmem>>, vector<1x16xf32>,
        %swap3A_1619 = vector.shape_cast %swap3A_1618 : vector<1x16xf32> to vector<16xf32>
        %swap3A_1620 = vector.shape_cast %mul3A_1615 : vector<16xf32> to vector<1x16xf32>
        tpu.vector_store %arg10[%swap3A_1616, %swap3A_1617], %swap3A_1620 {strides = array<i32>} : memref<240x128xf32, #tpu.memory_space<vmem>>, vector<1x16xf32>,
        %mul3A_1621 = arith.mulf %get3A_1582, %broadcast_in_dim3A_1551 : vector<16xf32>
        %swap3A_1622 = arith.index_cast %add3A_1558 : i32 to index
        %swap3A_1623 = arith.constant 80 : index
        %swap3A_1624 = tpu.vector_load %arg10[%swap3A_1622, %swap3A_1623] {strides = array<i32>} : memref<240x128xf32, #tpu.memory_space<vmem>>, vector<1x16xf32>,
        %swap3A_1625 = vector.shape_cast %swap3A_1624 : vector<1x16xf32> to vector<16xf32>
        %swap3A_1626 = vector.shape_cast %mul3A_1621 : vector<16xf32> to vector<1x16xf32>
        tpu.vector_store %arg10[%swap3A_1622, %swap3A_1623], %swap3A_1626 {strides = array<i32>} : memref<240x128xf32, #tpu.memory_space<vmem>>, vector<1x16xf32>,
        %mul3A_1627 = arith.mulf %get3A_1586, %broadcast_in_dim3A_1551 : vector<16xf32>
        %swap3A_1628 = arith.index_cast %add3A_1558 : i32 to index
        %swap3A_1629 = arith.constant 96 : index
        %swap3A_1630 = tpu.vector_load %arg10[%swap3A_1628, %swap3A_1629] {strides = array<i32>} : memref<240x128xf32, #tpu.memory_space<vmem>>, vector<1x16xf32>,
        %swap3A_1631 = vector.shape_cast %swap3A_1630 : vector<1x16xf32> to vector<16xf32>
        %swap3A_1632 = vector.shape_cast %mul3A_1627 : vector<16xf32> to vector<1x16xf32>
        tpu.vector_store %arg10[%swap3A_1628, %swap3A_1629], %swap3A_1632 {strides = array<i32>} : memref<240x128xf32, #tpu.memory_space<vmem>>, vector<1x16xf32>,
        %mul3A_1633 = arith.mulf %get3A_1590, %broadcast_in_dim3A_1551 : vector<16xf32>
        %swap3A_1634 = arith.index_cast %add3A_1558 : i32 to index
        %swap3A_1635 = arith.constant 112 : index
        %swap3A_1636 = tpu.vector_load %arg10[%swap3A_1634, %swap3A_1635] {strides = array<i32>} : memref<240x128xf32, #tpu.memory_space<vmem>>, vector<1x16xf32>,
        %swap3A_1637 = vector.shape_cast %swap3A_1636 : vector<1x16xf32> to vector<16xf32>
        %swap3A_1638 = vector.shape_cast %mul3A_1633 : vector<16xf32> to vector<1x16xf32>
        tpu.vector_store %arg10[%swap3A_1634, %swap3A_1635], %swap3A_1638 {strides = array<i32>} : memref<240x128xf32, #tpu.memory_space<vmem>>, vector<1x16xf32>,
        %slice3A_1639 = vector.extract_strided_slice %get3A_292 {offsets = [15], sizes = [1], strides = [1]} : vector<16xf32> to vector<1xf32>
        %squeeze3A_1640 = vector.extract %slice3A_1639[0] : f32 from vector<1xf32>
        %broadcast_in_dim3A_1641 = vector.broadcast %squeeze3A_1640 : f32 to vector<16xf32>
        %mul3A_1642 = arith.constant 80 : i32
        %mul3A_1643 = arith.muli %rem3A_233, %mul3A_1642 : i32
        %mul3A_1644 = arith.constant 16 : i32
        %mul3A_1645 = arith.muli %scan3A_286, %mul3A_1644 : i32
        %add3A_1646 = arith.addi %mul3A_1643, %mul3A_1645 : i32
        %add3A_1647 = arith.constant 15 : i32
        %add3A_1648 = arith.addi %add3A_1646, %add3A_1647 : i32
        %get3A_1649 = arith.index_cast %add3A_1648 : i32 to index
        %get3A_1650 = arith.constant 0 : index
        %get3A_1651 = tpu.vector_load %arg10[%get3A_1649, %get3A_1650] {strides = array<i32>} : memref<240x128xf32, #tpu.memory_space<vmem>>, vector<1x16xf32>,
        %get3A_1652 = vector.shape_cast %get3A_1651 : vector<1x16xf32> to vector<16xf32>
        %get3A_1653 = arith.index_cast %add3A_1648 : i32 to index
        %get3A_1654 = arith.constant 16 : index
        %get3A_1655 = tpu.vector_load %arg10[%get3A_1653, %get3A_1654] {strides = array<i32>} : memref<240x128xf32, #tpu.memory_space<vmem>>, vector<1x16xf32>,
        %get3A_1656 = vector.shape_cast %get3A_1655 : vector<1x16xf32> to vector<16xf32>
        %get3A_1657 = arith.index_cast %add3A_1648 : i32 to index
        %get3A_1658 = arith.constant 32 : index
        %get3A_1659 = tpu.vector_load %arg10[%get3A_1657, %get3A_1658] {strides = array<i32>} : memref<240x128xf32, #tpu.memory_space<vmem>>, vector<1x16xf32>,
        %get3A_1660 = vector.shape_cast %get3A_1659 : vector<1x16xf32> to vector<16xf32>
        %get3A_1661 = arith.index_cast %add3A_1648 : i32 to index
        %get3A_1662 = arith.constant 48 : index
        %get3A_1663 = tpu.vector_load %arg10[%get3A_1661, %get3A_1662] {strides = array<i32>} : memref<240x128xf32, #tpu.memory_space<vmem>>, vector<1x16xf32>,
        %get3A_1664 = vector.shape_cast %get3A_1663 : vector<1x16xf32> to vector<16xf32>
        %get3A_1665 = arith.index_cast %add3A_1648 : i32 to index
        %get3A_1666 = arith.constant 64 : index
        %get3A_1667 = tpu.vector_load %arg10[%get3A_1665, %get3A_1666] {strides = array<i32>} : memref<240x128xf32, #tpu.memory_space<vmem>>, vector<1x16xf32>,
        %get3A_1668 = vector.shape_cast %get3A_1667 : vector<1x16xf32> to vector<16xf32>
        %get3A_1669 = arith.index_cast %add3A_1648 : i32 to index
        %get3A_1670 = arith.constant 80 : index
        %get3A_1671 = tpu.vector_load %arg10[%get3A_1669, %get3A_1670] {strides = array<i32>} : memref<240x128xf32, #tpu.memory_space<vmem>>, vector<1x16xf32>,
        %get3A_1672 = vector.shape_cast %get3A_1671 : vector<1x16xf32> to vector<16xf32>
        %get3A_1673 = arith.index_cast %add3A_1648 : i32 to index
        %get3A_1674 = arith.constant 96 : index
        %get3A_1675 = tpu.vector_load %arg10[%get3A_1673, %get3A_1674] {strides = array<i32>} : memref<240x128xf32, #tpu.memory_space<vmem>>, vector<1x16xf32>,
        %get3A_1676 = vector.shape_cast %get3A_1675 : vector<1x16xf32> to vector<16xf32>
        %get3A_1677 = arith.index_cast %add3A_1648 : i32 to index
        %get3A_1678 = arith.constant 112 : index
        %get3A_1679 = tpu.vector_load %arg10[%get3A_1677, %get3A_1678] {strides = array<i32>} : memref<240x128xf32, #tpu.memory_space<vmem>>, vector<1x16xf32>,
        %get3A_1680 = vector.shape_cast %get3A_1679 : vector<1x16xf32> to vector<16xf32>
        %mul3A_1681 = arith.mulf %get3A_1652, %broadcast_in_dim3A_1641 : vector<16xf32>
        %swap3A_1682 = arith.index_cast %add3A_1648 : i32 to index
        %swap3A_1683 = arith.constant 0 : index
        %swap3A_1684 = tpu.vector_load %arg10[%swap3A_1682, %swap3A_1683] {strides = array<i32>} : memref<240x128xf32, #tpu.memory_space<vmem>>, vector<1x16xf32>,
        %swap3A_1685 = vector.shape_cast %swap3A_1684 : vector<1x16xf32> to vector<16xf32>
        %swap3A_1686 = vector.shape_cast %mul3A_1681 : vector<16xf32> to vector<1x16xf32>
        tpu.vector_store %arg10[%swap3A_1682, %swap3A_1683], %swap3A_1686 {strides = array<i32>} : memref<240x128xf32, #tpu.memory_space<vmem>>, vector<1x16xf32>,
        %mul3A_1687 = arith.mulf %get3A_1656, %broadcast_in_dim3A_1641 : vector<16xf32>
        %swap3A_1688 = arith.index_cast %add3A_1648 : i32 to index
        %swap3A_1689 = arith.constant 16 : index
        %swap3A_1690 = tpu.vector_load %arg10[%swap3A_1688, %swap3A_1689] {strides = array<i32>} : memref<240x128xf32, #tpu.memory_space<vmem>>, vector<1x16xf32>,
        %swap3A_1691 = vector.shape_cast %swap3A_1690 : vector<1x16xf32> to vector<16xf32>
        %swap3A_1692 = vector.shape_cast %mul3A_1687 : vector<16xf32> to vector<1x16xf32>
        tpu.vector_store %arg10[%swap3A_1688, %swap3A_1689], %swap3A_1692 {strides = array<i32>} : memref<240x128xf32, #tpu.memory_space<vmem>>, vector<1x16xf32>,
        %mul3A_1693 = arith.mulf %get3A_1660, %broadcast_in_dim3A_1641 : vector<16xf32>
        %swap3A_1694 = arith.index_cast %add3A_1648 : i32 to index
        %swap3A_1695 = arith.constant 32 : index
        %swap3A_1696 = tpu.vector_load %arg10[%swap3A_1694, %swap3A_1695] {strides = array<i32>} : memref<240x128xf32, #tpu.memory_space<vmem>>, vector<1x16xf32>,
        %swap3A_1697 = vector.shape_cast %swap3A_1696 : vector<1x16xf32> to vector<16xf32>
        %swap3A_1698 = vector.shape_cast %mul3A_1693 : vector<16xf32> to vector<1x16xf32>
        tpu.vector_store %arg10[%swap3A_1694, %swap3A_1695], %swap3A_1698 {strides = array<i32>} : memref<240x128xf32, #tpu.memory_space<vmem>>, vector<1x16xf32>,
        %mul3A_1699 = arith.mulf %get3A_1664, %broadcast_in_dim3A_1641 : vector<16xf32>
        %swap3A_1700 = arith.index_cast %add3A_1648 : i32 to index
        %swap3A_1701 = arith.constant 48 : index
        %swap3A_1702 = tpu.vector_load %arg10[%swap3A_1700, %swap3A_1701] {strides = array<i32>} : memref<240x128xf32, #tpu.memory_space<vmem>>, vector<1x16xf32>,
        %swap3A_1703 = vector.shape_cast %swap3A_1702 : vector<1x16xf32> to vector<16xf32>
        %swap3A_1704 = vector.shape_cast %mul3A_1699 : vector<16xf32> to vector<1x16xf32>
        tpu.vector_store %arg10[%swap3A_1700, %swap3A_1701], %swap3A_1704 {strides = array<i32>} : memref<240x128xf32, #tpu.memory_space<vmem>>, vector<1x16xf32>,
        %mul3A_1705 = arith.mulf %get3A_1668, %broadcast_in_dim3A_1641 : vector<16xf32>
        %swap3A_1706 = arith.index_cast %add3A_1648 : i32 to index
        %swap3A_1707 = arith.constant 64 : index
        %swap3A_1708 = tpu.vector_load %arg10[%swap3A_1706, %swap3A_1707] {strides = array<i32>} : memref<240x128xf32, #tpu.memory_space<vmem>>, vector<1x16xf32>,
        %swap3A_1709 = vector.shape_cast %swap3A_1708 : vector<1x16xf32> to vector<16xf32>
        %swap3A_1710 = vector.shape_cast %mul3A_1705 : vector<16xf32> to vector<1x16xf32>
        tpu.vector_store %arg10[%swap3A_1706, %swap3A_1707], %swap3A_1710 {strides = array<i32>} : memref<240x128xf32, #tpu.memory_space<vmem>>, vector<1x16xf32>,
        %mul3A_1711 = arith.mulf %get3A_1672, %broadcast_in_dim3A_1641 : vector<16xf32>
        %swap3A_1712 = arith.index_cast %add3A_1648 : i32 to index
        %swap3A_1713 = arith.constant 80 : index
        %swap3A_1714 = tpu.vector_load %arg10[%swap3A_1712, %swap3A_1713] {strides = array<i32>} : memref<240x128xf32, #tpu.memory_space<vmem>>, vector<1x16xf32>,
        %swap3A_1715 = vector.shape_cast %swap3A_1714 : vector<1x16xf32> to vector<16xf32>
        %swap3A_1716 = vector.shape_cast %mul3A_1711 : vector<16xf32> to vector<1x16xf32>
        tpu.vector_store %arg10[%swap3A_1712, %swap3A_1713], %swap3A_1716 {strides = array<i32>} : memref<240x128xf32, #tpu.memory_space<vmem>>, vector<1x16xf32>,
        %mul3A_1717 = arith.mulf %get3A_1676, %broadcast_in_dim3A_1641 : vector<16xf32>
        %swap3A_1718 = arith.index_cast %add3A_1648 : i32 to index
        %swap3A_1719 = arith.constant 96 : index
        %swap3A_1720 = tpu.vector_load %arg10[%swap3A_1718, %swap3A_1719] {strides = array<i32>} : memref<240x128xf32, #tpu.memory_space<vmem>>, vector<1x16xf32>,
        %swap3A_1721 = vector.shape_cast %swap3A_1720 : vector<1x16xf32> to vector<16xf32>
        %swap3A_1722 = vector.shape_cast %mul3A_1717 : vector<16xf32> to vector<1x16xf32>
        tpu.vector_store %arg10[%swap3A_1718, %swap3A_1719], %swap3A_1722 {strides = array<i32>} : memref<240x128xf32, #tpu.memory_space<vmem>>, vector<1x16xf32>,
        %mul3A_1723 = arith.mulf %get3A_1680, %broadcast_in_dim3A_1641 : vector<16xf32>
        %swap3A_1724 = arith.index_cast %add3A_1648 : i32 to index
        %swap3A_1725 = arith.constant 112 : index
        %swap3A_1726 = tpu.vector_load %arg10[%swap3A_1724, %swap3A_1725] {strides = array<i32>} : memref<240x128xf32, #tpu.memory_space<vmem>>, vector<1x16xf32>,
        %swap3A_1727 = vector.shape_cast %swap3A_1726 : vector<1x16xf32> to vector<16xf32>
        %swap3A_1728 = vector.shape_cast %mul3A_1723 : vector<16xf32> to vector<1x16xf32>
        tpu.vector_store %arg10[%swap3A_1724, %swap3A_1725], %swap3A_1728 {strides = array<i32>} : memref<240x128xf32, #tpu.memory_space<vmem>>, vector<1x16xf32>,
        %scan3A_1729 = arith.constant 0 : i32
        scf.yield %scan3A_1729 : i32
      }
      %scan3A_274 = arith.constant 5 : i32
      %mul3A_275 = arith.constant 80 : i32
      %mul3A_276 = arith.muli %rem3A_233, %mul3A_275 : i32
      %dma_start3A_277 = arith.constant 0 : i32
      %dma_start3A_278 = tpu.memref_slice %arg10[%mul3A_276, %dma_start3A_277] : memref<240x128xf32, #tpu.memory_space<vmem>> -> memref<80x128xf32, #tpu.memory_space<vmem>>
      %dma_start3A_279 = arith.constant 0 : i32
      %dma_start3A_280 = tpu.memref_slice %arg8[%scan3A_231, %dma_start3A_279] : memref<125x80xi32, #tpu.memory_space<vmem>> -> memref<1x80xi32, #tpu.memory_space<vmem>>
      %dma_start3A_281 = tpu.memref_squeeze %dma_start3A_280 : memref<1x80xi32, #tpu.memory_space<vmem>> -> memref<80xi32, #tpu.memory_space<vmem>>
      %dma_start3A_282 = arith.constant 0 : i32
      %dma_start3A_283 = arith.constant 0 : i32
      %dma_start3A_284 = tpu.memref_slice %arg11[%dma_start3A_282, %dma_start3A_283] : memref<10000x128xf32, #tpu.memory_space<vmem_shared>> -> memref<10000x128xf32, #tpu.memory_space<vmem_shared>>
      tpu.enqueue_indirect_dma source(%dma_start3A_278 : memref<80x128xf32, #tpu.memory_space<vmem>>) target(%dma_start3A_284 : memref<10000x128xf32, #tpu.memory_space<vmem_shared>>) offsets(%dma_start3A_281 : memref<80xi32, #tpu.memory_space<vmem>>) semaphore(%arg14 : memref<!tpu.dma_semaphore, #tpu.memory_space<semaphore_mem>>) {add = true}
      %scan3A_285 = arith.constant 0 : i32
      scf.yield %scan3A_285 : i32
    }
    %scan3A_207 = arith.constant 125 : i32
    %dma_wait3A_208 = arith.constant 123 : i32
    %dma_wait3A_209 = arith.constant 0 : i32
    %dma_wait3A_210 = arith.constant 0 : i32
    %dma_wait3A_211 = tpu.memref_slice %arg10[%dma_wait3A_209, %dma_wait3A_210] : memref<240x128xf32, #tpu.memory_space<vmem>> -> memref<80x128xf32, #tpu.memory_space<vmem>>
    %dma_wait3A_212 = arith.constant 0 : i32
    %dma_wait3A_213 = tpu.memref_slice %arg8[%dma_wait3A_208, %dma_wait3A_212] : memref<125x80xi32, #tpu.memory_space<vmem>> -> memref<1x80xi32, #tpu.memory_space<vmem>>
    %dma_wait3A_214 = tpu.memref_squeeze %dma_wait3A_213 : memref<1x80xi32, #tpu.memory_space<vmem>> -> memref<80xi32, #tpu.memory_space<vmem>>
    %dma_wait3A_215 = arith.constant 0 : i32
    %dma_wait3A_216 = arith.constant 0 : i32
    %dma_wait3A_217 = tpu.memref_slice %arg11[%dma_wait3A_215, %dma_wait3A_216] : memref<10000x128xf32, #tpu.memory_space<vmem_shared>> -> memref<10000x128xf32, #tpu.memory_space<vmem_shared>>
    tpu.wait_indirect_dma semaphore(%arg14 : memref<!tpu.dma_semaphore, #tpu.memory_space<semaphore_mem>>) src(%dma_wait3A_211 : memref<80x128xf32, #tpu.memory_space<vmem>>) dst(%dma_wait3A_217 : memref<10000x128xf32, #tpu.memory_space<vmem_shared>>)
    %dma_wait3A_218 = arith.constant 124 : i32
    %dma_wait3A_219 = arith.constant 80 : i32
    %dma_wait3A_220 = arith.constant 0 : i32
    %dma_wait3A_221 = tpu.memref_slice %arg10[%dma_wait3A_219, %dma_wait3A_220] : memref<240x128xf32, #tpu.memory_space<vmem>> -> memref<80x128xf32, #tpu.memory_space<vmem>>
    %dma_wait3A_222 = arith.constant 0 : i32
    %dma_wait3A_223 = tpu.memref_slice %arg8[%dma_wait3A_218, %dma_wait3A_222] : memref<125x80xi32, #tpu.memory_space<vmem>> -> memref<1x80xi32, #tpu.memory_space<vmem>>
    %dma_wait3A_224 = tpu.memref_squeeze %dma_wait3A_223 : memref<1x80xi32, #tpu.memory_space<vmem>> -> memref<80xi32, #tpu.memory_space<vmem>>
    %dma_wait3A_225 = arith.constant 0 : i32
    %dma_wait3A_226 = arith.constant 0 : i32
    %dma_wait3A_227 = tpu.memref_slice %arg11[%dma_wait3A_225, %dma_wait3A_226] : memref<10000x128xf32, #tpu.memory_space<vmem_shared>> -> memref<10000x128xf32, #tpu.memory_space<vmem_shared>>
    tpu.wait_indirect_dma semaphore(%arg14 : memref<!tpu.dma_semaphore, #tpu.memory_space<semaphore_mem>>) src(%dma_wait3A_221 : memref<80x128xf32, #tpu.memory_space<vmem>>) dst(%dma_wait3A_227 : memref<10000x128xf32, #tpu.memory_space<vmem_shared>>)
    %barrier3A_228 = arith.constant 0 : index
    tpu.barrier barrier_id(%barrier3A_228)
    %mul3A_229 = arith.constant 625 : i32
    %mul3A_230 = arith.muli %arg1, %mul3A_229 : i32
    "tpu.region"() ({
      %run_scoped3A = tpu.sem_alloc : memref<!tpu.dma_semaphore, #tpu.memory_space<semaphore_mem>>
      %dma_start3A_231 = arith.constant 0 : i32
      %dma_start3A_232 = tpu.memref_slice %arg6[%arg0, %mul3A_230, %dma_start3A_231] : memref<2x10000x128xf32, #tpu.memory_space<hbm>> -> memref<1x625x128xf32, #tpu.memory_space<hbm>>
      %dma_start3A_233 = tpu.memref_squeeze %dma_start3A_232 : memref<1x625x128xf32, #tpu.memory_space<hbm>> -> memref<625x128xf32, #tpu.memory_space<hbm>>
      %dma_start3A_234 = arith.constant 0 : i32
      %dma_start3A_235 = tpu.memref_slice %arg11[%mul3A_230, %dma_start3A_234] : memref<10000x128xf32, #tpu.memory_space<vmem_shared>> -> memref<625x128xf32, #tpu.memory_space<vmem_shared>>
      tpu.enqueue_dma source(%dma_start3A_235 : memref<625x128xf32, #tpu.memory_space<vmem_shared>>) target(%dma_start3A_233 : memref<625x128xf32, #tpu.memory_space<hbm>>) target_semaphore(%run_scoped3A : memref<!tpu.dma_semaphore, #tpu.memory_space<semaphore_mem>>)
      %dma_wait3A_236 = arith.constant 0 : i32
      %dma_wait3A_237 = tpu.memref_slice %arg6[%arg0, %mul3A_230, %dma_wait3A_236] : memref<2x10000x128xf32, #tpu.memory_space<hbm>> -> memref<1x625x128xf32, #tpu.memory_space<hbm>>
      %dma_wait3A_238 = tpu.memref_squeeze %dma_wait3A_237 : memref<1x625x128xf32, #tpu.memory_space<hbm>> -> memref<625x128xf32, #tpu.memory_space<hbm>>
      %dma_wait3A_239 = arith.constant 0 : i32
      %dma_wait3A_240 = tpu.memref_slice %arg11[%mul3A_230, %dma_wait3A_239] : memref<10000x128xf32, #tpu.memory_space<vmem_shared>> -> memref<625x128xf32, #tpu.memory_space<vmem_shared>>
      tpu.wait_dma2 semaphore(%run_scoped3A : memref<!tpu.dma_semaphore, #tpu.memory_space<semaphore_mem>>) src(%dma_wait3A_240 : memref<625x128xf32, #tpu.memory_space<vmem_shared>>) dst(%dma_wait3A_238 : memref<625x128xf32, #tpu.memory_space<hbm>>)
      tpu.yield
    }) : () -> ()
    return
  }
}

module attributes {stable_mosaic.version = 14 : i64} {
  func.func @_add_body(%arg0: memref<2x10000x128xf32, #tpu.memory_space<vmem>>, %arg1: memref<10000x128xf32, #tpu.memory_space<vmem>>) attributes {dimension_semantics = [], scalar_prefetch = 0 : i64, scratch_operands = 0 : i64, tpu.core_type = #tpu.core_type<tc>} {
    %get3A = arith.constant 0 : index
    %get3A_0 = arith.constant 0 : index
    %get3A_1 = arith.constant 0 : index
    %get3A_2 = vector.load %arg0[%get3A, %get3A_0, %get3A_1] : memref<2x10000x128xf32, #tpu.memory_space<vmem>>, vector<1x10000x128xf32>
    %get3A_3 = vector.shape_cast %get3A_2 : vector<1x10000x128xf32> to vector<10000x128xf32>
    %get3A_4 = arith.constant 1 : index
    %get3A_5 = arith.constant 0 : index
    %get3A_6 = arith.constant 0 : index
    %get3A_7 = vector.load %arg0[%get3A_4, %get3A_5, %get3A_6] : memref<2x10000x128xf32, #tpu.memory_space<vmem>>, vector<1x10000x128xf32>
    %get3A_8 = vector.shape_cast %get3A_7 : vector<1x10000x128xf32> to vector<10000x128xf32>
    %add3A = arith.addf %get3A_3, %get3A_8 : vector<10000x128xf32>
    %swap3A = arith.constant 0 : index
    %swap3A_9 = arith.constant 0 : index
    %swap3A_10 = vector.load %arg1[%swap3A, %swap3A_9] : memref<10000x128xf32, #tpu.memory_space<vmem>>, vector<10000x128xf32>
    tpu.vector_store %arg1[%swap3A, %swap3A_9], %add3A {strides = array<i32>} : memref<10000x128xf32, #tpu.memory_space<vmem>>, vector<10000x128xf32>,
    return
  }
}

</mosaic_0001>

<sc_bundles>
// kernel: kernel.4.cloned.1.call-start
scs
__scs_entry_jumppad:
0x0: {  	(pc) =	sbr.rel $0x88, $3  }
0x1: {  	(tag) =	ssettag $0x0;
	lr =	simm.s32 $0x1  }
0x2: {  	[smem:$0x3F9E] =	sst lr;
	_ =	strace $0xD0000000  }
0x3: {  	_ = 	snop  }
0x4: {  	_ = 	snop  }
0x5: {  	_ = 	snop  }
0x6: {  	_ = 	snop  }
0x7: {  	_ = 	snop  }
__scs_overlays_trampoline_lowered:
0x8: {  	[smem:$0x3FAD] =	sst s0  }
0x9: {  	[smem:$0x3FAE] =	sst s1  }
0xa: {  	[smem:$0x3FAF] =	sst s2  }
0xb: {  	[smem:$0x3FB0] =	sst s3  }
0xc: {  	[smem:$0x3FB1] =	sst s4  }
0xd: {  	[smem:$0x3FB2] =	sst s5  }
0xe: {  	[smem:$0x3FB3] =	sst s6  }
0xf: {  	[smem:$0x3FB4] =	sst s7  }
0x10: {  	[smem:$0x3FB5] =	sst s8  }
0x11: {  	[smem:$0x3FB6] =	sst s9;
	s0 =	simm.s32 @!p0 $0x0  }
0x12: {  	s1 =	sld [smem:$0x3F9C];
	s0 =	simm.s32 @p0 $0x1  }
0x13: {  	[smem:$0x3FB7] =	sst s0;
	s0 =	simm.s32 @!p1 $0x0  }
0x14: {  	s2 =	sld [smem:$0x3F9B];
	s0 =	simm.s32 @p1 $0x1  }
0x15: {  	[smem:$0x3FB8] =	sst s0;
	s0 =	simm.s32 @!p2 $0x0  }
0x16: {  	s3 =	sld [smem:$0x3FDB];
	s0 =	simm.s32 @p2 $0x1  }
0x17: {  	s4 =	simm.s32 $0x1BF5;
	[smem:$0x3FBA] =	sst s0  }
0x18: {  	s0 =	sld [smem:$0x3F9D];
	_ =	swait.ge [sflag:s4], $0x0  }
0x19: {  	s7 =	sld [smem:$0x3F9E]  }
0x1a: {  	s8 =	sadd.s32 $0xFFFFE003, lr  }
0x1b: {  	s9 =	sadd.s32 $0xFFFFFEF7, lr;
	s5 =	simm.s32 $0xFFFFFFFF;
	p2 =	slt.u32 s8, $0xFFFFF086  }
0x1c: {  	p1 =	slt.u32 s9, $0xF7A;
	s5 =	simm.s32 @!p2 $0x0  }
0x1d: {  	s5 =	simm.s32 @p1 $0x1;
	p0 =	seq.s32 s7, s2  }
0x1e: {  	s7 =	smul.u32 @!p0 $0xF7A, s2;
	p2 =	seq.s32 @!p0 s5, $0x0  }
0x1f: {  	s9 =	smul.u32 $0xF7A, s1;
	s8 =	simm.s32 @!p0 $0x1BF5;
	p2 =	por !p2, p0  }
0x20: {  	[sflag:s8] =	ssyncset.s32 @!p0 $0xFFFFF086;
	s6 =	sadd.s32 @!p0 s3, s7;
	s7 =	simm.s32 @!p0 $0x108  }
0x21: {  	s3 =	sadd.s32 s3, s9;
	s6 =	sadd.s32 @!p0 $0x88, s6;
	s7 =	simm.s32 @p2 $0x1082  }
0x22: {  	[simem:s7], [sflag:s8] =	dma.local @!p0 [hbm:s6], $0xF7A  }
0x23: {  	s9 =	sor.u32 $0xD0000000, s2;
	s6 =	simm.s32 $0x108;
	_ =	swait.ge @!p0 [sflag:s8], $0x0  }
0x24: {  	s3 =	sadd.s32 $0x88, s3;
	s6 =	simm.s32 @!p1 $0x1082;
	[sflag:s4] =	ssyncset.s32 $0xFFFFF086  }
0x25: {  	[simem:s6], [sflag:s4] =	dma.local [hbm:s3], $0xF7A  }
0x26: {  	[smem:$0x3F9E] =	sst s1;
	(tag) =	ssettag s2;
	_ =	strace s9  }
0x27: {  	s1 =	sld [smem:$0x3FAE]  }
0x28: {  	s2 =	sld [smem:$0x3FAF]  }
0x29: {  	s4 =	sld [smem:$0x3FB1]  }
0x2a: {  	p0 =	seq.s32 s5, $0x0;
	s5 =	sld [smem:$0x3FB2]  }
0x2b: {  	s6 =	sld [smem:$0x3FB3]  }
0x2c: {  	s7 =	sld [smem:$0x3FB4]  }
0x2d: {  	s3 =	simm.s32 $0x108;
	s8 =	sld [smem:$0x3FB5]  }
0x2e: {  	s3 =	simm.s32 @!p0 $0x1082;
	s9 =	sld [smem:$0x3FB6]  }
0x2f: {  	lr =	sadd.s32 s0, s3;
	s0 =	sld [smem:$0x3FAD]  }
0x30: {  	s3 =	sld [smem:$0x3FB0]  }
0x31: {  	[smem:$0x3FB9] =	sst s10  }
0x32: {  	s10 =	sld [smem:$0x3FB7];
	_ =	sdelay $0x3  }
0x33: {  	p0 =	seq.s32 s10, $0x1;
	s10 =	sld [smem:$0x3FB9];
	_ =	sdelay $0x3  }
0x34: {  	[smem:$0x3FB9] =	sst s10  }
0x35: {  	s10 =	sld [smem:$0x3FB8];
	_ =	sdelay $0x3  }
0x36: {  	p1 =	seq.s32 s10, $0x1;
	s10 =	sld [smem:$0x3FB9];
	_ =	sdelay $0x3  }
0x37: {  	[smem:$0x3FB9] =	sst s10  }
0x38: {  	s10 =	sld [smem:$0x3FBA]  }
0x39: {  	_ = 	snop;
	(pc) =	sbr.ind lr, $3  }
0x3a: {  	_ = 	snop  }
0x3b: {  	_ = 	snop  }
0x3c: {  	p2 =	seq.s32 s10, $0x1;
	s10 =	sld [smem:$0x3FB9]  }
0x3d: {  	_ =	shalt  }
0x3e: {  	_ =	shalt  }
0x3f: {  	_ =	shalt  }
0x40: {  	_ =	shalt  }
0x41: {  	_ =	shalt  }
0x42: {  	_ =	shalt  }
0x43: {  	_ =	shalt  }
0x44: {  	_ =	shalt  }
0x45: {  	_ =	shalt  }
0x46: {  	_ =	shalt  }
0x47: {  	_ =	shalt  }
0x48: {  	_ =	shalt  }
0x49: {  	_ =	shalt  }
0x4a: {  	_ =	shalt  }
0x4b: {  	_ =	shalt  }
0x4c: {  	_ =	shalt  }
0x4d: {  	_ =	shalt  }
0x4e: {  	_ =	shalt  }
0x4f: {  	_ =	shalt  }
0x50: {  	_ =	shalt  }
0x51: {  	_ =	shalt  }
0x52: {  	_ =	shalt  }
0x53: {  	_ =	shalt  }
0x54: {  	_ =	shalt  }
0x55: {  	_ =	shalt  }
0x56: {  	_ =	shalt  }
0x57: {  	_ =	shalt  }
0x58: {  	_ =	shalt  }
0x59: {  	_ =	shalt  }
0x5a: {  	_ =	shalt  }
0x5b: {  	_ =	shalt  }
0x5c: {  	_ =	shalt  }
0x5d: {  	_ =	shalt  }
0x5e: {  	_ =	shalt  }
0x5f: {  	_ =	shalt  }
0x60: {  	_ =	shalt  }
0x61: {  	_ =	shalt  }
0x62: {  	_ =	shalt  }
0x63: {  	_ =	shalt  }
0x64: {  	_ =	shalt  }
0x65: {  	_ =	shalt  }
0x66: {  	_ =	shalt  }
0x67: {  	_ =	shalt  }
0x68: {  	_ =	shalt  }
0x69: {  	_ =	shalt  }
0x6a: {  	_ =	shalt  }
0x6b: {  	_ =	shalt  }
0x6c: {  	_ =	shalt  }
0x6d: {  	_ =	shalt  }
0x6e: {  	_ =	shalt  }
0x6f: {  	_ =	shalt  }
0x70: {  	_ =	shalt  }
0x71: {  	_ =	shalt  }
0x72: {  	_ =	shalt  }
0x73: {  	_ =	shalt  }
0x74: {  	_ =	shalt  }
0x75: {  	_ =	shalt  }
0x76: {  	_ =	shalt  }
0x77: {  	_ =	shalt  }
0x78: {  	_ =	shalt  }
0x79: {  	_ =	shalt  }
0x7a: {  	_ =	shalt  }
0x7b: {  	_ =	shalt  }
0x7c: {  	_ =	shalt  }
0x7d: {  	_ =	shalt  }
0x7e: {  	_ =	shalt  }
0x7f: {  	_ =	shalt  }
0x80: {  	_ =	shalt  }
0x81: {  	_ =	shalt  }
0x82: {  	_ =	shalt  }
0x83: {  	_ =	shalt  }
0x84: {  	_ =	shalt  }
0x85: {  	_ =	shalt  }
0x86: {  	_ =	shalt  }
0x87: {  	_ =	shalt  }
.Lfunc_end0:
.L_simem_size_0:
called_computation_lowered:
.L_overlay_start_0:
0x88: {  	s2 =	sld [smem:$0x3FD9]  }
0x89: {  	s3 =	sld [smem:$0x3FFE];
	_ =	sdelay $0x1  }
0x8a: {  	s1 =	srdreg.scid  }
0x8b: {  	s0 =	sand.u32 $0x1, s1  }
0x8c: {  	s17 =	sshll.u32 s0, $0xA;
	s2 =	sadd.s32 s3, s2  }
0x8d: {  	s2 =	sadd.s32 s2, s17  }
0x8e: {  	[smem:$0x3FC5] =	sst s2  }
0x8f: {  	_ = 	snop  }
0x90: {  	s2 =	sld [smem:$0x3FC9]  }
0x91: {  	s18 =	sld [smem:$0x3FC7]  }
0x92: {  	s4 =	sld [smem:$0x3FD0];
	(tm) =	ssettm $0x1  }
0x93: {  	s5 =	sld [smem:$0x3FFB];
	_ =	sdelay $0x3  }
0x94: {  	_ =	strace s5  }
0x95: {  	s5 =	sld [smem:$0x3FFC];
	_ =	sdelay $0x3  }
0x96: {  	_ =	strace s5  }
0x97: {  	s5 =	sld [smem:$0x3FFD];
	_ =	sdelay $0x3  }
0x98: {  	_ =	strace s5  }
0x99: {  	_ =	strace $0x8FFFFFFF  }
0x9a: {  	s19 =	sld [smem:$0x3FDB];
	_ =	sdelay $0x1  }
0x9b: {  	s6 =	simm.s32 $_scs_section_size  }
0x9c: {  	s7 =	simm.s32 $_size__tile_overlayer_lowered;
	s8 =	simm.s32 $_tile_overlayer_lowered  }
0x9d: {  	s22 =	simm.s32 $0x1BFF;
	s21 =	sshll.u32 s8, $0x1;
	s5 =	sadd.s32 s6, s19  }
0x9e: {  	s9 =	simm.s32 $0x0;
	s20 =	sshll.u32 s7, $0x1;
	s7 =	sadd.s32 s21, s5  }
0x9f: {  	[timem:s9], [sflag:s22] =	dma.local [hbm:s7], s20  }
0xa0: {  	_ =	swait.ge [sflag:s22], s20  }
0xa1: {  	s6 =	ssub.s32 $0x0, s20;
	[sflag:s22] =	ssyncset.done $0x0  }
0xa2: {  	[sflag:s22] =	ssyncadd.s32 s6;
	_ =	sdelay $0x1  }
0xa3: {  	s23 =	simm.s32 $0x1B8B  }
0xa4: {  	_ =	swait.ge [sflag:s23], $0x1  }
0xa5: {  	[sflag:s23] =	ssyncset.done $0x0  }
0xa6: {  	s25 =	simm.s32 $0x1B8E;
	s24 =	sld [smem:$0x3FFE];
	[sflag:s23] =	ssyncadd.s32 $0xFFFFFFFF  }
0xa7: {  	s26 =	simm.s32 $execute0_lowered;
	[smem:$0x3FD2] =	sst s25  }
0xa8: {  	s7 =	sshll.u32 s26, $0x1;
	_ =	strace $0x80000046;
	[dreg:$0x1] =	wrdreg $0xFFFFFFFF  }
0xa9: {  	s28 =	simm.s32 $_size_execute0_lowered;
	s5 =	sadd.s32 s5, s7;
	[dreg:$0x0] =	wrdreg $0x0  }
0xaa: {  	s7 =	sshll.u32 s28, $0x1;
	[dreg:$0x2] =	wrdreg s5  }
0xab: {  	[dreg:$0x3] =	wrdreg s7  }
0xac: {  	[dreg:$0x4] =	wrdreg $0xC0  }
0xad: {  	_ =	task [dreg:s9], $0x5FFFF  }
0xae: {  	[dreg:$0x1] =	wrdreg $0xFFFFFFFF  }
0xaf: {  	[dreg:$0x0] =	wrdreg $0x60  }
0xb0: {  	[dreg:$0x2] =	wrdreg s2  }
0xb1: {  	[dreg:$0x3] =	wrdreg s24  }
0xb2: {  	[dreg:$0x4] =	wrdreg s4  }
0xb3: {  	[dreg:$0x5] =	wrdreg s18  }
0xb4: {  	[dreg:$0x6] =	wrdreg $0xC7100  }
0xb5: {  	[dreg:$0x7] =	wrdreg $0x9  }
0xb6: {  	_ =	task.clear_ibuf [dreg:s9], $0x8FFFF;
	_ =	strace $0x90000046  }
0xb7: {  	s29 =	simm.s32 $0x9;
	_ =	strace $0x80000048  }
0xb8: {  	_ =	swait.ge [sflag:s29], $0x1  }
0xb9: {  	[sflag:s29] =	ssyncadd.s32 $0xFFFFFFFF  }
0xba: {  	_ =	strace $0x90000048  }
0xbb: {  	_ =	sfence  }
0xbc: {  	s30 =	sld [smem:$0x0];
	_ =	sdelay $0x2  }
0xbd: {  	s31 =	sshll.u32 s1, $0xD;
	s1 =	sshrl.u32 s1, $0x2  }
0xbe: {  	s3 =	sand.u32 $0x4000, s31;
	s1 =	sadd.s32 s1, s30  }
0xbf: {  	s0 =	sor.u32 s3, s0;
	s1 =	sshll.u32 s1, $0x11  }
0xc0: {  	s0 =	sor.u32 s1, s0  }
0xc1: {  	s0 =	sadd.s32 $0x8F2B, s0  }
0xc2: {  	[sflag:s0] =	ssyncadd.remote.s32 $0x1  }
0xc3: {  	_ =	sfence.sel $0xFFFF  }
0xc4: {  	[dreg:$0x0] =	wrdreg $0xFFFFFFFF;
	(pc) =	sbr.abs _section_cstart, $3  }
0xc5: {  	[dreg:$0x1] =	wrdreg $0xFFFFFFFF  }
0xc6: {  	_ =	task.clear_ibuf [dreg:s9], $0x2FFFF;
	_ =	strace $0x9FFFFFFF  }
0xc7: {  	(tm) =	ssettm $0x7FFFFFFF  }
tec
execute0_lowered:
.L_overlay_start_1:
0x0: {  	(tag) =	ssettag $0x1  }
0x1: {  	s1 =	rddreg [dreg:$0x0]  }
0x2: {  	s2 =	rddreg [dreg:$0x1]  }
0x3: {  	s8 =	rddreg [dreg:$0x2]  }
0x4: {  	s4 =	srdreg.scid;
	s0 =	stileid.u32  }
0x5: {  	s3 =	rddreg [dreg:$0x3];
	s5 =	simm.s32 $0x0;
	s18 =	simm.s32 $0x2  }
0x6: {  	s20 =	simm.s32 $0x50;
	s21 =	simm.s32 $0x4F10;
	s22 =	simm.s32 $0x7710  }
0x7: {  	s23 =	simm.s32 $0x3;
	s24 =	simm.s32 $0x1;
	s10 =	smul.u32 $0x13880, s0  }
0x8: {  	s7 =	sand.u32 $0x1, s4;
	s4 =	rddreg [dreg:$0x4];
	s28 =	smul.u32 $0x4E200, s0  }
0x9: {  	s25 =	simm.s32 $0x4;
	[smem:$0x7FF] =	sst s5;
	s6 =	smul.u32 $0x138800, s7  }
0xa: {  	s9 =	sshll.u32 s7, $0x4;
	s7 =	ssub.s32 $0x2, s7;
	_ =	strace $0x80000047  }
0xb: {  	s9 =	sor.u32 s0, s9;
	s29 =	sshrl.u32 s7, $0x1;
	s11 =	sadd.s32 s10, s6  }
0xc: {  	s6 =	smul.u32 $0x2710, s9;
	s16 =	ssub.s32 s7, s29;
	s10 =	sadd.s32 s10, s4  }
0xd: {  	s26 =	sshrl.u32 s11, $0x3;
	s11 =	sshrl.u32 s28, $0x2;
	s16 =	smax.u32 s16, $0x1  }
0xe: {  	s15 =	sadd.s32 s26, s2;
	s30 =	sshrl.u32 s6, $0x3;
	s31 =	sadd.s32 s11, s4  }
0xf: {  	s26 =	simm.s32 $0x0;
	s7 =	sadd.s32 s2, s30;
	s8 =	sadd.s32 s8, s30  }
0x10: {  	s9 =	sadd.s32 s3, s30;
	s11 =	sadd.s32 $0x3E80, s31;
	s12 =	sadd.s32 $0x7D00, s31  }
0x11: {  	v0 =	vimm.f32 $0.0e+00;
	s13 =	sadd.s32 $0xBB80, s31;
	s14 =	sadd.s32 $0xFA00, s31;
	s15 =	sadd.s32 $0x9E00, s15  }
.LBB2_1:
0x12: {  	[tilespmem:s5], [sflag:$0x2] =	stream.linear.gather [hbm4b:s7+s5], $0x2710, $0x38;
	[tilespmem:$0x1FF90] =	vst v63  }
0x13: {  	s2 =	simm.s32 $0x2710  }
0x14: {  	[tilespmem:s2], [sflag:$0x2] =	stream.linear.gather [hbm4b:s8+s5], $0x2710, $0x38;
	[tilespmem:$0x1FF90] =	vst v63  }
0x15: {  	s17 =	simm.s32 $0x200;
	s2 =	simm.s32 $0x0  }
.LBB2_2:
0x16: {  	p0 =	sne.s32 s17, $0xF800;
	[tilespmem:s2+$0x7780] =	vst v0  }
0x17: {  	[tilespmem:s2+$0x7710] =	vst v0  }
0x18: {  	[tilespmem:s2+$0x7720] =	vst v0  }
.Ltmp0:
0x19: {  	[tilespmem:s2+$0x7730] =	vst v0;
	(pc) =	sbr.rel @p0 .LBB2_2-.Ltmp0, $4  }
0x1a: {  	[tilespmem:s2+$0x7740] =	vst v0  }
0x1b: {  	[tilespmem:s2+$0x7750] =	vst v0  }
0x1c: {  	[tilespmem:s2+$0x7760] =	vst v0  }
0x1d: {  	[tilespmem:s2+$0x7770] =	vst v0;
	s2 =	sshra.s32 s17, $0x2;
	s17 =	sadd.s32 $0x200, s17  }
0x1e: {  	[tilespmem:s2+$0x7780] =	vst v0  }
0x1f: {  	[tilespmem:s2+$0x7710] =	vst v0  }
0x20: {  	[tilespmem:s2+$0x7720] =	vst v0  }
0x21: {  	[tilespmem:s2+$0x7730] =	vst v0  }
0x22: {  	[tilespmem:s2+$0x7740] =	vst v0  }
0x23: {  	[tilespmem:s2+$0x7750] =	vst v0  }
0x24: {  	[tilespmem:s2+$0x7760] =	vst v0  }
0x25: {  	[tilespmem:s2+$0x7770] =	vst v0  }
0x26: {  	_ =	swait.ge [sflag:s18], $0x2710  }
0x27: {  	[sflag:s18] =	ssyncset.done $0x0  }
0x28: {  	[sflag:s18] =	ssyncadd.s32 $0xFFFFD8F0  }
0x29: {  	_ =	swait.ge [sflag:s18], $0x2710  }
0x2a: {  	[sflag:s18] =	ssyncset.done $0x0  }
0x2b: {  	s28 =	simm.s32 $0x0;
	s31 =	simm.s32 $0x4E20;
	[sflag:s18] =	ssyncadd.s32 $0xFFFFD8F0  }
0x2c: {  	[tilespmem:s31], [sflag:$0x2] =	stream.linear.gather [hbm4b:s9+s28], $0x50, $0x38;
	[tilespmem:$0x1FF90] =	vst v63  }
0x2d: {  	_ = 	snop  }
0x2e: {  	[tilespmem:s21], [sflag:$0x1] =	stream.indirect.gather [hbm4b:s1+s20], $0x80, s28, s20, $0xb8;
	[tilespmem:$0x1FF90] =	vst v63  }
0x2f: {  	_ = 	snop  }
0x30: {  	[spmem:s10] =	stream.linear.scatter [tilespmem:s22], [sflag:$0x3], $0x3E80, $0x38;
	[tilespmem:$0x1FF90] =	vst v63  }
0x31: {  	_ = 	snop  }
0x32: {  	[spmem:s11] =	stream.linear.scatter [tilespmem:s22], [sflag:$0x3], $0x3E80, $0x38;
	[tilespmem:$0x1FF90] =	vst v63  }
0x33: {  	_ = 	snop  }
0x34: {  	[spmem:s12] =	stream.linear.scatter [tilespmem:s22], [sflag:$0x3], $0x3E80, $0x38;
	[tilespmem:$0x1FF90] =	vst v63  }
0x35: {  	_ = 	snop  }
0x36: {  	[spmem:s13] =	stream.linear.scatter [tilespmem:s22], [sflag:$0x3], $0x3E80, $0x38;
	[tilespmem:$0x1FF90] =	vst v63  }
0x37: {  	_ = 	snop  }
0x38: {  	[spmem:s14] =	stream.linear.scatter [tilespmem:s22], [sflag:$0x3], $0x3E80, $0x38;
	[tilespmem:$0x1FF90] =	vst v63  }
0x39: {  	_ =	swait.ge [sflag:s23], $0x3E80  }
0x3a: {  	[sflag:s23] =	ssyncset.done $0x0  }
0x3b: {  	[sflag:s23] =	ssyncadd.s32 $0xFFFFC180  }
0x3c: {  	_ =	swait.ge [sflag:s23], $0x3E80  }
0x3d: {  	[sflag:s23] =	ssyncset.done $0x0  }
0x3e: {  	[sflag:s23] =	ssyncadd.s32 $0xFFFFC180  }
0x3f: {  	_ =	swait.ge [sflag:s23], $0x3E80  }
0x40: {  	[sflag:s23] =	ssyncset.done $0x0  }
0x41: {  	[sflag:s23] =	ssyncadd.s32 $0xFFFFC180  }
0x42: {  	_ =	swait.ge [sflag:s23], $0x3E80  }
0x43: {  	[sflag:s23] =	ssyncset.done $0x0  }
0x44: {  	[sflag:s23] =	ssyncadd.s32 $0xFFFFC180  }
0x45: {  	_ =	swait.ge [sflag:s23], $0x3E80  }
0x46: {  	[sflag:s23] =	ssyncset.done $0x0  }
0x47: {  	[sflag:s23] =	ssyncadd.s32 $0xFFFFC180  }
0x48: {  	[bflag:$0x0] =	sbarrier.arrive $0xFFFF  }
.LBB2_4:
0x49: {  	p0 =	slt.u32 s28, $0x2  }
0x4a: {  	s17 =	simm.s32 @!p0 $0x3  }
0x4b: {  	s2 =	smul.u32 $0xAB, s28;
	p1 =	seq.s32 @!p0 s28, $0x7C;
	_ =	swait.ge @!p0 [sflag:s17], $0x2800  }
0x4c: {  	p1 =	por p0, !p1;
	[sflag:s17] =	ssyncset.done @!p0 $0x0  }
0x4d: {  	[sflag:s17] =	ssyncadd.s32 @!p0 $0xFFFFD800;
	s17 =	sadd.s32 @p1 $0xAB, s2  }
0x4e: {  	s17 =	sshrl.u32 @p1 s17, $0x9  }
0x4f: {  	s17 =	sand.u32 @p1 $0x7F, s17  }
0x50: {  	s17 =	smul.u32 @p1 $0x3, s17  }
0x51: {  	s29 =	sadd.s32 $0x1, s28  }
0x52: {  	s17 =	ssub.s32 @p1 s29, s17  }
0x53: {  	s30 =	smul.u32 @p1 $0x50, s29;
	s17 =	sand.u32 @p1 $0xFF, s17  }
0x54: {  	s2 =	sshrl.u32 s2, $0x9;
	s31 =	smul.u32 @p1 $0x140, s17  }
0x55: {  	s19 =	sadd.s32 @p1 s6, s30;
	s2 =	sand.u32 $0x7F, s2;
	s17 =	smul.u32 @p1 $0xA000, s17  }
0x56: {  	s19 =	sshrl.u32 @p1 s19, $0x3;
	s2 =	smul.u32 $0x3, s2;
	s31 =	sshrl.u32 @p1 s31, $0x2  }
0x57: {  	s19 =	sadd.s32 @p1 s3, s19;
	s17 =	sshrl.u32 @p1 s17, $0x2;
	s31 =	sadd.s32 @p1 $0x4E20, s31  }
0x58: {  	[tilespmem:s31], [sflag:$0x2] =	stream.linear.gather @p1 [hbm4b:s19+s5], $0x50, $0x38;
	[tilespmem:$0x1FF90] =	vst v63  }
0x59: {  	s2 =	ssub.s32 s28, s2;
	s17 =	sadd.s32 @p1 $0x4F10, s17  }
0x5a: {  	[tilespmem:s17], [sflag:$0x1] =	stream.indirect.gather @p1 [hbm4b:s1+s20], $0x80, s30, s20, $0xb8;
	[tilespmem:$0x1FF90] =	vst v63  }
0x5b: {  	s30 =	sand.u32 $0xFF, s2  }
0x5c: {  	s31 =	smul.u32 $0x50, s30;
	_ =	sdelay $0x1  }
0x5d: {  	_ =	swait.ge [sflag:s18], $0x50;
	s19 =	sadd.s32 $0x4E20, s31  }
0x5e: {  	[sflag:s18] =	ssyncset.done $0x0;
	v1 =	vmov s19  }
0x5f: {  	[sflag:s18] =	ssyncadd.s32 $0xFFFFFFB0  }
0x60: {  	_ =	swait.ge [sflag:s24], $0x2800  }
0x61: {  	s17 =	sadd.s32 $0x0, s31;
	[sflag:s24] =	ssyncset.done $0x0  }
0x62: {  	s19 =	simm.s32 $0x0;
	s2 =	sshll.u32 s17, $0x7;
	[sflag:s24] =	ssyncadd.s32 $0xFFFFD800  }
0x63: {  	s2 =	sand.u32 $0x3FFFFF80, s2;
	v2 =	vld.idx.msk [tilespmem:v1+s19+$0x0 ss:$0x1], $0xffff  }
0x64: {  	v3 =	vld [tilespmem:s2+$0x4F10]  }
0x65: {  	v4 =	vld [tilespmem:s2+$0x4F20]  }
0x66: {  	v5 =	vld [tilespmem:s2+$0x4F30]  }
0x67: {  	v6 =	vld [tilespmem:s2+$0x4F40]  }
0x68: {  	v8 =	vld [tilespmem:s2+$0x4F50];
	v7 =	vbroadcast v2, $0x0  }
0x69: {  	v9 =	vld [tilespmem:s2+$0x4F60]  }
0x6a: {  	v10 =	vld [tilespmem:s2+$0x4F70];
	v4 =	vmul.f32 v4, v7  }
0x6b: {  	v11 =	vld [tilespmem:s2+$0x4F80];
	v5 =	vmul.f32 v5, v7  }
0x6c: {  	v43 =	vld [tilespmem:s2+$0x4F90];
	v3 =	vmul.f32 v7, v3;
	[tilespmem:s2+$0x4F20] =	vst v4  }
0x6d: {  	v52 =	vld [tilespmem:s2+$0x5030];
	v8 =	vmul.f32 v8, v7;
	[tilespmem:s2+$0x4F30] =	vst v5  }
0x6e: {  	v53 =	vld [tilespmem:s2+$0x5040];
	v9 =	vmul.f32 v9, v7;
	[tilespmem:s2+$0x4F10] =	vst v3  }
0x6f: {  	v54 =	vld [tilespmem:s2+$0x5050];
	v10 =	vmul.f32 v10, v7;
	[tilespmem:s2+$0x4F50] =	vst v8  }
0x70: {  	v12 =	vld [tilespmem:s2+$0x5060];
	v55 =	vbroadcast v2, $0x2;
	v11 =	vmul.f32 v11, v7;
	[tilespmem:s2+$0x4F60] =	vst v9  }
0x71: {  	v63 =	vld [tilespmem:s2+$0x50C0];
	v6 =	vmul.f32 v6, v7;
	[tilespmem:s2+$0x4F70] =	vst v10  }
0x72: {  	v18 =	vld [tilespmem:s2+$0x50E0];
	v57 =	vmul.f32 v52, v55;
	[tilespmem:s2+$0x4F80] =	vst v11  }
0x73: {  	v19 =	vld [tilespmem:s2+$0x50F0];
	v58 =	vmul.f32 v53, v55;
	[tilespmem:s2+$0x4F40] =	vst v6  }
0x74: {  	v20 =	vld [tilespmem:s2+$0x5100];
	v17 =	vbroadcast v2, $0x3;
	v60 =	vmul.f32 v54, v55;
	[tilespmem:s2+$0x5030] =	vst v57  }
0x75: {  	v23 =	vld [tilespmem:s2+$0x5130];
	v62 =	vmul.f32 v12, v55;
	[tilespmem:s2+$0x5040] =	vst v58  }
0x76: {  	v27 =	vld [tilespmem:s2+$0x5150];
	v22 =	vmul.f32 v63, v17;
	[tilespmem:s2+$0x5050] =	vst v60  }
0x77: {  	v30 =	vld [tilespmem:s2+$0x5160];
	v24 =	vmul.f32 v18, v17;
	[tilespmem:s2+$0x5060] =	vst v62  }
0x78: {  	v38 =	vld [tilespmem:s2+$0x51C0];
	v29 =	vbroadcast v2, $0x4;
	v26 =	vmul.f32 v19, v17;
	[tilespmem:s2+$0x50C0] =	vst v22  }
0x79: {  	v44 =	vld [tilespmem:s2+$0x4FA0];
	v28 =	vmul.f32 v20, v17;
	[tilespmem:s2+$0x50E0] =	vst v24  }
0x7a: {  	v45 =	vld [tilespmem:s2+$0x4FC0];
	v33 =	vmul.f32 v23, v29;
	[tilespmem:s2+$0x50F0] =	vst v26  }
0x7b: {  	v46 =	vld [tilespmem:s2+$0x4FD0];
	v41 =	vbroadcast v2, $0x5;
	v35 =	vmul.f32 v27, v29;
	[tilespmem:s2+$0x5100] =	vst v28  }
0x7c: {  	v47 =	vld [tilespmem:s2+$0x4FE0];
	v48 =	vbroadcast v2, $0x1;
	v37 =	vmul.f32 v30, v29;
	[tilespmem:s2+$0x5130] =	vst v33  }
0x7d: {  	v49 =	vld [tilespmem:s2+$0x4FF0];
	v7 =	vmul.f32 v38, v41;
	[tilespmem:s2+$0x5150] =	vst v35  }
0x7e: {  	v50 =	vld [tilespmem:s2+$0x5000];
	v5 =	vmul.f32 v44, v48;
	[tilespmem:s2+$0x5160] =	vst v37  }
0x7f: {  	v51 =	vld [tilespmem:s2+$0x5010];
	v8 =	vmul.f32 v45, v48;
	[tilespmem:s2+$0x51C0] =	vst v7  }
0x80: {  	v42 =	vld [tilespmem:s2+$0x51F0];
	v9 =	vmul.f32 v46, v48;
	[tilespmem:s2+$0x4FA0] =	vst v5  }
0x81: {  	v56 =	vld [tilespmem:s2+$0x5070];
	v10 =	vmul.f32 v47, v48;
	[tilespmem:s2+$0x4FC0] =	vst v8  }
0x82: {  	v13 =	vld [tilespmem:s2+$0x5080];
	v11 =	vmul.f32 v49, v48;
	[tilespmem:s2+$0x4FD0] =	vst v9  }
0x83: {  	v59 =	vld [tilespmem:s2+$0x50A0];
	v6 =	vmul.f32 v50, v48;
	[tilespmem:s2+$0x4FE0] =	vst v10  }
0x84: {  	v25 =	vld [tilespmem:s2+$0x5140];
	v4 =	vmul.f32 v43, v48;
	[tilespmem:s2+$0x4FF0] =	vst v11  }
0x85: {  	v32 =	vld [tilespmem:s2+$0x5180];
	v49 =	vmul.f32 v42, v41;
	[tilespmem:s2+$0x5000] =	vst v6  }
0x86: {  	v39 =	vld [tilespmem:s2+$0x51D0];
	v5 =	vmul.f32 v51, v55;
	[tilespmem:s2+$0x4F90] =	vst v4  }
0x87: {  	v52 =	vld [tilespmem:s2+$0x5280];
	v6 =	vmul.f32 v56, v55;
	[tilespmem:s2+$0x51F0] =	vst v49  }
0x88: {  	v61 =	vld [tilespmem:s2+$0x50B0];
	v11 =	vmul.f32 v13, v55;
	[tilespmem:s2+$0x5010] =	vst v5  }
0x89: {  	v31 =	vld [tilespmem:s2+$0x5170];
	v4 =	vmul.f32 v25, v29;
	[tilespmem:s2+$0x5070] =	vst v6  }
0x8a: {  	v16 =	vld [tilespmem:s2+$0x50D0];
	v50 =	vbroadcast v2, $0x6;
	v9 =	vmul.f32 v32, v29;
	[tilespmem:s2+$0x5080] =	vst v11  }
0x8b: {  	v36 =	vld [tilespmem:s2+$0x51B0];
	v8 =	vmul.f32 v39, v41;
	[tilespmem:s2+$0x5140] =	vst v4  }
0x8c: {  	v3 =	vld [tilespmem:s2+$0x4FB0];
	v58 =	vmul.f32 v52, v50;
	[tilespmem:s2+$0x5180] =	vst v9  }
0x8d: {  	v45 =	vld [tilespmem:s2+$0x5230];
	v5 =	vmul.f32 v59, v17;
	[tilespmem:s2+$0x51D0] =	vst v8  }
0x8e: {  	v28 =	vld [tilespmem:s2+$0x53B0];
	v11 =	vmul.f32 v31, v29;
	[tilespmem:s2+$0x5280] =	vst v58  }
0x8f: {  	v21 =	vld [tilespmem:s2+$0x5110];
	v6 =	vmul.f32 v16, v17;
	[tilespmem:s2+$0x50A0] =	vst v5  }
0x90: {  	v40 =	vld [tilespmem:s2+$0x51E0];
	v4 =	vmul.f32 v36, v41;
	[tilespmem:s2+$0x5170] =	vst v11  }
0x91: {  	v43 =	vld [tilespmem:s2+$0x5200];
	v32 =	vbroadcast v2, $0x9;
	v3 =	vmul.f32 v3, v48;
	[tilespmem:s2+$0x50D0] =	vst v6  }
0x92: {  	v34 =	vld [tilespmem:s2+$0x51A0];
	v7 =	vmul.f32 v45, v50;
	[tilespmem:s2+$0x51B0] =	vst v4  }
0x93: {  	v51 =	vld [tilespmem:s2+$0x5270];
	v36 =	vmul.f32 v28, v32;
	[tilespmem:s2+$0x4FB0] =	vst v3  }
0x94: {  	v53 =	vld [tilespmem:s2+$0x5290];
	v5 =	vmul.f32 v21, v29;
	[tilespmem:s2+$0x5230] =	vst v7  }
0x95: {  	v56 =	vld [tilespmem:s2+$0x52B0];
	v11 =	vmul.f32 v40, v41;
	[tilespmem:s2+$0x53B0] =	vst v36  }
0x96: {  	v57 =	vld [tilespmem:s2+$0x52D0];
	v6 =	vmul.f32 v43, v41;
	[tilespmem:s2+$0x5110] =	vst v5  }
0x97: {  	v62 =	vld [tilespmem:s2+$0x5300];
	v4 =	vbroadcast v2, $0x7;
	v5 =	vmul.f32 v34, v41;
	[tilespmem:s2+$0x51E0] =	vst v11  }
0x98: {  	v63 =	vld [tilespmem:s2+$0x5310];
	[tilespmem:s2+$0x5200] =	vst v6;
	v6 =	vmul.f32 v51, v50  }
0x99: {  	v23 =	vld [tilespmem:s2+$0x5370];
	v60 =	vmul.f32 v53, v4;
	[tilespmem:s2+$0x51A0] =	vst v5  }
0x9a: {  	v31 =	vld [tilespmem:s2+$0x53D0];
	v15 =	vmul.f32 v56, v4;
	[tilespmem:s2+$0x5270] =	vst v6  }
0x9b: {  	v44 =	vld [tilespmem:s2+$0x5210];
	v21 =	vbroadcast v2, $0x8;
	v7 =	vmul.f32 v57, v4;
	[tilespmem:s2+$0x5290] =	vst v60  }
0x9c: {  	v48 =	vld [tilespmem:s2+$0x5260];
	v20 =	vmul.f32 v62, v4;
	[tilespmem:s2+$0x52B0] =	vst v15  }
0x9d: {  	v59 =	vld [tilespmem:s2+$0x52E0];
	v8 =	vmul.f32 v63, v21;
	[tilespmem:s2+$0x52D0] =	vst v7  }
0x9e: {  	v18 =	vld [tilespmem:s2+$0x5340];
	v11 =	vmul.f32 v23, v21;
	[tilespmem:s2+$0x5300] =	vst v20  }
0x9f: {  	v27 =	vld [tilespmem:s2+$0x53A0];
	v39 =	vmul.f32 v31, v32;
	[tilespmem:s2+$0x5310] =	vst v8  }
0xa0: {  	v35 =	vld [tilespmem:s2+$0x5400];
	v5 =	vmul.f32 v44, v50;
	[tilespmem:s2+$0x5370] =	vst v11  }
0xa1: {  	v52 =	vld [tilespmem:s2+$0x54B0];
	v9 =	vmul.f32 v48, v50;
	[tilespmem:s2+$0x53D0] =	vst v39  }
0xa2: {  	v3 =	vld [tilespmem:s2+$0x5020];
	v6 =	vmul.f32 v59, v4;
	[tilespmem:s2+$0x5210] =	vst v5  }
0xa3: {  	v47 =	vld [tilespmem:s2+$0x5250];
	v7 =	vmul.f32 v18, v21;
	[tilespmem:s2+$0x5260] =	vst v9  }
0xa4: {  	v54 =	vld [tilespmem:s2+$0x52A0];
	v56 =	vbroadcast v2, $0xB;
	v8 =	vmul.f32 v27, v32;
	[tilespmem:s2+$0x52E0] =	vst v6  }
0xa5: {  	v19 =	vld [tilespmem:s2+$0x5350];
	v11 =	vmul.f32 v35, v32;
	[tilespmem:s2+$0x5340] =	vst v7  }
0xa6: {  	v37 =	vld [tilespmem:s2+$0x5410];
	v60 =	vmul.f32 v52, v56;
	[tilespmem:s2+$0x53A0] =	vst v8  }
0xa7: {  	v42 =	vld [tilespmem:s2+$0x5440];
	v3 =	vmul.f32 v3, v55;
	[tilespmem:s2+$0x5400] =	vst v11  }
0xa8: {  	v43 =	vld [tilespmem:s2+$0x5450];
	v55 =	vmul.f32 v47, v50;
	[tilespmem:s2+$0x54B0] =	vst v60  }
0xa9: {  	v45 =	vld [tilespmem:s2+$0x5460];
	v44 =	vbroadcast v2, $0xA;
	v5 =	vmul.f32 v54, v4;
	[tilespmem:s2+$0x5020] =	vst v3  }
0xaa: {  	v16 =	vld [tilespmem:s2+$0x5320];
	v6 =	vmul.f32 v19, v21;
	[tilespmem:s2+$0x5250] =	vst v55  }
0xab: {  	v30 =	vld [tilespmem:s2+$0x53C0];
	v7 =	vmul.f32 v37, v44;
	[tilespmem:s2+$0x52A0] =	vst v5  }
0xac: {  	v26 =	vld [tilespmem:s2+$0x5390];
	v49 =	vmul.f32 v42, v44;
	[tilespmem:s2+$0x5350] =	vst v6  }
0xad: {  	v40 =	vld [tilespmem:s2+$0x5430];
	v51 =	vmul.f32 v43, v44;
	[tilespmem:s2+$0x5410] =	vst v7  }
0xae: {  	v18 =	vld [tilespmem:s2+$0x5540];
	v53 =	vmul.f32 v45, v44;
	[tilespmem:s2+$0x5440] =	vst v49  }
0xaf: {  	v3 =	vld [tilespmem:s2+$0x5090];
	v5 =	vmul.f32 v16, v21;
	[tilespmem:s2+$0x5450] =	vst v51  }
0xb0: {  	v54 =	vld [tilespmem:s2+$0x54C0];
	v6 =	vmul.f32 v30, v32;
	[tilespmem:s2+$0x5460] =	vst v53  }
0xb1: {  	v38 =	vld [tilespmem:s2+$0x5420];
	v20 =	vbroadcast v2, $0xC;
	[tilespmem:s2+$0x5320] =	vst v5;
	v5 =	vmul.f32 v26, v32  }
0xb2: {  	v46 =	vld [tilespmem:s2+$0x5240];
	[tilespmem:s2+$0x53C0] =	vst v6;
	v6 =	vmul.f32 v40, v44  }
0xb3: {  	v19 =	vld [tilespmem:s2+$0x5550];
	v26 =	vmul.f32 v18, v20;
	[tilespmem:s2+$0x5390] =	vst v5  }
0xb4: {  	v48 =	vld [tilespmem:s2+$0x5490];
	[tilespmem:s2+$0x5430] =	vst v6;
	v3 =	vmul.f32 v3, v17  }
0xb5: {  	v55 =	vld [tilespmem:s2+$0x54D0];
	v62 =	vmul.f32 v54, v56;
	[tilespmem:s2+$0x5540] =	vst v26  }
0xb6: {  	v63 =	vld [tilespmem:s2+$0x5520];
	[tilespmem:s2+$0x5090] =	vst v3;
	v3 =	vmul.f32 v61, v17  }
0xb7: {  	v5 =	vmul.f32 v38, v44;
	[tilespmem:s2+$0x54C0] =	vst v62;
	v61 =	vld [tilespmem:s2+$0x52F0]  }
0xb8: {  	v28 =	vmul.f32 v19, v20;
	[tilespmem:s2+$0x50B0] =	vst v3;
	v3 =	vld [tilespmem:s2+$0x5120]  }
0xb9: {  	[tilespmem:s2+$0x5420] =	vst v5;
	v5 =	vmul.f32 v48, v56;
	v17 =	vld [tilespmem:s2+$0x5330]  }
0xba: {  	v57 =	vld [tilespmem:s2+$0x54E0];
	v15 =	vmul.f32 v55, v56;
	[tilespmem:s2+$0x5550] =	vst v28  }
0xbb: {  	v22 =	vld [tilespmem:s2+$0x5360];
	[tilespmem:s2+$0x5490] =	vst v5;
	v5 =	vmul.f32 v63, v20  }
0xbc: {  	v24 =	vld [tilespmem:s2+$0x5380];
	[tilespmem:s2+$0x54D0] =	vst v15;
	v10 =	vmul.f32 v61, v4  }
0xbd: {  	v16 =	vld [tilespmem:s2+$0x5530];
	[tilespmem:s2+$0x5520] =	vst v5;
	v3 =	vmul.f32 v3, v29  }
0xbe: {  	v34 =	vld [tilespmem:s2+$0x53F0];
	v25 =	vmul.f32 v17, v21;
	[tilespmem:s2+$0x52F0] =	vst v10  }
0xbf: {  	v17 =	vmul.f32 v57, v56;
	[tilespmem:s2+$0x5120] =	vst v3;
	v3 =	vld [tilespmem:s2+$0x5190]  }
0xc0: {  	v47 =	vld [tilespmem:s2+$0x5480];
	[tilespmem:s2+$0x5330] =	vst v25;
	v29 =	vmul.f32 v22, v21  }
0xc1: {  	v10 =	vmul.f32 v24, v21;
	[tilespmem:s2+$0x54E0] =	vst v17;
	v21 =	vld [tilespmem:s2+$0x5560]  }
0xc2: {  	v58 =	vld [tilespmem:s2+$0x54F0];
	v24 =	vmul.f32 v16, v20;
	[tilespmem:s2+$0x5360] =	vst v29  }
0xc3: {  	v33 =	vld [tilespmem:s2+$0x53E0];
	[tilespmem:s2+$0x5380] =	vst v10;
	v10 =	vmul.f32 v34, v32  }
0xc4: {  	v23 =	vld [tilespmem:s2+$0x5580];
	[tilespmem:s2+$0x5530] =	vst v24;
	v3 =	vmul.f32 v3, v41  }
0xc5: {  	v25 =	vld [tilespmem:s2+$0x5590];
	[tilespmem:s2+$0x53F0] =	vst v10;
	v10 =	vmul.f32 v47, v44  }
0xc6: {  	v30 =	vmul.f32 v21, v20;
	[tilespmem:s2+$0x5190] =	vst v3;
	v3 =	vld [tilespmem:s2+$0x5220]  }
0xc7: {  	v29 =	vld [tilespmem:s2+$0x55B0];
	[tilespmem:s2+$0x5480] =	vst v10;
	v10 =	vmul.f32 v58, v56  }
0xc8: {  	v31 =	vld [tilespmem:s2+$0x55C0];
	v41 =	vmul.f32 v33, v32;
	[tilespmem:s2+$0x5560] =	vst v30;
	v33 =	vbroadcast v2, $0xD  }
0xc9: {  	v34 =	vld [tilespmem:s2+$0x55E0];
	[tilespmem:s2+$0x54F0] =	vst v10;
	v10 =	vmul.f32 v23, v20  }
0xca: {  	v35 =	vld [tilespmem:s2+$0x55F0];
	[tilespmem:s2+$0x53E0] =	vst v41;
	v5 =	vmul.f32 v25, v33  }
0xcb: {  	v32 =	vld [tilespmem:s2+$0x55D0];
	[tilespmem:s2+$0x5580] =	vst v10;
	v3 =	vmul.f32 v3, v50  }
0xcc: {  	v37 =	vmul.f32 v29, v33;
	[tilespmem:s2+$0x5590] =	vst v5  }
0xcd: {  	v39 =	vmul.f32 v31, v33;
	[tilespmem:s2+$0x5220] =	vst v3;
	v3 =	vmul.f32 v46, v50;
	v46 =	vld [tilespmem:s2+$0x5470]  }
0xce: {  	v43 =	vmul.f32 v34, v33;
	[tilespmem:s2+$0x55B0] =	vst v37;
	v50 =	vld [tilespmem:s2+$0x54A0]  }
0xcf: {  	v59 =	vld [tilespmem:s2+$0x5500];
	v10 =	vmul.f32 v35, v33;
	[tilespmem:s2+$0x55C0] =	vst v39  }
0xd0: {  	v61 =	vld [tilespmem:s2+$0x5510];
	[tilespmem:s2+$0x55E0] =	vst v43;
	v41 =	vmul.f32 v32, v33  }
0xd1: {  	v40 =	vld [tilespmem:s2+$0x5620];
	[tilespmem:s2+$0x55F0] =	vst v10  }
0xd2: {  	v42 =	vld [tilespmem:s2+$0x5630];
	[tilespmem:s2+$0x55D0] =	vst v41;
	v11 =	vmul.f32 v46, v44  }
0xd3: {  	v45 =	vld [tilespmem:s2+$0x5650];
	[tilespmem:s2+$0x5240] =	vst v3;
	v6 =	vmul.f32 v50, v56  }
0xd4: {  	v47 =	vld [tilespmem:s2+$0x5660];
	v46 =	vbroadcast v2, $0xE;
	[tilespmem:s2+$0x5470] =	vst v11;
	v11 =	vmul.f32 v59, v56  }
0xd5: {  	v3 =	vld [tilespmem:s2+$0x52C0];
	[tilespmem:s2+$0x54A0] =	vst v6;
	v6 =	vmul.f32 v61, v20  }
0xd6: {  	v49 =	vld [tilespmem:s2+$0x5680];
	v5 =	vmul.f32 v40, v46;
	[tilespmem:s2+$0x5500] =	vst v11  }
0xd7: {  	v57 =	vld [tilespmem:s2+$0x56C0];
	v50 =	vmul.f32 v42, v46;
	[tilespmem:s2+$0x5510] =	vst v6  }
0xd8: {  	v22 =	vld [tilespmem:s2+$0x5570];
	v54 =	vmul.f32 v45, v46;
	[tilespmem:s2+$0x5620] =	vst v5  }
0xd9: {  	v27 =	vld [tilespmem:s2+$0x55A0];
	v56 =	vmul.f32 v47, v46;
	[tilespmem:s2+$0x5630] =	vst v50  }
0xda: {  	v51 =	vld [tilespmem:s2+$0x5690];
	v2 =	vbroadcast v2, $0xF;
	v3 =	vmul.f32 v3, v4;
	[tilespmem:s2+$0x5650] =	vst v54  }
0xdb: {  	v44 =	vld [tilespmem:s2+$0x5640];
	v10 =	vmul.f32 v49, v46;
	[tilespmem:s2+$0x5660] =	vst v56  }
0xdc: {  	v36 =	vld [tilespmem:s2+$0x5600];
	v62 =	vmul.f32 v57, v2;
	[tilespmem:s2+$0x52C0] =	vst v3  }
0xdd: {  	v38 =	vld [tilespmem:s2+$0x5610];
	v11 =	vmul.f32 v22, v20;
	[tilespmem:s2+$0x5680] =	vst v10  }
0xde: {  	v55 =	vld [tilespmem:s2+$0x56B0];
	v6 =	vmul.f32 v27, v33;
	[tilespmem:s2+$0x56C0] =	vst v62  }
0xdf: {  	v61 =	vld [tilespmem:s2+$0x5700];
	v3 =	vmul.f32 v51, v2;
	[tilespmem:s2+$0x5570] =	vst v11  }
0xe0: {  	v48 =	vld [tilespmem:s2+$0x5670];
	v52 =	vmul.f32 v44, v46;
	[tilespmem:s2+$0x55A0] =	vst v6  }
0xe1: {  	v58 =	vld [tilespmem:s2+$0x56D0];
	v11 =	vmul.f32 v36, v33;
	[tilespmem:s2+$0x5690] =	vst v3  }
0xe2: {  	v53 =	vld [tilespmem:s2+$0x56A0];
	v6 =	vmul.f32 v38, v46;
	[tilespmem:s2+$0x5640] =	vst v52  }
0xe3: {  	v59 =	vld [tilespmem:s2+$0x56E0];
	v3 =	vmul.f32 v55, v2;
	[tilespmem:s2+$0x5600] =	vst v11  }
0xe4: {  	v60 =	vld [tilespmem:s2+$0x56F0];
	v63 =	vmul.f32 v61, v2;
	[tilespmem:s2+$0x5610] =	vst v6  }
0xe5: {  	v11 =	vmul.f32 v48, v46;
	[tilespmem:s2+$0x56B0] =	vst v3  }
0xe6: {  	v3 =	vmul.f32 v58, v2;
	[tilespmem:s2+$0x5700] =	vst v63  }
0xe7: {  	v6 =	vmul.f32 v53, v2;
	[tilespmem:s2+$0x5670] =	vst v11  }
0xe8: {  	[tilespmem:s2+$0x56D0] =	vst v3;
	v3 =	vmul.f32 v59, v2  }
0xe9: {  	[tilespmem:s2+$0x56A0] =	vst v6;
	v2 =	vmul.f32 v60, v2  }
0xea: {  	s17 =	simm.s32 $0x1;
	[tilespmem:s2+$0x56E0] =	vst v3  }
.LBB2_5:
0xeb: {  	s19 =	sshll.u32 s17, $0x4;
	p0 =	sne.s32 s17, $0x4;
	s17 =	sadd.s32 $0x1, s17;
	[tilespmem:s2+$0x56F0] =	vst v2  }
0xec: {  	v2 =	vld.idx.msk [tilespmem:v1+s19+$0x0 ss:$0x1], $0xffff;
	s2 =	sadd.s32 s31, s19  }
0xed: {  	s2 =	sshll.u32 s2, $0x7  }
0xee: {  	s2 =	sand.u32 $0x3FFFFF80, s2  }
0xef: {  	v5 =	vld [tilespmem:s2+$0x4F10]  }
0xf0: {  	v6 =	vld [tilespmem:s2+$0x4F20]  }
0xf1: {  	v7 =	vld [tilespmem:s2+$0x4F30]  }
0xf2: {  	v9 =	vbroadcast v2, $0x2;
	v4 =	vbroadcast v2, $0x4;
	v8 =	vld [tilespmem:s2+$0x4F40]  }
0xf3: {  	v10 =	vbroadcast v2, $0x0;
	v3 =	vbroadcast v2, $0x7;
	v11 =	vld [tilespmem:s2+$0x4F50]  }
0xf4: {  	v12 =	vld [tilespmem:s2+$0x4F60]  }
0xf5: {  	v5 =	vmul.f32 v10, v5;
	v13 =	vld [tilespmem:s2+$0x4F70];
	v6 =	vmul.f32 v6, v10  }
0xf6: {  	v14 =	vld [tilespmem:s2+$0x4F80];
	v7 =	vmul.f32 v7, v10  }
0xf7: {  	[tilespmem:s2+$0x4F20] =	vst v6;
	v6 =	vmul.f32 v8, v10;
	v8 =	vld [tilespmem:s2+$0x4F90]  }
0xf8: {  	[tilespmem:s2+$0x4F30] =	vst v7;
	v7 =	vmul.f32 v11, v10;
	v11 =	vld [tilespmem:s2+$0x4FA0]  }
0xf9: {  	[tilespmem:s2+$0x4F10] =	vst v5;
	v5 =	vmul.f32 v12, v10;
	v12 =	vld [tilespmem:s2+$0x4FB0]  }
0xfa: {  	[tilespmem:s2+$0x4F50] =	vst v7;
	v7 =	vmul.f32 v13, v10;
	v13 =	vld [tilespmem:s2+$0x4FC0]  }
0xfb: {  	[tilespmem:s2+$0x4F60] =	vst v5;
	v5 =	vmul.f32 v14, v10;
	v10 =	vbroadcast v2, $0x1;
	v14 =	vld [tilespmem:s2+$0x4FD0]  }
0xfc: {  	[tilespmem:s2+$0x4F70] =	vst v7;
	v7 =	vld [tilespmem:s2+$0x4FE0]  }
0xfd: {  	[tilespmem:s2+$0x4F80] =	vst v5;
	v5 =	vld [tilespmem:s2+$0x4FF0];
	v11 =	vmul.f32 v11, v10  }
0xfe: {  	[tilespmem:s2+$0x4F40] =	vst v6;
	v6 =	vld [tilespmem:s2+$0x5000];
	v12 =	vmul.f32 v12, v10  }
0xff: {  	[tilespmem:s2+$0x4FA0] =	vst v11;
	v11 =	vmul.f32 v13, v10;
	v13 =	vld [tilespmem:s2+$0x5010]  }
0x100: {  	[tilespmem:s2+$0x4FB0] =	vst v12;
	v12 =	vmul.f32 v14, v10;
	v14 =	vld [tilespmem:s2+$0x5020]  }
0x101: {  	[tilespmem:s2+$0x4FC0] =	vst v11;
	v7 =	vmul.f32 v7, v10;
	v11 =	vld [tilespmem:s2+$0x5030]  }
0x102: {  	[tilespmem:s2+$0x4FD0] =	vst v12;
	v5 =	vmul.f32 v5, v10;
	v12 =	vld [tilespmem:s2+$0x5040]  }
0x103: {  	[tilespmem:s2+$0x4FE0] =	vst v7;
	v6 =	vmul.f32 v6, v10;
	v7 =	vld [tilespmem:s2+$0x5050]  }
0x104: {  	[tilespmem:s2+$0x4FF0] =	vst v5;
	v5 =	vld [tilespmem:s2+$0x5060];
	v13 =	vmul.f32 v13, v9  }
0x105: {  	[tilespmem:s2+$0x5000] =	vst v6;
	v6 =	vld [tilespmem:s2+$0x5070];
	v14 =	vmul.f32 v14, v9  }
0x106: {  	v15 =	vld [tilespmem:s2+$0x5080];
	[tilespmem:s2+$0x5010] =	vst v13;
	v11 =	vmul.f32 v11, v9  }
0x107: {  	[tilespmem:s2+$0x5020] =	vst v14;
	v12 =	vmul.f32 v12, v9;
	v13 =	vld [tilespmem:s2+$0x5090]  }
0x108: {  	[tilespmem:s2+$0x5030] =	vst v11;
	v7 =	vmul.f32 v7, v9;
	v11 =	vld [tilespmem:s2+$0x50A0]  }
0x109: {  	[tilespmem:s2+$0x5040] =	vst v12;
	v5 =	vmul.f32 v5, v9;
	v12 =	vld [tilespmem:s2+$0x50B0]  }
0x10a: {  	[tilespmem:s2+$0x5050] =	vst v7;
	v6 =	vmul.f32 v6, v9;
	v7 =	vbroadcast v2, $0x3;
	v14 =	vld [tilespmem:s2+$0x50C0]  }
0x10b: {  	[tilespmem:s2+$0x5060] =	vst v5;
	v5 =	vmul.f32 v15, v9;
	v9 =	vld [tilespmem:s2+$0x50D0]  }
0x10c: {  	[tilespmem:s2+$0x5070] =	vst v6;
	v6 =	vld [tilespmem:s2+$0x50E0];
	v13 =	vmul.f32 v13, v7  }
0x10d: {  	[tilespmem:s2+$0x5080] =	vst v5;
	v5 =	vld [tilespmem:s2+$0x50F0];
	v11 =	vmul.f32 v11, v7  }
0x10e: {  	v15 =	vld [tilespmem:s2+$0x5100];
	[tilespmem:s2+$0x5090] =	vst v13;
	v12 =	vmul.f32 v12, v7  }
0x10f: {  	[tilespmem:s2+$0x50A0] =	vst v11;
	v11 =	vmul.f32 v14, v7;
	v13 =	vld [tilespmem:s2+$0x5110]  }
0x110: {  	v8 =	vmul.f32 v8, v10;
	[tilespmem:s2+$0x50B0] =	vst v12;
	v9 =	vmul.f32 v9, v7;
	v10 =	vld [tilespmem:s2+$0x5120]  }
0x111: {  	[tilespmem:s2+$0x50C0] =	vst v11;
	v6 =	vmul.f32 v6, v7;
	v11 =	vld [tilespmem:s2+$0x5130]  }
0x112: {  	[tilespmem:s2+$0x4F90] =	vst v8;
	v5 =	vmul.f32 v5, v7;
	v8 =	vld [tilespmem:s2+$0x5140]  }
0x113: {  	[tilespmem:s2+$0x50E0] =	vst v6;
	v6 =	vmul.f32 v15, v7;
	v7 =	vld [tilespmem:s2+$0x5150]  }
0x114: {  	[tilespmem:s2+$0x50F0] =	vst v5;
	v5 =	vld [tilespmem:s2+$0x5160];
	v12 =	vmul.f32 v13, v4  }
0x115: {  	[tilespmem:s2+$0x5100] =	vst v6;
	v6 =	vld [tilespmem:s2+$0x5170];
	v10 =	vmul.f32 v10, v4  }
0x116: {  	v13 =	vld [tilespmem:s2+$0x5180];
	[tilespmem:s2+$0x5110] =	vst v12;
	v11 =	vmul.f32 v11, v4  }
0x117: {  	[tilespmem:s2+$0x5120] =	vst v10;
	v8 =	vmul.f32 v8, v4;
	v10 =	vld [tilespmem:s2+$0x5190]  }
0x118: {  	[tilespmem:s2+$0x5130] =	vst v11;
	v7 =	vmul.f32 v7, v4;
	v11 =	vld [tilespmem:s2+$0x51A0]  }
0x119: {  	[tilespmem:s2+$0x5140] =	vst v8;
	v5 =	vmul.f32 v5, v4;
	v8 =	vld [tilespmem:s2+$0x51B0]  }
0x11a: {  	[tilespmem:s2+$0x5150] =	vst v7;
	v6 =	vmul.f32 v6, v4;
	v7 =	vld [tilespmem:s2+$0x51C0]  }
0x11b: {  	[tilespmem:s2+$0x5160] =	vst v5;
	v4 =	vmul.f32 v13, v4;
	v5 =	vbroadcast v2, $0x5;
	v12 =	vld [tilespmem:s2+$0x51D0]  }
0x11c: {  	[tilespmem:s2+$0x5170] =	vst v6;
	v6 =	vld [tilespmem:s2+$0x51E0]  }
0x11d: {  	[tilespmem:s2+$0x5180] =	vst v4;
	v4 =	vld [tilespmem:s2+$0x51F0];
	v10 =	vmul.f32 v10, v5;
	v11 =	vmul.f32 v11, v5  }
0x11e: {  	[tilespmem:s2+$0x50D0] =	vst v9;
	v9 =	vld [tilespmem:s2+$0x5200];
	v8 =	vmul.f32 v8, v5  }
0x11f: {  	[tilespmem:s2+$0x51A0] =	vst v11;
	v7 =	vmul.f32 v7, v5;
	v11 =	vld [tilespmem:s2+$0x5210]  }
0x120: {  	[tilespmem:s2+$0x5190] =	vst v10;
	v10 =	vmul.f32 v12, v5;
	v12 =	vld [tilespmem:s2+$0x5220]  }
0x121: {  	[tilespmem:s2+$0x51C0] =	vst v7;
	v6 =	vmul.f32 v6, v5;
	v7 =	vld [tilespmem:s2+$0x5230]  }
0x122: {  	[tilespmem:s2+$0x51D0] =	vst v10;
	v4 =	vmul.f32 v4, v5;
	v10 =	vld [tilespmem:s2+$0x5240]  }
0x123: {  	[tilespmem:s2+$0x51E0] =	vst v6;
	v5 =	vmul.f32 v9, v5;
	v6 =	vbroadcast v2, $0x6;
	v9 =	vld [tilespmem:s2+$0x5250]  }
0x124: {  	[tilespmem:s2+$0x51B0] =	vst v8;
	v8 =	vld [tilespmem:s2+$0x5260]  }
0x125: {  	[tilespmem:s2+$0x5200] =	vst v5;
	v5 =	vld [tilespmem:s2+$0x5270];
	v11 =	vmul.f32 v11, v6;
	v12 =	vmul.f32 v12, v6  }
0x126: {  	[tilespmem:s2+$0x51F0] =	vst v4;
	v4 =	vld [tilespmem:s2+$0x5280]  }
0x127: {  	[tilespmem:s2+$0x5220] =	vst v12;
	v10 =	vmul.f32 v10, v6;
	v12 =	vld [tilespmem:s2+$0x5290]  }
0x128: {  	[tilespmem:s2+$0x5210] =	vst v11;
	v9 =	vmul.f32 v9, v6;
	v11 =	vld [tilespmem:s2+$0x52A0]  }
0x129: {  	v7 =	vmul.f32 v7, v6;
	[tilespmem:s2+$0x5240] =	vst v10;
	v8 =	vmul.f32 v8, v6;
	v10 =	vld [tilespmem:s2+$0x52B0]  }
0x12a: {  	[tilespmem:s2+$0x5250] =	vst v9;
	v5 =	vmul.f32 v5, v6;
	v9 =	vld [tilespmem:s2+$0x52C0]  }
0x12b: {  	[tilespmem:s2+$0x5230] =	vst v7;
	v4 =	vmul.f32 v4, v6;
	v6 =	vld [tilespmem:s2+$0x52D0]  }
0x12c: {  	[tilespmem:s2+$0x5270] =	vst v5;
	v5 =	vld [tilespmem:s2+$0x52E0];
	v7 =	vmul.f32 v12, v3  }
0x12d: {  	[tilespmem:s2+$0x5280] =	vst v4;
	v12 =	vld [tilespmem:s2+$0x52F0];
	v11 =	vmul.f32 v11, v3  }
0x12e: {  	v13 =	vld [tilespmem:s2+$0x5300];
	[tilespmem:s2+$0x5290] =	vst v7;
	v7 =	vmul.f32 v10, v3  }
0x12f: {  	[tilespmem:s2+$0x5260] =	vst v8;
	v4 =	vmul.f32 v9, v3;
	v8 =	vld [tilespmem:s2+$0x5310]  }
0x130: {  	[tilespmem:s2+$0x52A0] =	vst v11;
	v6 =	vmul.f32 v6, v3;
	v9 =	vld [tilespmem:s2+$0x5320]  }
0x131: {  	[tilespmem:s2+$0x52B0] =	vst v7;
	v5 =	vmul.f32 v5, v3;
	v7 =	vld [tilespmem:s2+$0x5330]  }
0x132: {  	v10 =	vbroadcast v2, $0x8;
	[tilespmem:s2+$0x52D0] =	vst v6;
	v6 =	vmul.f32 v12, v3;
	v11 =	vld [tilespmem:s2+$0x5340]  }
0x133: {  	[tilespmem:s2+$0x52E0] =	vst v5;
	v3 =	vmul.f32 v13, v3;
	v5 =	vld [tilespmem:s2+$0x5350]  }
0x134: {  	[tilespmem:s2+$0x52F0] =	vst v6;
	v6 =	vld [tilespmem:s2+$0x5360];
	v8 =	vmul.f32 v8, v10  }
0x135: {  	[tilespmem:s2+$0x5300] =	vst v3;
	v3 =	vld [tilespmem:s2+$0x5370];
	v9 =	vmul.f32 v9, v10  }
0x136: {  	v12 =	vld [tilespmem:s2+$0x5380];
	[tilespmem:s2+$0x5310] =	vst v8;
	v7 =	vmul.f32 v7, v10  }
0x137: {  	[tilespmem:s2+$0x5320] =	vst v9;
	v8 =	vmul.f32 v11, v10;
	v9 =	vld [tilespmem:s2+$0x5390]  }
0x138: {  	[tilespmem:s2+$0x5330] =	vst v7;
	v5 =	vmul.f32 v5, v10;
	v7 =	vld [tilespmem:s2+$0x53A0]  }
0x139: {  	[tilespmem:s2+$0x5340] =	vst v8;
	v6 =	vmul.f32 v6, v10;
	v8 =	vld [tilespmem:s2+$0x53B0]  }
0x13a: {  	[tilespmem:s2+$0x5350] =	vst v5;
	v3 =	vmul.f32 v3, v10;
	v5 =	vbroadcast v2, $0x9;
	v11 =	vld [tilespmem:s2+$0x53C0]  }
0x13b: {  	[tilespmem:s2+$0x5360] =	vst v6;
	v6 =	vmul.f32 v12, v10;
	v10 =	vld [tilespmem:s2+$0x53D0]  }
0x13c: {  	[tilespmem:s2+$0x5370] =	vst v3;
	v3 =	vld [tilespmem:s2+$0x53E0];
	v9 =	vmul.f32 v9, v5  }
0x13d: {  	[tilespmem:s2+$0x5380] =	vst v6;
	v6 =	vld [tilespmem:s2+$0x53F0];
	v7 =	vmul.f32 v7, v5  }
0x13e: {  	v12 =	vld [tilespmem:s2+$0x5400];
	[tilespmem:s2+$0x5390] =	vst v9;
	v8 =	vmul.f32 v8, v5  }
0x13f: {  	[tilespmem:s2+$0x53A0] =	vst v7;
	v7 =	vmul.f32 v11, v5;
	v9 =	vld [tilespmem:s2+$0x5410]  }
0x140: {  	[tilespmem:s2+$0x53B0] =	vst v8;
	v8 =	vmul.f32 v10, v5;
	v10 =	vld [tilespmem:s2+$0x5420]  }
0x141: {  	[tilespmem:s2+$0x53C0] =	vst v7;
	v3 =	vmul.f32 v3, v5;
	v7 =	vld [tilespmem:s2+$0x5430]  }
0x142: {  	[tilespmem:s2+$0x53D0] =	vst v8;
	v6 =	vmul.f32 v6, v5;
	v8 =	vbroadcast v2, $0xA;
	v11 =	vld [tilespmem:s2+$0x5440]  }
0x143: {  	[tilespmem:s2+$0x53E0] =	vst v3;
	v3 =	vmul.f32 v12, v5;
	v5 =	vld [tilespmem:s2+$0x5450]  }
0x144: {  	[tilespmem:s2+$0x53F0] =	vst v6;
	v6 =	vld [tilespmem:s2+$0x5460];
	v9 =	vmul.f32 v9, v8  }
0x145: {  	[tilespmem:s2+$0x5400] =	vst v3;
	v3 =	vld [tilespmem:s2+$0x5470];
	v10 =	vmul.f32 v10, v8  }
0x146: {  	v12 =	vld [tilespmem:s2+$0x5480];
	[tilespmem:s2+$0x5410] =	vst v9;
	v7 =	vmul.f32 v7, v8  }
0x147: {  	[tilespmem:s2+$0x5420] =	vst v10;
	v9 =	vmul.f32 v11, v8;
	v10 =	vld [tilespmem:s2+$0x5490]  }
0x148: {  	[tilespmem:s2+$0x5430] =	vst v7;
	v5 =	vmul.f32 v5, v8;
	v7 =	vld [tilespmem:s2+$0x54A0]  }
0x149: {  	[tilespmem:s2+$0x5440] =	vst v9;
	v6 =	vmul.f32 v6, v8;
	v9 =	vld [tilespmem:s2+$0x54B0]  }
0x14a: {  	[tilespmem:s2+$0x5450] =	vst v5;
	v3 =	vmul.f32 v3, v8;
	v5 =	vbroadcast v2, $0xB;
	v11 =	vld [tilespmem:s2+$0x54C0]  }
0x14b: {  	[tilespmem:s2+$0x5460] =	vst v6;
	v6 =	vmul.f32 v12, v8;
	v8 =	vld [tilespmem:s2+$0x54D0]  }
0x14c: {  	[tilespmem:s2+$0x5470] =	vst v3;
	v3 =	vld [tilespmem:s2+$0x54E0];
	v10 =	vmul.f32 v10, v5  }
0x14d: {  	[tilespmem:s2+$0x5480] =	vst v6;
	v6 =	vld [tilespmem:s2+$0x54F0];
	v7 =	vmul.f32 v7, v5  }
0x14e: {  	v12 =	vld [tilespmem:s2+$0x5500];
	[tilespmem:s2+$0x5490] =	vst v10;
	v9 =	vmul.f32 v9, v5  }
0x14f: {  	[tilespmem:s2+$0x54A0] =	vst v7;
	v7 =	vmul.f32 v11, v5;
	v10 =	vld [tilespmem:s2+$0x5510]  }
0x150: {  	[tilespmem:s2+$0x54B0] =	vst v9;
	v8 =	vmul.f32 v8, v5;
	v9 =	vld [tilespmem:s2+$0x5520]  }
0x151: {  	[tilespmem:s2+$0x54C0] =	vst v7;
	v3 =	vmul.f32 v3, v5;
	v7 =	vld [tilespmem:s2+$0x5530]  }
0x152: {  	[tilespmem:s2+$0x54D0] =	vst v8;
	v6 =	vmul.f32 v6, v5;
	v8 =	vbroadcast v2, $0xC;
	v11 =	vld [tilespmem:s2+$0x5540]  }
0x153: {  	[tilespmem:s2+$0x54E0] =	vst v3;
	v3 =	vmul.f32 v12, v5;
	v5 =	vld [tilespmem:s2+$0x5550]  }
0x154: {  	[tilespmem:s2+$0x54F0] =	vst v6;
	v6 =	vld [tilespmem:s2+$0x5560];
	v10 =	vmul.f32 v10, v8  }
0x155: {  	[tilespmem:s2+$0x5500] =	vst v3;
	v3 =	vld [tilespmem:s2+$0x5570];
	v9 =	vmul.f32 v9, v8  }
0x156: {  	v12 =	vld [tilespmem:s2+$0x5580];
	[tilespmem:s2+$0x5510] =	vst v10;
	v7 =	vmul.f32 v7, v8  }
0x157: {  	[tilespmem:s2+$0x5520] =	vst v9;
	v9 =	vmul.f32 v11, v8;
	v10 =	vld [tilespmem:s2+$0x5590]  }
0x158: {  	[tilespmem:s2+$0x5530] =	vst v7;
	v5 =	vmul.f32 v5, v8;
	v7 =	vld [tilespmem:s2+$0x55A0]  }
0x159: {  	[tilespmem:s2+$0x5540] =	vst v9;
	v6 =	vmul.f32 v6, v8;
	v9 =	vld [tilespmem:s2+$0x55B0]  }
0x15a: {  	[tilespmem:s2+$0x5550] =	vst v5;
	v3 =	vmul.f32 v3, v8;
	v5 =	vbroadcast v2, $0xD;
	v11 =	vld [tilespmem:s2+$0x55C0]  }
0x15b: {  	[tilespmem:s2+$0x5560] =	vst v6;
	v6 =	vmul.f32 v12, v8;
	v8 =	vld [tilespmem:s2+$0x55D0]  }
0x15c: {  	[tilespmem:s2+$0x5570] =	vst v3;
	v3 =	vld [tilespmem:s2+$0x55E0];
	v10 =	vmul.f32 v10, v5  }
0x15d: {  	[tilespmem:s2+$0x5580] =	vst v6;
	v6 =	vld [tilespmem:s2+$0x55F0];
	v7 =	vmul.f32 v7, v5  }
0x15e: {  	v12 =	vld [tilespmem:s2+$0x5600];
	[tilespmem:s2+$0x5590] =	vst v10;
	v9 =	vmul.f32 v9, v5  }
0x15f: {  	[tilespmem:s2+$0x55A0] =	vst v7;
	v7 =	vmul.f32 v11, v5;
	v10 =	vld [tilespmem:s2+$0x5610]  }
0x160: {  	[tilespmem:s2+$0x55B0] =	vst v9;
	v8 =	vmul.f32 v8, v5;
	v9 =	vld [tilespmem:s2+$0x5620]  }
0x161: {  	[tilespmem:s2+$0x55C0] =	vst v7;
	v3 =	vmul.f32 v3, v5;
	v7 =	vld [tilespmem:s2+$0x5630]  }
0x162: {  	[tilespmem:s2+$0x55D0] =	vst v8;
	v6 =	vmul.f32 v6, v5;
	v8 =	vbroadcast v2, $0xE;
	v11 =	vld [tilespmem:s2+$0x5640]  }
0x163: {  	[tilespmem:s2+$0x55E0] =	vst v3;
	v3 =	vmul.f32 v12, v5;
	v5 =	vld [tilespmem:s2+$0x5650]  }
0x164: {  	[tilespmem:s2+$0x55F0] =	vst v6;
	v6 =	vld [tilespmem:s2+$0x5660];
	v10 =	vmul.f32 v10, v8  }
0x165: {  	[tilespmem:s2+$0x5600] =	vst v3;
	v3 =	vld [tilespmem:s2+$0x5670];
	v9 =	vmul.f32 v9, v8  }
0x166: {  	v12 =	vld [tilespmem:s2+$0x5680];
	[tilespmem:s2+$0x5610] =	vst v10;
	v7 =	vmul.f32 v7, v8  }
0x167: {  	[tilespmem:s2+$0x5620] =	vst v9;
	v9 =	vmul.f32 v11, v8;
	v10 =	vld [tilespmem:s2+$0x5690]  }
0x168: {  	[tilespmem:s2+$0x5630] =	vst v7;
	v5 =	vmul.f32 v5, v8;
	v7 =	vld [tilespmem:s2+$0x56A0]  }
0x169: {  	[tilespmem:s2+$0x5640] =	vst v9;
	v6 =	vmul.f32 v6, v8;
	v9 =	vld [tilespmem:s2+$0x56B0]  }
0x16a: {  	v2 =	vbroadcast v2, $0xF;
	[tilespmem:s2+$0x5650] =	vst v5;
	v3 =	vmul.f32 v3, v8;
	v5 =	vld [tilespmem:s2+$0x56C0]  }
0x16b: {  	[tilespmem:s2+$0x5660] =	vst v6;
	v6 =	vmul.f32 v12, v8;
	v8 =	vld [tilespmem:s2+$0x56D0]  }
0x16c: {  	[tilespmem:s2+$0x5670] =	vst v3;
	v3 =	vld [tilespmem:s2+$0x56E0];
	v10 =	vmul.f32 v10, v2  }
0x16d: {  	[tilespmem:s2+$0x52C0] =	vst v4;
	v4 =	vld [tilespmem:s2+$0x56F0]  }
0x16e: {  	v11 =	vld [tilespmem:s2+$0x5700];
	[tilespmem:s2+$0x5690] =	vst v10;
	v9 =	vmul.f32 v9, v2  }
0x16f: {  	[tilespmem:s2+$0x5680] =	vst v6;
	v5 =	vmul.f32 v5, v2  }
0x170: {  	[tilespmem:s2+$0x56B0] =	vst v9;
	v6 =	vmul.f32 v8, v2  }
.Ltmp1:
0x171: {  	v7 =	vmul.f32 v7, v2;
	[tilespmem:s2+$0x56C0] =	vst v5;
	(pc) =	sbr.rel @p0 .LBB2_5-.Ltmp1, $4  }
0x172: {  	v3 =	vmul.f32 v3, v2;
	[tilespmem:s2+$0x56D0] =	vst v6  }
0x173: {  	[tilespmem:s2+$0x56A0] =	vst v7;
	v5 =	vmul.f32 v11, v2  }
0x174: {  	v2 =	vmul.f32 v4, v2;
	[tilespmem:s2+$0x56E0] =	vst v3  }
0x175: {  	[tilespmem:s2+$0x5700] =	vst v5  }
0x176: {  	s17 =	smul.u32 $0xA000, s30  }
0x177: {  	s19 =	smul.u32 $0x140, s28;
	p0 =	sne.s32 s29, $0x7D  }
.Ltmp2:
0x178: {  	_ = 	snop;
	(pc) =	sbr.rel @p0 .LBB2_4-.Ltmp2, $4  }
0x179: {  	_ = 	snop  }
0x17a: {  	s17 =	sshrl.u32 s17, $0x2;
	s19 =	sshra.s32 s19, $0x2  }
0x17b: {  	[tilespmem:s2+$0x56F0] =	vst v2;
	s28 =	smov.u32 s29;
	s30 =	sadd.s32 $0x4F10, s17;
	s31 =	sadd.s32 $0x2710, s19  }
0x17c: {  	[spmem:s4] =	stream.indirect.scatter.add.f32 [tilespmem:s30], [sflag:$0x3], $0x80, s31, s20, $0xb8;
	[tilespmem:$0x1FF90] =	vst v63  }
0x17d: {  	_ =	swait.ge [sflag:s23], $0x2800  }
0x17e: {  	[sflag:s23] =	ssyncset.done $0x0  }
0x17f: {  	[sflag:s23] =	ssyncadd.s32 $0xFFFFD800  }
0x180: {  	_ =	swait.ge [sflag:s23], $0x2800  }
0x181: {  	s2 =	sshll.u32 s0, $0x6;
	s26 =	sadd.s32 $0x1, s26;
	[sflag:s23] =	ssyncset.done $0x0  }
0x182: {  	s17 =	sshrl.u32 s10, $0x3;
	p0 =	sne.s32 s26, s16;
	[sflag:s23] =	ssyncadd.s32 $0xFFFFD800  }
.Ltmp3:
0x183: {  	s2 =	sor.u32 $0x1C04, s2;
	[bflag:$0x0] =	sbarrier.arrive $0xFFFF;
	(pc) =	sbr.rel @p0 .LBB2_1-.Ltmp3, $4  }
0x184: {  	[hbm:s15], [sflag:s2] =	dma.local [spmem:s17], $0x2710  }
0x185: {  	_ =	swait.ge [sflag:s25], $0x2710  }
0x186: {  	[sflag:s25] =	ssyncset.done $0x0  }
0x187: {  	[sflag:s25] =	ssyncadd.s32 $0xFFFFD8F0  }
0x188: {  	_ =	sfence.sel $0x180000  }
0x189: {  	[bflag:$0x0] =	sbarrier.arrive $0xFFFF  }
0x18a: {  	_ =	strace $0x90000047  }
0x18b: {  	[bflag:$0x2] =	sbarrier.arrive $0xFFFF  }
0x18c: {  	p0 =	sne.s32 s0, $0x0;
	s0 =	rddreg [dreg:$0x5]  }
0x18d: {  	s0 =	sadd.s32 @!p0 $0x100000, s0  }
0x18e: {  	[sflag:s0] =	ssyncadd.tile.s32 @!p0 $0x1;
	_ =	shalt  }
.Lfunc_end2:
_tile_overlayer_lowered:
.L_overlay_start_2:
0x18f: {  	(tag) =	ssettag $0x2  }
0x190: {  	s0 =	rddreg [dreg:$0x0];
	s2 =	stileid.u32  }
0x191: {  	s1 =	rddreg [dreg:$0x1];
	p0 =	sne.s32 s2, $0x0  }
0x192: {  	s3 =	rddreg [dreg:$0x2];
	[bflag:$0x3] =	sbarrier.arrive $0xFFFF;
	s2 =	simm.s32 @!p0 $0x1C04  }
0x193: {  	[timem:s3], [sflag:s2] =	dma.local @!p0 [hbm:s0], s1  }
0x194: {  	s0 =	simm.s32 @!p0 $0x4  }
0x195: {  	_ =	swait.ge @!p0 [sflag:s0], s1  }
0x196: {  	s1 =	ssub.s32 @!p0 $0x0, s1;
	[sflag:s0] =	ssyncset.done @!p0 $0x0  }
0x197: {  	[sflag:s0] =	ssyncadd.s32 @!p0 s1  }
0x198: {  	[bflag:$0x3] =	sbarrier.arrive $0xFFFF  }
0x199: {  	_ =	shalt  }

</sc_bundles>
